<compile_context>
chip_gen: v7x
topology: tpu7x:2x2x1
jax: 0.10.2.dev20260603
libtpu: 0.0.44.dev20260713+nightly
codegen_flags: <defaults>
</compile_context>

<pallas_src>
import jax
import jax.numpy as jnp
from jax import lax
from jax.experimental import pallas as pl
from jax.experimental.pallas import tpu as pltpu
from jax.experimental.pallas import tpu_sc as plsc

_N_TILES = 8
_N_FIBRES = 5000
_NB = _N_TILES * _N_FIBRES
_DUMMY = _NB
_NB_PAD = 40160
_ROWS = 128
_COLS = 20000
_L = 16
_N_WORKERS = 32
_ROWS_PER_W = _ROWS // _N_WORKERS
_UNROLL = 10
_B_LEFT = 1 << 16
_B_RIGHT = 1 << 17


def _sc_body(rows_per_w, pk_hbm, flux_hbm, w_hbm, out_hbm, pk_v, b0, b1, b2,
             acc_v, w_v, si0, si1, si2, so0, so1, so2):
    cid = lax.axis_index("c")
    sid = lax.axis_index("s")
    wid = sid * 2 + cid
    base = wid * rows_per_w

    bufs = [b0, b1, b2]
    sin = [si0, si1, si2]
    sout = [so0, so1, so2]
    hin = [None] * 3
    hout = [None] * 3
    out_waited = [True] * 3

    hin[0] = pltpu.async_copy(flux_hbm.at[base], bufs[0], sin[0])
    pltpu.sync_copy(w_hbm, w_v)
    pltpu.sync_copy(pk_hbm, pk_v)
    w0 = w_v[pl.ds(0, _L)]
    eta = w_v[pl.ds(_L, _L)]
    zeros = jnp.zeros((_L,), jnp.float32)
    dummy = jnp.full((_L,), _DUMMY, jnp.int32)
    kmask = jnp.full((_L,), 0xFFFF, jnp.int32)
    blft = jnp.full((_L,), _B_LEFT, jnp.int32)
    brgt = jnp.full((_L,), _B_RIGHT, jnp.int32)
    zi = jnp.zeros((_L,), jnp.int32)

    @plsc.parallel_loop(0, _NB_PAD, step=_L, unroll=_UNROLL)
    def _zero(o):
        acc_v[pl.ds(o, _L)] = zeros

    for rr in range(rows_per_w):
        b = rr % 3
        row_v = bufs[b]
        hin[b].wait()
        nxt = rr + 1
        if nxt < rows_per_w:
            nb = nxt % 3
            if not out_waited[nb]:
                hout[nb].wait()
                out_waited[nb] = True
            hin[nb] = pltpu.async_copy(flux_hbm.at[base + nxt], bufs[nb],
                                       sin[nb])

        @plsc.parallel_loop(0, _COLS, step=_L, unroll=_UNROLL)
        def _scat(o):
            kv = pk_v[pl.ds(o, _L)] & kmask
            fv = row_v[pl.ds(o, _L)]
            plsc.addupdate_scatter(acc_v, [kv], fv)

        @plsc.parallel_loop(0, _COLS, step=_L, unroll=_UNROLL)
        def _gath(o):
            pv = pk_v[pl.ds(o, _L)]
            kv = pv & kmask
            klv = jnp.where((pv & blft) != zi, dummy, kv - 1)
            krv = jnp.where((pv & brgt) != zi, dummy, kv + 1)
            cen = plsc.load_gather(acc_v, [kv])
            lft = plsc.load_gather(acc_v, [klv])
            rgt = plsc.load_gather(acc_v, [krv])
            row_v[pl.ds(o, _L)] = w0 * cen + eta * (lft + rgt)

        hout[b] = pltpu.async_copy(row_v, out_hbm.at[base + rr], sout[b])
        out_waited[b] = False
        if rr != rows_per_w - 1:
            @plsc.parallel_loop(0, _COLS, step=_L, unroll=_UNROLL)
            def _clear(o):
                kv = pk_v[pl.ds(o, _L)] & kmask
                plsc.store_scatter(acc_v, [kv], zeros)

    for b in range(3):
        if not out_waited[b]:
            hout[b].wait()
            out_waited[b] = True


def kernel(flux, tile_idx, fib_idx, eta):
    input_shape = flux.shape
    flux2 = flux.reshape(-1, flux.shape[-1]) if flux.ndim > 1 else flux[None, :]
    fib = fib_idx.astype(jnp.int32)
    key = tile_idx.astype(jnp.int32) * _N_FIBRES + fib
    pk = (key
          | jnp.where(fib == 0, _B_LEFT, 0)
          | jnp.where(fib == _N_FIBRES - 1, _B_RIGHT, 0))
    eta32 = jnp.asarray(eta, jnp.float32)
    w = jnp.concatenate([
        jnp.full((_L,), 1.0, jnp.float32) - 2.0 * eta32,
        jnp.zeros((_L,), jnp.float32) + eta32,
    ])

    mesh = plsc.VectorSubcoreMesh(core_axis_name="c", subcore_axis_name="s")
    n_split = 2
    rows_call = _ROWS // n_split
    rows_per_w = rows_call // _N_WORKERS
    import functools as _ft
    sc_call = pl.kernel(
        _ft.partial(_sc_body, rows_per_w),
        mesh=mesh,
        compiler_params=pltpu.CompilerParams(needs_layout_passes=False),
        out_type=jax.ShapeDtypeStruct((rows_call, _COLS), jnp.float32),
        scratch_types=[
            pltpu.VMEM((_COLS,), jnp.int32),
            pltpu.VMEM((_COLS,), jnp.float32),
            pltpu.VMEM((_COLS,), jnp.float32),
            pltpu.VMEM((_COLS,), jnp.float32),
            pltpu.VMEM((_NB_PAD,), jnp.float32),
            pltpu.VMEM((2 * _L,), jnp.float32),
            pltpu.SemaphoreType.DMA,
            pltpu.SemaphoreType.DMA,
            pltpu.SemaphoreType.DMA,
            pltpu.SemaphoreType.DMA,
            pltpu.SemaphoreType.DMA,
            pltpu.SemaphoreType.DMA,
        ],
    )
    parts = [
        sc_call(pk, lax.slice_in_dim(flux2, h * rows_call, (h + 1) * rows_call,
                                     axis=0), w)
        for h in range(n_split)
    ]
    out = jnp.concatenate(parts, axis=0)
    return out.reshape(input_shape)

# --- scband reference (transcript-rebuilt; emitter-appended) ---
"""Pipeline reference for scband-cross-talk-18708877541831 (READ-ONLY COPY).

The authoritative reference and input builder live on the scoring server;
editing this copy changes nothing except your own understanding.
"""

import jax, jax.numpy as jnp
import numpy as np

N_TILES = 8
N_FIBRES = 5000

def setup_inputs(seed: int = 0) -> dict:
    key = jax.random.key(seed)
    k1, k2, k3 = jax.random.split(key, 3)
    flux = jax.random.normal(k1, (128, 20000), dtype=jnp.float32)
    tile_idx = jax.random.randint(k2, (20000,), 0, N_TILES, dtype=jnp.int32)
    fib_idx = jax.random.randint(k3, (20000,), 0, N_FIBRES, dtype=jnp.int32)
    eta = jnp.array(0.01, dtype=jnp.float32)
    return {"flux": flux, "tile_idx": tile_idx, "fib_idx": fib_idx, "eta": eta}

def reference(flux, tile_idx, fib_idx, eta):
    input_shape = flux.shape
    flux_2d = flux.reshape(-1, flux.shape[-1]) if flux.ndim > 1 else flux[None, :]

    def process_tile(tile_id, out_flux_acc):
        tile_mask = tile_idx == tile_id
        in_flux_tile = jnp.zeros((flux_2d.shape[0], N_FIBRES), dtype=flux_2d.dtype)
        in_flux_tile = in_flux_tile.at[:, fib_idx].add(jnp.where(tile_mask[None, :], flux_2d, 0.0))
        out_flux_tile = (1 - 2 * eta) * in_flux_tile
        out_flux_tile = out_flux_tile.at[:, 1:].add(eta * in_flux_tile[:, :-1])
        out_flux_tile = out_flux_tile.at[:, :-1].add(eta * in_flux_tile[:, 1:])
        extracted = out_flux_tile[:, fib_idx]
        out_flux_updated = jnp.where(tile_mask[None, :], extracted, out_flux_acc)
        return out_flux_updated

    out_flux_flat = jax.lax.fori_loop(0, N_TILES, process_tile, jnp.zeros_like(flux_2d))
    return out_flux_flat.reshape(input_shape)

if __name__ == "__main__":
    import jax
    _d = setup_inputs()
    print(jax.jit(kernel)(*tuple(_d.values())))

</pallas_src>

<mosaic_0001>
#map = affine_map<(d0, d1) -> (0)>
#map1 = affine_map<(d0, d1) -> (0, 0)>
module attributes {stable_mosaic.version = 14 : i64} {
  func.func @_sc_body(%arg0: i32, %arg1: i32, %arg2: memref<20000xi32, #tpu.memory_space<hbm>>, %arg3: memref<64x20000xf32, #tpu.memory_space<hbm>>, %arg4: memref<32xf32, #tpu.memory_space<hbm>>, %arg5: memref<64x20000xf32, #tpu.memory_space<hbm>>, %arg6: memref<20000xi32, #tpu.memory_space<vmem>>, %arg7: memref<20000xf32, #tpu.memory_space<vmem>>, %arg8: memref<20000xf32, #tpu.memory_space<vmem>>, %arg9: memref<20000xf32, #tpu.memory_space<vmem>>, %arg10: memref<40160xf32, #tpu.memory_space<vmem>>, %arg11: memref<32xf32, #tpu.memory_space<vmem>>, %arg12: memref<!tpu.dma_semaphore, #tpu.memory_space<semaphore_mem>>, %arg13: memref<!tpu.dma_semaphore, #tpu.memory_space<semaphore_mem>>, %arg14: memref<!tpu.dma_semaphore, #tpu.memory_space<semaphore_mem>>, %arg15: memref<!tpu.dma_semaphore, #tpu.memory_space<semaphore_mem>>, %arg16: memref<!tpu.dma_semaphore, #tpu.memory_space<semaphore_mem>>, %arg17: memref<!tpu.dma_semaphore, #tpu.memory_space<semaphore_mem>>) attributes {dimension_semantics = [#tpu.dimension_semantics<core_parallel>, #tpu.dimension_semantics<subcore_parallel>], iteration_bounds = array<i64: 2, 16>, scalar_prefetch = 0 : i64, scratch_operands = 12 : i64, tpu.core_type = #tpu.core_type<sc_vector_subcore>, window_params = [{transform_indices = #map}, {transform_indices = #map1}, {transform_indices = #map}, {transform_indices = #map1}]} {
    %mul3A = arith.constant 2 : i32
    %mul3A_0 = arith.muli %arg1, %mul3A : i32
    %add3A = arith.addi %mul3A_0, %arg0 : i32
    %mul3A_1 = arith.constant 2 : i32
    %mul3A_2 = arith.muli %add3A, %mul3A_1 : i32
    %dma_start3A = arith.constant 0 : i32
    %dma_start3A_3 = tpu.memref_slice %arg3[%mul3A_2, %dma_start3A] : memref<64x20000xf32, #tpu.memory_space<hbm>> -> memref<1x20000xf32, #tpu.memory_space<hbm>>
    %dma_start3A_4 = tpu.memref_squeeze %dma_start3A_3 : memref<1x20000xf32, #tpu.memory_space<hbm>> -> memref<20000xf32, #tpu.memory_space<hbm>>
    %dma_start3A_5 = arith.constant 0 : i32
    %dma_start3A_6 = tpu.memref_slice %arg3[%mul3A_2, %dma_start3A_5] : memref<64x20000xf32, #tpu.memory_space<hbm>> -> memref<1x20000xf32, #tpu.memory_space<hbm>>
    %dma_start3A_7 = tpu.memref_squeeze %dma_start3A_6 : memref<1x20000xf32, #tpu.memory_space<hbm>> -> memref<20000xf32, #tpu.memory_space<hbm>>
    tpu.enqueue_dma source(%dma_start3A_7 : memref<20000xf32, #tpu.memory_space<hbm>>) target(%arg7 : memref<20000xf32, #tpu.memory_space<vmem>>) target_semaphore(%arg12 : memref<!tpu.dma_semaphore, #tpu.memory_space<semaphore_mem>>)
    "tpu.region"() ({
      %run_scoped3A = tpu.sem_alloc : memref<!tpu.dma_semaphore, #tpu.memory_space<semaphore_mem>>
      tpu.enqueue_dma source(%arg4 : memref<32xf32, #tpu.memory_space<hbm>>) target(%arg11 : memref<32xf32, #tpu.memory_space<vmem>>) target_semaphore(%run_scoped3A : memref<!tpu.dma_semaphore, #tpu.memory_space<semaphore_mem>>)
      tpu.wait_dma2 semaphore(%run_scoped3A : memref<!tpu.dma_semaphore, #tpu.memory_space<semaphore_mem>>) src(%arg4 : memref<32xf32, #tpu.memory_space<hbm>>) dst(%arg11 : memref<32xf32, #tpu.memory_space<vmem>>)
      tpu.yield
    }) : () -> ()
    "tpu.region"() ({
      %run_scoped3A = tpu.sem_alloc : memref<!tpu.dma_semaphore, #tpu.memory_space<semaphore_mem>>
      tpu.enqueue_dma source(%arg2 : memref<20000xi32, #tpu.memory_space<hbm>>) target(%arg6 : memref<20000xi32, #tpu.memory_space<vmem>>) target_semaphore(%run_scoped3A : memref<!tpu.dma_semaphore, #tpu.memory_space<semaphore_mem>>)
      tpu.wait_dma2 semaphore(%run_scoped3A : memref<!tpu.dma_semaphore, #tpu.memory_space<semaphore_mem>>) src(%arg2 : memref<20000xi32, #tpu.memory_space<hbm>>) dst(%arg6 : memref<20000xi32, #tpu.memory_space<vmem>>)
      tpu.yield
    }) : () -> ()
    %get3A = arith.constant 0 : index
    %get3A_8 = tpu.vector_load %arg11[%get3A] {strides = array<i32>} : memref<32xf32, #tpu.memory_space<vmem>>, vector<16xf32>,
    %get3A_9 = arith.constant 16 : index
    %get3A_10 = tpu.vector_load %arg11[%get3A_9] {strides = array<i32>} : memref<32xf32, #tpu.memory_space<vmem>>, vector<16xf32>,
    %broadcast_in_dim3A = arith.constant 0.000000e+00 : f32
    %broadcast_in_dim3A_11 = vector.broadcast %broadcast_in_dim3A : f32 to vector<16xf32>
    %broadcast_in_dim3A_12 = arith.constant 40000 : i32
    %broadcast_in_dim3A_13 = vector.broadcast %broadcast_in_dim3A_12 : i32 to vector<16xi32>
    %broadcast_in_dim3A_14 = arith.constant 65535 : i32
    %broadcast_in_dim3A_15 = vector.broadcast %broadcast_in_dim3A_14 : i32 to vector<16xi32>
    %broadcast_in_dim3A_16 = arith.constant 65536 : i32
    %broadcast_in_dim3A_17 = vector.broadcast %broadcast_in_dim3A_16 : i32 to vector<16xi32>
    %broadcast_in_dim3A_18 = arith.constant 131072 : i32
    %broadcast_in_dim3A_19 = vector.broadcast %broadcast_in_dim3A_18 : i32 to vector<16xi32>
    %broadcast_in_dim3A_20 = arith.constant 0 : i32
    %broadcast_in_dim3A_21 = vector.broadcast %broadcast_in_dim3A_20 : i32 to vector<16xi32>
    %parallel_loop3A = arith.constant 0 : i32
    %parallel_loop3A_22 = arith.constant 40160 : i32
    %parallel_loop3A_23 = arith.constant 16 : i32
    scf.for %parallel_loop3A_86 = %parallel_loop3A to %parallel_loop3A_22 step %parallel_loop3A_23  : i32 {
      %parallel_loop3A_87 = arith.index_cast %parallel_loop3A_86 : i32 to index
      %parallel_loop3A_88 = tpu.vector_load %arg10[%parallel_loop3A_87] {strides = array<i32>} : memref<40160xf32, #tpu.memory_space<vmem>>, vector<16xf32>,
      tpu.vector_store %arg10[%parallel_loop3A_87], %broadcast_in_dim3A_11 {strides = array<i32>} : memref<40160xf32, #tpu.memory_space<vmem>>, vector<16xf32>,
    } {sc.loop_unroll_factor = 10 : i64, sc.parallel_access}
    %dma_wait3A = arith.constant 0 : i32
    %dma_wait3A_24 = tpu.memref_slice %arg3[%mul3A_2, %dma_wait3A] : memref<64x20000xf32, #tpu.memory_space<hbm>> -> memref<1x20000xf32, #tpu.memory_space<hbm>>
    %dma_wait3A_25 = tpu.memref_squeeze %dma_wait3A_24 : memref<1x20000xf32, #tpu.memory_space<hbm>> -> memref<20000xf32, #tpu.memory_space<hbm>>
    %dma_wait3A_26 = arith.constant 0 : i32
    %dma_wait3A_27 = tpu.memref_slice %arg3[%mul3A_2, %dma_wait3A_26] : memref<64x20000xf32, #tpu.memory_space<hbm>> -> memref<1x20000xf32, #tpu.memory_space<hbm>>
    %dma_wait3A_28 = tpu.memref_squeeze %dma_wait3A_27 : memref<1x20000xf32, #tpu.memory_space<hbm>> -> memref<20000xf32, #tpu.memory_space<hbm>>
    tpu.wait_dma2 semaphore(%arg12 : memref<!tpu.dma_semaphore, #tpu.memory_space<semaphore_mem>>) src(%dma_wait3A_28 : memref<20000xf32, #tpu.memory_space<hbm>>) dst(%arg7 : memref<20000xf32, #tpu.memory_space<vmem>>)
    %add3A_29 = arith.constant 1 : i32
    %add3A_30 = arith.addi %mul3A_2, %add3A_29 : i32
    %dma_start3A_31 = arith.constant 0 : i32
    %dma_start3A_32 = tpu.memref_slice %arg3[%add3A_30, %dma_start3A_31] : memref<64x20000xf32, #tpu.memory_space<hbm>> -> memref<1x20000xf32, #tpu.memory_space<hbm>>
    %dma_start3A_33 = tpu.memref_squeeze %dma_start3A_32 : memref<1x20000xf32, #tpu.memory_space<hbm>> -> memref<20000xf32, #tpu.memory_space<hbm>>
    %dma_start3A_34 = arith.constant 0 : i32
    %dma_start3A_35 = tpu.memref_slice %arg3[%add3A_30, %dma_start3A_34] : memref<64x20000xf32, #tpu.memory_space<hbm>> -> memref<1x20000xf32, #tpu.memory_space<hbm>>
    %dma_start3A_36 = tpu.memref_squeeze %dma_start3A_35 : memref<1x20000xf32, #tpu.memory_space<hbm>> -> memref<20000xf32, #tpu.memory_space<hbm>>
    tpu.enqueue_dma source(%dma_start3A_36 : memref<20000xf32, #tpu.memory_space<hbm>>) target(%arg8 : memref<20000xf32, #tpu.memory_space<vmem>>) target_semaphore(%arg13 : memref<!tpu.dma_semaphore, #tpu.memory_space<semaphore_mem>>)
    %parallel_loop3A_37 = arith.constant 0 : i32
    %parallel_loop3A_38 = arith.constant 20000 : i32
    %parallel_loop3A_39 = arith.constant 16 : i32
    scf.for %parallel_loop3A_86 = %parallel_loop3A_37 to %parallel_loop3A_38 step %parallel_loop3A_39  : i32 {
      %parallel_loop3A_87 = arith.index_cast %parallel_loop3A_86 : i32 to index
      %parallel_loop3A_88 = tpu.vector_load %arg6[%parallel_loop3A_87] {strides = array<i32>} : memref<20000xi32, #tpu.memory_space<vmem>>, vector<16xi32>,
      %parallel_loop3A_89 = arith.andi %parallel_loop3A_88, %broadcast_in_dim3A_15 : vector<16xi32>
      %parallel_loop3A_90 = arith.index_cast %parallel_loop3A_86 : i32 to index
      %parallel_loop3A_91 = tpu.vector_load %arg7[%parallel_loop3A_90] {strides = array<i32>} : memref<20000xf32, #tpu.memory_space<vmem>>, vector<16xf32>,
      tpu.vector_store_idx %arg10[%parallel_loop3A_89], %parallel_loop3A_91 {add = true} : memref<40160xf32, #tpu.memory_space<vmem>>[vector<16xi32>], vector<16xf32>,
    } {sc.loop_unroll_factor = 10 : i64, sc.parallel_access}
    %parallel_loop3A_40 = arith.constant 0 : i32
    %parallel_loop3A_41 = arith.constant 20000 : i32
    %parallel_loop3A_42 = arith.constant 16 : i32
    scf.for %parallel_loop3A_86 = %parallel_loop3A_40 to %parallel_loop3A_41 step %parallel_loop3A_42  : i32 {
      %parallel_loop3A_87 = arith.index_cast %parallel_loop3A_86 : i32 to index
      %parallel_loop3A_88 = tpu.vector_load %arg6[%parallel_loop3A_87] {strides = array<i32>} : memref<20000xi32, #tpu.memory_space<vmem>>, vector<16xi32>,
      %parallel_loop3A_89 = arith.andi %parallel_loop3A_88, %broadcast_in_dim3A_15 : vector<16xi32>
      %parallel_loop3A_90 = arith.andi %parallel_loop3A_88, %broadcast_in_dim3A_17 : vector<16xi32>
      %parallel_loop3A_91 = arith.cmpi ne, %parallel_loop3A_90, %broadcast_in_dim3A_21 : vector<16xi32>
      %parallel_loop3A_92 = arith.constant 1 : i32
      %parallel_loop3A_93 = vector.broadcast %parallel_loop3A_92 : i32 to vector<16xi32>
      %parallel_loop3A_94 = arith.subi %parallel_loop3A_89, %parallel_loop3A_93 : vector<16xi32>
      %parallel_loop3A_95 = arith.select %parallel_loop3A_91, %broadcast_in_dim3A_13, %parallel_loop3A_94 : vector<16xi1>, vector<16xi32>
      %parallel_loop3A_96 = arith.andi %parallel_loop3A_88, %broadcast_in_dim3A_19 : vector<16xi32>
      %parallel_loop3A_97 = arith.cmpi ne, %parallel_loop3A_96, %broadcast_in_dim3A_21 : vector<16xi32>
      %parallel_loop3A_98 = arith.constant 1 : i32
      %parallel_loop3A_99 = vector.broadcast %parallel_loop3A_98 : i32 to vector<16xi32>
      %parallel_loop3A_100 = arith.addi %parallel_loop3A_89, %parallel_loop3A_99 : vector<16xi32>
      %parallel_loop3A_101 = arith.select %parallel_loop3A_97, %broadcast_in_dim3A_13, %parallel_loop3A_100 : vector<16xi1>, vector<16xi32>
      %parallel_loop3A_102 = tpu.vector_load_idx %arg10[%parallel_loop3A_89] : memref<40160xf32, #tpu.memory_space<vmem>>[vector<16xi32>], vector<16xf32>,
      %parallel_loop3A_103 = tpu.vector_load_idx %arg10[%parallel_loop3A_95] : memref<40160xf32, #tpu.memory_space<vmem>>[vector<16xi32>], vector<16xf32>,
      %parallel_loop3A_104 = tpu.vector_load_idx %arg10[%parallel_loop3A_101] : memref<40160xf32, #tpu.memory_space<vmem>>[vector<16xi32>], vector<16xf32>,
      %parallel_loop3A_105 = arith.mulf %get3A_8, %parallel_loop3A_102 : vector<16xf32>
      %parallel_loop3A_106 = arith.addf %parallel_loop3A_103, %parallel_loop3A_104 : vector<16xf32>
      %parallel_loop3A_107 = arith.mulf %get3A_10, %parallel_loop3A_106 : vector<16xf32>
      %parallel_loop3A_108 = arith.addf %parallel_loop3A_105, %parallel_loop3A_107 : vector<16xf32>
      %parallel_loop3A_109 = arith.index_cast %parallel_loop3A_86 : i32 to index
      %parallel_loop3A_110 = tpu.vector_load %arg7[%parallel_loop3A_109] {strides = array<i32>} : memref<20000xf32, #tpu.memory_space<vmem>>, vector<16xf32>,
      tpu.vector_store %arg7[%parallel_loop3A_109], %parallel_loop3A_108 {strides = array<i32>} : memref<20000xf32, #tpu.memory_space<vmem>>, vector<16xf32>,
    } {sc.loop_unroll_factor = 10 : i64, sc.parallel_access}
    %add3A_43 = arith.constant 0 : i32
    %add3A_44 = arith.addi %mul3A_2, %add3A_43 : i32
    %dma_start3A_45 = arith.constant 0 : i32
    %dma_start3A_46 = tpu.memref_slice %arg5[%add3A_44, %dma_start3A_45] : memref<64x20000xf32, #tpu.memory_space<hbm>> -> memref<1x20000xf32, #tpu.memory_space<hbm>>
    %dma_start3A_47 = tpu.memref_squeeze %dma_start3A_46 : memref<1x20000xf32, #tpu.memory_space<hbm>> -> memref<20000xf32, #tpu.memory_space<hbm>>
    %dma_start3A_48 = arith.constant 0 : i32
    %dma_start3A_49 = tpu.memref_slice %arg5[%add3A_44, %dma_start3A_48] : memref<64x20000xf32, #tpu.memory_space<hbm>> -> memref<1x20000xf32, #tpu.memory_space<hbm>>
    %dma_start3A_50 = tpu.memref_squeeze %dma_start3A_49 : memref<1x20000xf32, #tpu.memory_space<hbm>> -> memref<20000xf32, #tpu.memory_space<hbm>>
    tpu.enqueue_dma source(%arg7 : memref<20000xf32, #tpu.memory_space<vmem>>) target(%dma_start3A_50 : memref<20000xf32, #tpu.memory_space<hbm>>) target_semaphore(%arg15 : memref<!tpu.dma_semaphore, #tpu.memory_space<semaphore_mem>>)
    %parallel_loop3A_51 = arith.constant 0 : i32
    %parallel_loop3A_52 = arith.constant 20000 : i32
    %parallel_loop3A_53 = arith.constant 16 : i32
    scf.for %parallel_loop3A_86 = %parallel_loop3A_51 to %parallel_loop3A_52 step %parallel_loop3A_53  : i32 {
      %parallel_loop3A_87 = arith.index_cast %parallel_loop3A_86 : i32 to index
      %parallel_loop3A_88 = tpu.vector_load %arg6[%parallel_loop3A_87] {strides = array<i32>} : memref<20000xi32, #tpu.memory_space<vmem>>, vector<16xi32>,
      %parallel_loop3A_89 = arith.andi %parallel_loop3A_88, %broadcast_in_dim3A_15 : vector<16xi32>
      tpu.vector_store_idx %arg10[%parallel_loop3A_89], %broadcast_in_dim3A_11 : memref<40160xf32, #tpu.memory_space<vmem>>[vector<16xi32>], vector<16xf32>,
    } {sc.loop_unroll_factor = 10 : i64, sc.parallel_access}
    %dma_wait3A_54 = arith.constant 0 : i32
    %dma_wait3A_55 = tpu.memref_slice %arg3[%add3A_30, %dma_wait3A_54] : memref<64x20000xf32, #tpu.memory_space<hbm>> -> memref<1x20000xf32, #tpu.memory_space<hbm>>
    %dma_wait3A_56 = tpu.memref_squeeze %dma_wait3A_55 : memref<1x20000xf32, #tpu.memory_space<hbm>> -> memref<20000xf32, #tpu.memory_space<hbm>>
    %dma_wait3A_57 = arith.constant 0 : i32
    %dma_wait3A_58 = tpu.memref_slice %arg3[%add3A_30, %dma_wait3A_57] : memref<64x20000xf32, #tpu.memory_space<hbm>> -> memref<1x20000xf32, #tpu.memory_space<hbm>>
    %dma_wait3A_59 = tpu.memref_squeeze %dma_wait3A_58 : memref<1x20000xf32, #tpu.memory_space<hbm>> -> memref<20000xf32, #tpu.memory_space<hbm>>
    tpu.wait_dma2 semaphore(%arg13 : memref<!tpu.dma_semaphore, #tpu.memory_space<semaphore_mem>>) src(%dma_wait3A_59 : memref<20000xf32, #tpu.memory_space<hbm>>) dst(%arg8 : memref<20000xf32, #tpu.memory_space<vmem>>)
    %parallel_loop3A_60 = arith.constant 0 : i32
    %parallel_loop3A_61 = arith.constant 20000 : i32
    %parallel_loop3A_62 = arith.constant 16 : i32
    scf.for %parallel_loop3A_86 = %parallel_loop3A_60 to %parallel_loop3A_61 step %parallel_loop3A_62  : i32 {
      %parallel_loop3A_87 = arith.index_cast %parallel_loop3A_86 : i32 to index
      %parallel_loop3A_88 = tpu.vector_load %arg6[%parallel_loop3A_87] {strides = array<i32>} : memref<20000xi32, #tpu.memory_space<vmem>>, vector<16xi32>,
      %parallel_loop3A_89 = arith.andi %parallel_loop3A_88, %broadcast_in_dim3A_15 : vector<16xi32>
      %parallel_loop3A_90 = arith.index_cast %parallel_loop3A_86 : i32 to index
      %parallel_loop3A_91 = tpu.vector_load %arg8[%parallel_loop3A_90] {strides = array<i32>} : memref<20000xf32, #tpu.memory_space<vmem>>, vector<16xf32>,
      tpu.vector_store_idx %arg10[%parallel_loop3A_89], %parallel_loop3A_91 {add = true} : memref<40160xf32, #tpu.memory_space<vmem>>[vector<16xi32>], vector<16xf32>,
    } {sc.loop_unroll_factor = 10 : i64, sc.parallel_access}
    %parallel_loop3A_63 = arith.constant 0 : i32
    %parallel_loop3A_64 = arith.constant 20000 : i32
    %parallel_loop3A_65 = arith.constant 16 : i32
    scf.for %parallel_loop3A_86 = %parallel_loop3A_63 to %parallel_loop3A_64 step %parallel_loop3A_65  : i32 {
      %parallel_loop3A_87 = arith.index_cast %parallel_loop3A_86 : i32 to index
      %parallel_loop3A_88 = tpu.vector_load %arg6[%parallel_loop3A_87] {strides = array<i32>} : memref<20000xi32, #tpu.memory_space<vmem>>, vector<16xi32>,
      %parallel_loop3A_89 = arith.andi %parallel_loop3A_88, %broadcast_in_dim3A_15 : vector<16xi32>
      %parallel_loop3A_90 = arith.andi %parallel_loop3A_88, %broadcast_in_dim3A_17 : vector<16xi32>
      %parallel_loop3A_91 = arith.cmpi ne, %parallel_loop3A_90, %broadcast_in_dim3A_21 : vector<16xi32>
      %parallel_loop3A_92 = arith.constant 1 : i32
      %parallel_loop3A_93 = vector.broadcast %parallel_loop3A_92 : i32 to vector<16xi32>
      %parallel_loop3A_94 = arith.subi %parallel_loop3A_89, %parallel_loop3A_93 : vector<16xi32>
      %parallel_loop3A_95 = arith.select %parallel_loop3A_91, %broadcast_in_dim3A_13, %parallel_loop3A_94 : vector<16xi1>, vector<16xi32>
      %parallel_loop3A_96 = arith.andi %parallel_loop3A_88, %broadcast_in_dim3A_19 : vector<16xi32>
      %parallel_loop3A_97 = arith.cmpi ne, %parallel_loop3A_96, %broadcast_in_dim3A_21 : vector<16xi32>
      %parallel_loop3A_98 = arith.constant 1 : i32
      %parallel_loop3A_99 = vector.broadcast %parallel_loop3A_98 : i32 to vector<16xi32>
      %parallel_loop3A_100 = arith.addi %parallel_loop3A_89, %parallel_loop3A_99 : vector<16xi32>
      %parallel_loop3A_101 = arith.select %parallel_loop3A_97, %broadcast_in_dim3A_13, %parallel_loop3A_100 : vector<16xi1>, vector<16xi32>
      %parallel_loop3A_102 = tpu.vector_load_idx %arg10[%parallel_loop3A_89] : memref<40160xf32, #tpu.memory_space<vmem>>[vector<16xi32>], vector<16xf32>,
      %parallel_loop3A_103 = tpu.vector_load_idx %arg10[%parallel_loop3A_95] : memref<40160xf32, #tpu.memory_space<vmem>>[vector<16xi32>], vector<16xf32>,
      %parallel_loop3A_104 = tpu.vector_load_idx %arg10[%parallel_loop3A_101] : memref<40160xf32, #tpu.memory_space<vmem>>[vector<16xi32>], vector<16xf32>,
      %parallel_loop3A_105 = arith.mulf %get3A_8, %parallel_loop3A_102 : vector<16xf32>
      %parallel_loop3A_106 = arith.addf %parallel_loop3A_103, %parallel_loop3A_104 : vector<16xf32>
      %parallel_loop3A_107 = arith.mulf %get3A_10, %parallel_loop3A_106 : vector<16xf32>
      %parallel_loop3A_108 = arith.addf %parallel_loop3A_105, %parallel_loop3A_107 : vector<16xf32>
      %parallel_loop3A_109 = arith.index_cast %parallel_loop3A_86 : i32 to index
      %parallel_loop3A_110 = tpu.vector_load %arg8[%parallel_loop3A_109] {strides = array<i32>} : memref<20000xf32, #tpu.memory_space<vmem>>, vector<16xf32>,
      tpu.vector_store %arg8[%parallel_loop3A_109], %parallel_loop3A_108 {strides = array<i32>} : memref<20000xf32, #tpu.memory_space<vmem>>, vector<16xf32>,
    } {sc.loop_unroll_factor = 10 : i64, sc.parallel_access}
    %add3A_66 = arith.constant 1 : i32
    %add3A_67 = arith.addi %mul3A_2, %add3A_66 : i32
    %dma_start3A_68 = arith.constant 0 : i32
    %dma_start3A_69 = tpu.memref_slice %arg5[%add3A_67, %dma_start3A_68] : memref<64x20000xf32, #tpu.memory_space<hbm>> -> memref<1x20000xf32, #tpu.memory_space<hbm>>
    %dma_start3A_70 = tpu.memref_squeeze %dma_start3A_69 : memref<1x20000xf32, #tpu.memory_space<hbm>> -> memref<20000xf32, #tpu.memory_space<hbm>>
    %dma_start3A_71 = arith.constant 0 : i32
    %dma_start3A_72 = tpu.memref_slice %arg5[%add3A_67, %dma_start3A_71] : memref<64x20000xf32, #tpu.memory_space<hbm>> -> memref<1x20000xf32, #tpu.memory_space<hbm>>
    %dma_start3A_73 = tpu.memref_squeeze %dma_start3A_72 : memref<1x20000xf32, #tpu.memory_space<hbm>> -> memref<20000xf32, #tpu.memory_space<hbm>>
    tpu.enqueue_dma source(%arg8 : memref<20000xf32, #tpu.memory_space<vmem>>) target(%dma_start3A_73 : memref<20000xf32, #tpu.memory_space<hbm>>) target_semaphore(%arg16 : memref<!tpu.dma_semaphore, #tpu.memory_space<semaphore_mem>>)
    %dma_wait3A_74 = arith.constant 0 : i32
    %dma_wait3A_75 = tpu.memref_slice %arg5[%add3A_44, %dma_wait3A_74] : memref<64x20000xf32, #tpu.memory_space<hbm>> -> memref<1x20000xf32, #tpu.memory_space<hbm>>
    %dma_wait3A_76 = tpu.memref_squeeze %dma_wait3A_75 : memref<1x20000xf32, #tpu.memory_space<hbm>> -> memref<20000xf32, #tpu.memory_space<hbm>>
    %dma_wait3A_77 = arith.constant 0 : i32
    %dma_wait3A_78 = tpu.memref_slice %arg5[%add3A_44, %dma_wait3A_77] : memref<64x20000xf32, #tpu.memory_space<hbm>> -> memref<1x20000xf32, #tpu.memory_space<hbm>>
    %dma_wait3A_79 = tpu.memref_squeeze %dma_wait3A_78 : memref<1x20000xf32, #tpu.memory_space<hbm>> -> memref<20000xf32, #tpu.memory_space<hbm>>
    tpu.wait_dma2 semaphore(%arg15 : memref<!tpu.dma_semaphore, #tpu.memory_space<semaphore_mem>>) src(%arg7 : memref<20000xf32, #tpu.memory_space<vmem>>) dst(%dma_wait3A_79 : memref<20000xf32, #tpu.memory_space<hbm>>)
    %dma_wait3A_80 = arith.constant 0 : i32
    %dma_wait3A_81 = tpu.memref_slice %arg5[%add3A_67, %dma_wait3A_80] : memref<64x20000xf32, #tpu.memory_space<hbm>> -> memref<1x20000xf32, #tpu.memory_space<hbm>>
    %dma_wait3A_82 = tpu.memref_squeeze %dma_wait3A_81 : memref<1x20000xf32, #tpu.memory_space<hbm>> -> memref<20000xf32, #tpu.memory_space<hbm>>
    %dma_wait3A_83 = arith.constant 0 : i32
    %dma_wait3A_84 = tpu.memref_slice %arg5[%add3A_67, %dma_wait3A_83] : memref<64x20000xf32, #tpu.memory_space<hbm>> -> memref<1x20000xf32, #tpu.memory_space<hbm>>
    %dma_wait3A_85 = tpu.memref_squeeze %dma_wait3A_84 : memref<1x20000xf32, #tpu.memory_space<hbm>> -> memref<20000xf32, #tpu.memory_space<hbm>>
    tpu.wait_dma2 semaphore(%arg16 : memref<!tpu.dma_semaphore, #tpu.memory_space<semaphore_mem>>) src(%arg8 : memref<20000xf32, #tpu.memory_space<vmem>>) dst(%dma_wait3A_85 : memref<20000xf32, #tpu.memory_space<hbm>>)
    return
  }
}

#map = affine_map<(d0, d1) -> (0)>
#map1 = affine_map<(d0, d1) -> (0, 0)>
module attributes {stable_mosaic.version = 14 : i64} {
  func.func @_sc_body(%arg0: i32, %arg1: i32, %arg2: memref<20000xi32, #tpu.memory_space<hbm>>, %arg3: memref<64x20000xf32, #tpu.memory_space<hbm>>, %arg4: memref<32xf32, #tpu.memory_space<hbm>>, %arg5: memref<64x20000xf32, #tpu.memory_space<hbm>>, %arg6: memref<20000xi32, #tpu.memory_space<vmem>>, %arg7: memref<20000xf32, #tpu.memory_space<vmem>>, %arg8: memref<20000xf32, #tpu.memory_space<vmem>>, %arg9: memref<20000xf32, #tpu.memory_space<vmem>>, %arg10: memref<40160xf32, #tpu.memory_space<vmem>>, %arg11: memref<32xf32, #tpu.memory_space<vmem>>, %arg12: memref<!tpu.dma_semaphore, #tpu.memory_space<semaphore_mem>>, %arg13: memref<!tpu.dma_semaphore, #tpu.memory_space<semaphore_mem>>, %arg14: memref<!tpu.dma_semaphore, #tpu.memory_space<semaphore_mem>>, %arg15: memref<!tpu.dma_semaphore, #tpu.memory_space<semaphore_mem>>, %arg16: memref<!tpu.dma_semaphore, #tpu.memory_space<semaphore_mem>>, %arg17: memref<!tpu.dma_semaphore, #tpu.memory_space<semaphore_mem>>) attributes {dimension_semantics = [#tpu.dimension_semantics<core_parallel>, #tpu.dimension_semantics<subcore_parallel>], iteration_bounds = array<i64: 2, 16>, scalar_prefetch = 0 : i64, scratch_operands = 12 : i64, tpu.core_type = #tpu.core_type<sc_vector_subcore>, window_params = [{transform_indices = #map}, {transform_indices = #map1}, {transform_indices = #map}, {transform_indices = #map1}]} {
    %mul3A = arith.constant 2 : i32
    %mul3A_0 = arith.muli %arg1, %mul3A : i32
    %add3A = arith.addi %mul3A_0, %arg0 : i32
    %mul3A_1 = arith.constant 2 : i32
    %mul3A_2 = arith.muli %add3A, %mul3A_1 : i32
    %dma_start3A = arith.constant 0 : i32
    %dma_start3A_3 = tpu.memref_slice %arg3[%mul3A_2, %dma_start3A] : memref<64x20000xf32, #tpu.memory_space<hbm>> -> memref<1x20000xf32, #tpu.memory_space<hbm>>
    %dma_start3A_4 = tpu.memref_squeeze %dma_start3A_3 : memref<1x20000xf32, #tpu.memory_space<hbm>> -> memref<20000xf32, #tpu.memory_space<hbm>>
    %dma_start3A_5 = arith.constant 0 : i32
    %dma_start3A_6 = tpu.memref_slice %arg3[%mul3A_2, %dma_start3A_5] : memref<64x20000xf32, #tpu.memory_space<hbm>> -> memref<1x20000xf32, #tpu.memory_space<hbm>>
    %dma_start3A_7 = tpu.memref_squeeze %dma_start3A_6 : memref<1x20000xf32, #tpu.memory_space<hbm>> -> memref<20000xf32, #tpu.memory_space<hbm>>
    tpu.enqueue_dma source(%dma_start3A_7 : memref<20000xf32, #tpu.memory_space<hbm>>) target(%arg7 : memref<20000xf32, #tpu.memory_space<vmem>>) target_semaphore(%arg12 : memref<!tpu.dma_semaphore, #tpu.memory_space<semaphore_mem>>)
    "tpu.region"() ({
      %run_scoped3A = tpu.sem_alloc : memref<!tpu.dma_semaphore, #tpu.memory_space<semaphore_mem>>
      tpu.enqueue_dma source(%arg4 : memref<32xf32, #tpu.memory_space<hbm>>) target(%arg11 : memref<32xf32, #tpu.memory_space<vmem>>) target_semaphore(%run_scoped3A : memref<!tpu.dma_semaphore, #tpu.memory_space<semaphore_mem>>)
      tpu.wait_dma2 semaphore(%run_scoped3A : memref<!tpu.dma_semaphore, #tpu.memory_space<semaphore_mem>>) src(%arg4 : memref<32xf32, #tpu.memory_space<hbm>>) dst(%arg11 : memref<32xf32, #tpu.memory_space<vmem>>)
      tpu.yield
    }) : () -> ()
    "tpu.region"() ({
      %run_scoped3A = tpu.sem_alloc : memref<!tpu.dma_semaphore, #tpu.memory_space<semaphore_mem>>
      tpu.enqueue_dma source(%arg2 : memref<20000xi32, #tpu.memory_space<hbm>>) target(%arg6 : memref<20000xi32, #tpu.memory_space<vmem>>) target_semaphore(%run_scoped3A : memref<!tpu.dma_semaphore, #tpu.memory_space<semaphore_mem>>)
      tpu.wait_dma2 semaphore(%run_scoped3A : memref<!tpu.dma_semaphore, #tpu.memory_space<semaphore_mem>>) src(%arg2 : memref<20000xi32, #tpu.memory_space<hbm>>) dst(%arg6 : memref<20000xi32, #tpu.memory_space<vmem>>)
      tpu.yield
    }) : () -> ()
    %get3A = arith.constant 0 : index
    %get3A_8 = tpu.vector_load %arg11[%get3A] {strides = array<i32>} : memref<32xf32, #tpu.memory_space<vmem>>, vector<16xf32>,
    %get3A_9 = arith.constant 16 : index
    %get3A_10 = tpu.vector_load %arg11[%get3A_9] {strides = array<i32>} : memref<32xf32, #tpu.memory_space<vmem>>, vector<16xf32>,
    %broadcast_in_dim3A = arith.constant 0.000000e+00 : f32
    %broadcast_in_dim3A_11 = vector.broadcast %broadcast_in_dim3A : f32 to vector<16xf32>
    %broadcast_in_dim3A_12 = arith.constant 40000 : i32
    %broadcast_in_dim3A_13 = vector.broadcast %broadcast_in_dim3A_12 : i32 to vector<16xi32>
    %broadcast_in_dim3A_14 = arith.constant 65535 : i32
    %broadcast_in_dim3A_15 = vector.broadcast %broadcast_in_dim3A_14 : i32 to vector<16xi32>
    %broadcast_in_dim3A_16 = arith.constant 65536 : i32
    %broadcast_in_dim3A_17 = vector.broadcast %broadcast_in_dim3A_16 : i32 to vector<16xi32>
    %broadcast_in_dim3A_18 = arith.constant 131072 : i32
    %broadcast_in_dim3A_19 = vector.broadcast %broadcast_in_dim3A_18 : i32 to vector<16xi32>
    %broadcast_in_dim3A_20 = arith.constant 0 : i32
    %broadcast_in_dim3A_21 = vector.broadcast %broadcast_in_dim3A_20 : i32 to vector<16xi32>
    %parallel_loop3A = arith.constant 0 : i32
    %parallel_loop3A_22 = arith.constant 40160 : i32
    %parallel_loop3A_23 = arith.constant 16 : i32
    scf.for %parallel_loop3A_86 = %parallel_loop3A to %parallel_loop3A_22 step %parallel_loop3A_23  : i32 {
      %parallel_loop3A_87 = arith.index_cast %parallel_loop3A_86 : i32 to index
      %parallel_loop3A_88 = tpu.vector_load %arg10[%parallel_loop3A_87] {strides = array<i32>} : memref<40160xf32, #tpu.memory_space<vmem>>, vector<16xf32>,
      tpu.vector_store %arg10[%parallel_loop3A_87], %broadcast_in_dim3A_11 {strides = array<i32>} : memref<40160xf32, #tpu.memory_space<vmem>>, vector<16xf32>,
    } {sc.loop_unroll_factor = 10 : i64, sc.parallel_access}
    %dma_wait3A = arith.constant 0 : i32
    %dma_wait3A_24 = tpu.memref_slice %arg3[%mul3A_2, %dma_wait3A] : memref<64x20000xf32, #tpu.memory_space<hbm>> -> memref<1x20000xf32, #tpu.memory_space<hbm>>
    %dma_wait3A_25 = tpu.memref_squeeze %dma_wait3A_24 : memref<1x20000xf32, #tpu.memory_space<hbm>> -> memref<20000xf32, #tpu.memory_space<hbm>>
    %dma_wait3A_26 = arith.constant 0 : i32
    %dma_wait3A_27 = tpu.memref_slice %arg3[%mul3A_2, %dma_wait3A_26] : memref<64x20000xf32, #tpu.memory_space<hbm>> -> memref<1x20000xf32, #tpu.memory_space<hbm>>
    %dma_wait3A_28 = tpu.memref_squeeze %dma_wait3A_27 : memref<1x20000xf32, #tpu.memory_space<hbm>> -> memref<20000xf32, #tpu.memory_space<hbm>>
    tpu.wait_dma2 semaphore(%arg12 : memref<!tpu.dma_semaphore, #tpu.memory_space<semaphore_mem>>) src(%dma_wait3A_28 : memref<20000xf32, #tpu.memory_space<hbm>>) dst(%arg7 : memref<20000xf32, #tpu.memory_space<vmem>>)
    %add3A_29 = arith.constant 1 : i32
    %add3A_30 = arith.addi %mul3A_2, %add3A_29 : i32
    %dma_start3A_31 = arith.constant 0 : i32
    %dma_start3A_32 = tpu.memref_slice %arg3[%add3A_30, %dma_start3A_31] : memref<64x20000xf32, #tpu.memory_space<hbm>> -> memref<1x20000xf32, #tpu.memory_space<hbm>>
    %dma_start3A_33 = tpu.memref_squeeze %dma_start3A_32 : memref<1x20000xf32, #tpu.memory_space<hbm>> -> memref<20000xf32, #tpu.memory_space<hbm>>
    %dma_start3A_34 = arith.constant 0 : i32
    %dma_start3A_35 = tpu.memref_slice %arg3[%add3A_30, %dma_start3A_34] : memref<64x20000xf32, #tpu.memory_space<hbm>> -> memref<1x20000xf32, #tpu.memory_space<hbm>>
    %dma_start3A_36 = tpu.memref_squeeze %dma_start3A_35 : memref<1x20000xf32, #tpu.memory_space<hbm>> -> memref<20000xf32, #tpu.memory_space<hbm>>
    tpu.enqueue_dma source(%dma_start3A_36 : memref<20000xf32, #tpu.memory_space<hbm>>) target(%arg8 : memref<20000xf32, #tpu.memory_space<vmem>>) target_semaphore(%arg13 : memref<!tpu.dma_semaphore, #tpu.memory_space<semaphore_mem>>)
    %parallel_loop3A_37 = arith.constant 0 : i32
    %parallel_loop3A_38 = arith.constant 20000 : i32
    %parallel_loop3A_39 = arith.constant 16 : i32
    scf.for %parallel_loop3A_86 = %parallel_loop3A_37 to %parallel_loop3A_38 step %parallel_loop3A_39  : i32 {
      %parallel_loop3A_87 = arith.index_cast %parallel_loop3A_86 : i32 to index
      %parallel_loop3A_88 = tpu.vector_load %arg6[%parallel_loop3A_87] {strides = array<i32>} : memref<20000xi32, #tpu.memory_space<vmem>>, vector<16xi32>,
      %parallel_loop3A_89 = arith.andi %parallel_loop3A_88, %broadcast_in_dim3A_15 : vector<16xi32>
      %parallel_loop3A_90 = arith.index_cast %parallel_loop3A_86 : i32 to index
      %parallel_loop3A_91 = tpu.vector_load %arg7[%parallel_loop3A_90] {strides = array<i32>} : memref<20000xf32, #tpu.memory_space<vmem>>, vector<16xf32>,
      tpu.vector_store_idx %arg10[%parallel_loop3A_89], %parallel_loop3A_91 {add = true} : memref<40160xf32, #tpu.memory_space<vmem>>[vector<16xi32>], vector<16xf32>,
    } {sc.loop_unroll_factor = 10 : i64, sc.parallel_access}
    %parallel_loop3A_40 = arith.constant 0 : i32
    %parallel_loop3A_41 = arith.constant 20000 : i32
    %parallel_loop3A_42 = arith.constant 16 : i32
    scf.for %parallel_loop3A_86 = %parallel_loop3A_40 to %parallel_loop3A_41 step %parallel_loop3A_42  : i32 {
      %parallel_loop3A_87 = arith.index_cast %parallel_loop3A_86 : i32 to index
      %parallel_loop3A_88 = tpu.vector_load %arg6[%parallel_loop3A_87] {strides = array<i32>} : memref<20000xi32, #tpu.memory_space<vmem>>, vector<16xi32>,
      %parallel_loop3A_89 = arith.andi %parallel_loop3A_88, %broadcast_in_dim3A_15 : vector<16xi32>
      %parallel_loop3A_90 = arith.andi %parallel_loop3A_88, %broadcast_in_dim3A_17 : vector<16xi32>
      %parallel_loop3A_91 = arith.cmpi ne, %parallel_loop3A_90, %broadcast_in_dim3A_21 : vector<16xi32>
      %parallel_loop3A_92 = arith.constant 1 : i32
      %parallel_loop3A_93 = vector.broadcast %parallel_loop3A_92 : i32 to vector<16xi32>
      %parallel_loop3A_94 = arith.subi %parallel_loop3A_89, %parallel_loop3A_93 : vector<16xi32>
      %parallel_loop3A_95 = arith.select %parallel_loop3A_91, %broadcast_in_dim3A_13, %parallel_loop3A_94 : vector<16xi1>, vector<16xi32>
      %parallel_loop3A_96 = arith.andi %parallel_loop3A_88, %broadcast_in_dim3A_19 : vector<16xi32>
      %parallel_loop3A_97 = arith.cmpi ne, %parallel_loop3A_96, %broadcast_in_dim3A_21 : vector<16xi32>
      %parallel_loop3A_98 = arith.constant 1 : i32
      %parallel_loop3A_99 = vector.broadcast %parallel_loop3A_98 : i32 to vector<16xi32>
      %parallel_loop3A_100 = arith.addi %parallel_loop3A_89, %parallel_loop3A_99 : vector<16xi32>
      %parallel_loop3A_101 = arith.select %parallel_loop3A_97, %broadcast_in_dim3A_13, %parallel_loop3A_100 : vector<16xi1>, vector<16xi32>
      %parallel_loop3A_102 = tpu.vector_load_idx %arg10[%parallel_loop3A_89] : memref<40160xf32, #tpu.memory_space<vmem>>[vector<16xi32>], vector<16xf32>,
      %parallel_loop3A_103 = tpu.vector_load_idx %arg10[%parallel_loop3A_95] : memref<40160xf32, #tpu.memory_space<vmem>>[vector<16xi32>], vector<16xf32>,
      %parallel_loop3A_104 = tpu.vector_load_idx %arg10[%parallel_loop3A_101] : memref<40160xf32, #tpu.memory_space<vmem>>[vector<16xi32>], vector<16xf32>,
      %parallel_loop3A_105 = arith.mulf %get3A_8, %parallel_loop3A_102 : vector<16xf32>
      %parallel_loop3A_106 = arith.addf %parallel_loop3A_103, %parallel_loop3A_104 : vector<16xf32>
      %parallel_loop3A_107 = arith.mulf %get3A_10, %parallel_loop3A_106 : vector<16xf32>
      %parallel_loop3A_108 = arith.addf %parallel_loop3A_105, %parallel_loop3A_107 : vector<16xf32>
      %parallel_loop3A_109 = arith.index_cast %parallel_loop3A_86 : i32 to index
      %parallel_loop3A_110 = tpu.vector_load %arg7[%parallel_loop3A_109] {strides = array<i32>} : memref<20000xf32, #tpu.memory_space<vmem>>, vector<16xf32>,
      tpu.vector_store %arg7[%parallel_loop3A_109], %parallel_loop3A_108 {strides = array<i32>} : memref<20000xf32, #tpu.memory_space<vmem>>, vector<16xf32>,
    } {sc.loop_unroll_factor = 10 : i64, sc.parallel_access}
    %add3A_43 = arith.constant 0 : i32
    %add3A_44 = arith.addi %mul3A_2, %add3A_43 : i32
    %dma_start3A_45 = arith.constant 0 : i32
    %dma_start3A_46 = tpu.memref_slice %arg5[%add3A_44, %dma_start3A_45] : memref<64x20000xf32, #tpu.memory_space<hbm>> -> memref<1x20000xf32, #tpu.memory_space<hbm>>
    %dma_start3A_47 = tpu.memref_squeeze %dma_start3A_46 : memref<1x20000xf32, #tpu.memory_space<hbm>> -> memref<20000xf32, #tpu.memory_space<hbm>>
    %dma_start3A_48 = arith.constant 0 : i32
    %dma_start3A_49 = tpu.memref_slice %arg5[%add3A_44, %dma_start3A_48] : memref<64x20000xf32, #tpu.memory_space<hbm>> -> memref<1x20000xf32, #tpu.memory_space<hbm>>
    %dma_start3A_50 = tpu.memref_squeeze %dma_start3A_49 : memref<1x20000xf32, #tpu.memory_space<hbm>> -> memref<20000xf32, #tpu.memory_space<hbm>>
    tpu.enqueue_dma source(%arg7 : memref<20000xf32, #tpu.memory_space<vmem>>) target(%dma_start3A_50 : memref<20000xf32, #tpu.memory_space<hbm>>) target_semaphore(%arg15 : memref<!tpu.dma_semaphore, #tpu.memory_space<semaphore_mem>>)
    %parallel_loop3A_51 = arith.constant 0 : i32
    %parallel_loop3A_52 = arith.constant 20000 : i32
    %parallel_loop3A_53 = arith.constant 16 : i32
    scf.for %parallel_loop3A_86 = %parallel_loop3A_51 to %parallel_loop3A_52 step %parallel_loop3A_53  : i32 {
      %parallel_loop3A_87 = arith.index_cast %parallel_loop3A_86 : i32 to index
      %parallel_loop3A_88 = tpu.vector_load %arg6[%parallel_loop3A_87] {strides = array<i32>} : memref<20000xi32, #tpu.memory_space<vmem>>, vector<16xi32>,
      %parallel_loop3A_89 = arith.andi %parallel_loop3A_88, %broadcast_in_dim3A_15 : vector<16xi32>
      tpu.vector_store_idx %arg10[%parallel_loop3A_89], %broadcast_in_dim3A_11 : memref<40160xf32, #tpu.memory_space<vmem>>[vector<16xi32>], vector<16xf32>,
    } {sc.loop_unroll_factor = 10 : i64, sc.parallel_access}
    %dma_wait3A_54 = arith.constant 0 : i32
    %dma_wait3A_55 = tpu.memref_slice %arg3[%add3A_30, %dma_wait3A_54] : memref<64x20000xf32, #tpu.memory_space<hbm>> -> memref<1x20000xf32, #tpu.memory_space<hbm>>
    %dma_wait3A_56 = tpu.memref_squeeze %dma_wait3A_55 : memref<1x20000xf32, #tpu.memory_space<hbm>> -> memref<20000xf32, #tpu.memory_space<hbm>>
    %dma_wait3A_57 = arith.constant 0 : i32
    %dma_wait3A_58 = tpu.memref_slice %arg3[%add3A_30, %dma_wait3A_57] : memref<64x20000xf32, #tpu.memory_space<hbm>> -> memref<1x20000xf32, #tpu.memory_space<hbm>>
    %dma_wait3A_59 = tpu.memref_squeeze %dma_wait3A_58 : memref<1x20000xf32, #tpu.memory_space<hbm>> -> memref<20000xf32, #tpu.memory_space<hbm>>
    tpu.wait_dma2 semaphore(%arg13 : memref<!tpu.dma_semaphore, #tpu.memory_space<semaphore_mem>>) src(%dma_wait3A_59 : memref<20000xf32, #tpu.memory_space<hbm>>) dst(%arg8 : memref<20000xf32, #tpu.memory_space<vmem>>)
    %parallel_loop3A_60 = arith.constant 0 : i32
    %parallel_loop3A_61 = arith.constant 20000 : i32
    %parallel_loop3A_62 = arith.constant 16 : i32
    scf.for %parallel_loop3A_86 = %parallel_loop3A_60 to %parallel_loop3A_61 step %parallel_loop3A_62  : i32 {
      %parallel_loop3A_87 = arith.index_cast %parallel_loop3A_86 : i32 to index
      %parallel_loop3A_88 = tpu.vector_load %arg6[%parallel_loop3A_87] {strides = array<i32>} : memref<20000xi32, #tpu.memory_space<vmem>>, vector<16xi32>,
      %parallel_loop3A_89 = arith.andi %parallel_loop3A_88, %broadcast_in_dim3A_15 : vector<16xi32>
      %parallel_loop3A_90 = arith.index_cast %parallel_loop3A_86 : i32 to index
      %parallel_loop3A_91 = tpu.vector_load %arg8[%parallel_loop3A_90] {strides = array<i32>} : memref<20000xf32, #tpu.memory_space<vmem>>, vector<16xf32>,
      tpu.vector_store_idx %arg10[%parallel_loop3A_89], %parallel_loop3A_91 {add = true} : memref<40160xf32, #tpu.memory_space<vmem>>[vector<16xi32>], vector<16xf32>,
    } {sc.loop_unroll_factor = 10 : i64, sc.parallel_access}
    %parallel_loop3A_63 = arith.constant 0 : i32
    %parallel_loop3A_64 = arith.constant 20000 : i32
    %parallel_loop3A_65 = arith.constant 16 : i32
    scf.for %parallel_loop3A_86 = %parallel_loop3A_63 to %parallel_loop3A_64 step %parallel_loop3A_65  : i32 {
      %parallel_loop3A_87 = arith.index_cast %parallel_loop3A_86 : i32 to index
      %parallel_loop3A_88 = tpu.vector_load %arg6[%parallel_loop3A_87] {strides = array<i32>} : memref<20000xi32, #tpu.memory_space<vmem>>, vector<16xi32>,
      %parallel_loop3A_89 = arith.andi %parallel_loop3A_88, %broadcast_in_dim3A_15 : vector<16xi32>
      %parallel_loop3A_90 = arith.andi %parallel_loop3A_88, %broadcast_in_dim3A_17 : vector<16xi32>
      %parallel_loop3A_91 = arith.cmpi ne, %parallel_loop3A_90, %broadcast_in_dim3A_21 : vector<16xi32>
      %parallel_loop3A_92 = arith.constant 1 : i32
      %parallel_loop3A_93 = vector.broadcast %parallel_loop3A_92 : i32 to vector<16xi32>
      %parallel_loop3A_94 = arith.subi %parallel_loop3A_89, %parallel_loop3A_93 : vector<16xi32>
      %parallel_loop3A_95 = arith.select %parallel_loop3A_91, %broadcast_in_dim3A_13, %parallel_loop3A_94 : vector<16xi1>, vector<16xi32>
      %parallel_loop3A_96 = arith.andi %parallel_loop3A_88, %broadcast_in_dim3A_19 : vector<16xi32>
      %parallel_loop3A_97 = arith.cmpi ne, %parallel_loop3A_96, %broadcast_in_dim3A_21 : vector<16xi32>
      %parallel_loop3A_98 = arith.constant 1 : i32
      %parallel_loop3A_99 = vector.broadcast %parallel_loop3A_98 : i32 to vector<16xi32>
      %parallel_loop3A_100 = arith.addi %parallel_loop3A_89, %parallel_loop3A_99 : vector<16xi32>
      %parallel_loop3A_101 = arith.select %parallel_loop3A_97, %broadcast_in_dim3A_13, %parallel_loop3A_100 : vector<16xi1>, vector<16xi32>
      %parallel_loop3A_102 = tpu.vector_load_idx %arg10[%parallel_loop3A_89] : memref<40160xf32, #tpu.memory_space<vmem>>[vector<16xi32>], vector<16xf32>,
      %parallel_loop3A_103 = tpu.vector_load_idx %arg10[%parallel_loop3A_95] : memref<40160xf32, #tpu.memory_space<vmem>>[vector<16xi32>], vector<16xf32>,
      %parallel_loop3A_104 = tpu.vector_load_idx %arg10[%parallel_loop3A_101] : memref<40160xf32, #tpu.memory_space<vmem>>[vector<16xi32>], vector<16xf32>,
      %parallel_loop3A_105 = arith.mulf %get3A_8, %parallel_loop3A_102 : vector<16xf32>
      %parallel_loop3A_106 = arith.addf %parallel_loop3A_103, %parallel_loop3A_104 : vector<16xf32>
      %parallel_loop3A_107 = arith.mulf %get3A_10, %parallel_loop3A_106 : vector<16xf32>
      %parallel_loop3A_108 = arith.addf %parallel_loop3A_105, %parallel_loop3A_107 : vector<16xf32>
      %parallel_loop3A_109 = arith.index_cast %parallel_loop3A_86 : i32 to index
      %parallel_loop3A_110 = tpu.vector_load %arg8[%parallel_loop3A_109] {strides = array<i32>} : memref<20000xf32, #tpu.memory_space<vmem>>, vector<16xf32>,
      tpu.vector_store %arg8[%parallel_loop3A_109], %parallel_loop3A_108 {strides = array<i32>} : memref<20000xf32, #tpu.memory_space<vmem>>, vector<16xf32>,
    } {sc.loop_unroll_factor = 10 : i64, sc.parallel_access}
    %add3A_66 = arith.constant 1 : i32
    %add3A_67 = arith.addi %mul3A_2, %add3A_66 : i32
    %dma_start3A_68 = arith.constant 0 : i32
    %dma_start3A_69 = tpu.memref_slice %arg5[%add3A_67, %dma_start3A_68] : memref<64x20000xf32, #tpu.memory_space<hbm>> -> memref<1x20000xf32, #tpu.memory_space<hbm>>
    %dma_start3A_70 = tpu.memref_squeeze %dma_start3A_69 : memref<1x20000xf32, #tpu.memory_space<hbm>> -> memref<20000xf32, #tpu.memory_space<hbm>>
    %dma_start3A_71 = arith.constant 0 : i32
    %dma_start3A_72 = tpu.memref_slice %arg5[%add3A_67, %dma_start3A_71] : memref<64x20000xf32, #tpu.memory_space<hbm>> -> memref<1x20000xf32, #tpu.memory_space<hbm>>
    %dma_start3A_73 = tpu.memref_squeeze %dma_start3A_72 : memref<1x20000xf32, #tpu.memory_space<hbm>> -> memref<20000xf32, #tpu.memory_space<hbm>>
    tpu.enqueue_dma source(%arg8 : memref<20000xf32, #tpu.memory_space<vmem>>) target(%dma_start3A_73 : memref<20000xf32, #tpu.memory_space<hbm>>) target_semaphore(%arg16 : memref<!tpu.dma_semaphore, #tpu.memory_space<semaphore_mem>>)
    %dma_wait3A_74 = arith.constant 0 : i32
    %dma_wait3A_75 = tpu.memref_slice %arg5[%add3A_44, %dma_wait3A_74] : memref<64x20000xf32, #tpu.memory_space<hbm>> -> memref<1x20000xf32, #tpu.memory_space<hbm>>
    %dma_wait3A_76 = tpu.memref_squeeze %dma_wait3A_75 : memref<1x20000xf32, #tpu.memory_space<hbm>> -> memref<20000xf32, #tpu.memory_space<hbm>>
    %dma_wait3A_77 = arith.constant 0 : i32
    %dma_wait3A_78 = tpu.memref_slice %arg5[%add3A_44, %dma_wait3A_77] : memref<64x20000xf32, #tpu.memory_space<hbm>> -> memref<1x20000xf32, #tpu.memory_space<hbm>>
    %dma_wait3A_79 = tpu.memref_squeeze %dma_wait3A_78 : memref<1x20000xf32, #tpu.memory_space<hbm>> -> memref<20000xf32, #tpu.memory_space<hbm>>
    tpu.wait_dma2 semaphore(%arg15 : memref<!tpu.dma_semaphore, #tpu.memory_space<semaphore_mem>>) src(%arg7 : memref<20000xf32, #tpu.memory_space<vmem>>) dst(%dma_wait3A_79 : memref<20000xf32, #tpu.memory_space<hbm>>)
    %dma_wait3A_80 = arith.constant 0 : i32
    %dma_wait3A_81 = tpu.memref_slice %arg5[%add3A_67, %dma_wait3A_80] : memref<64x20000xf32, #tpu.memory_space<hbm>> -> memref<1x20000xf32, #tpu.memory_space<hbm>>
    %dma_wait3A_82 = tpu.memref_squeeze %dma_wait3A_81 : memref<1x20000xf32, #tpu.memory_space<hbm>> -> memref<20000xf32, #tpu.memory_space<hbm>>
    %dma_wait3A_83 = arith.constant 0 : i32
    %dma_wait3A_84 = tpu.memref_slice %arg5[%add3A_67, %dma_wait3A_83] : memref<64x20000xf32, #tpu.memory_space<hbm>> -> memref<1x20000xf32, #tpu.memory_space<hbm>>
    %dma_wait3A_85 = tpu.memref_squeeze %dma_wait3A_84 : memref<1x20000xf32, #tpu.memory_space<hbm>> -> memref<20000xf32, #tpu.memory_space<hbm>>
    tpu.wait_dma2 semaphore(%arg16 : memref<!tpu.dma_semaphore, #tpu.memory_space<semaphore_mem>>) src(%arg8 : memref<20000xf32, #tpu.memory_space<vmem>>) dst(%dma_wait3A_85 : memref<20000xf32, #tpu.memory_space<hbm>>)
    return
  }
}

</mosaic_0001>

<sc_bundles>
// kernel: kernel.4.cloned.1.call-start
scs
__scs_entry_jumppad:
0x0: {  	(pc) =	sbr.rel $0x88, $3  }
0x1: {  	(tag) =	ssettag $0x0;
	lr =	simm.s32 $0x1  }
0x2: {  	[smem:$0x3F9D] =	sst lr;
	_ =	strace $0xD0000000  }
0x3: {  	_ = 	snop  }
0x4: {  	_ = 	snop  }
0x5: {  	_ = 	snop  }
0x6: {  	_ = 	snop  }
0x7: {  	_ = 	snop  }
__scs_overlays_trampoline_lowered:
0x8: {  	[smem:$0x3FAC] =	sst s0  }
0x9: {  	[smem:$0x3FAD] =	sst s1  }
0xa: {  	[smem:$0x3FAE] =	sst s2  }
0xb: {  	[smem:$0x3FAF] =	sst s3  }
0xc: {  	[smem:$0x3FB0] =	sst s4  }
0xd: {  	[smem:$0x3FB1] =	sst s5  }
0xe: {  	[smem:$0x3FB2] =	sst s6  }
0xf: {  	[smem:$0x3FB3] =	sst s7  }
0x10: {  	[smem:$0x3FB4] =	sst s8  }
0x11: {  	[smem:$0x3FB5] =	sst s9;
	s0 =	simm.s32 @!p0 $0x0  }
0x12: {  	s1 =	sld [smem:$0x3F9B];
	s0 =	simm.s32 @p0 $0x1  }
0x13: {  	[smem:$0x3FB6] =	sst s0;
	s0 =	simm.s32 @!p1 $0x0  }
0x14: {  	s2 =	sld [smem:$0x3F9A];
	s0 =	simm.s32 @p1 $0x1  }
0x15: {  	[smem:$0x3FB7] =	sst s0;
	s0 =	simm.s32 @!p2 $0x0  }
0x16: {  	s3 =	sld [smem:$0x3FDB];
	s0 =	simm.s32 @p2 $0x1  }
0x17: {  	s4 =	simm.s32 $0x1BF5;
	[smem:$0x3FB9] =	sst s0  }
0x18: {  	s0 =	sld [smem:$0x3F9C];
	_ =	swait.ge [sflag:s4], $0x0  }
0x19: {  	s7 =	sld [smem:$0x3F9D]  }
0x1a: {  	s8 =	sadd.s32 $0xFFFFE003, lr  }
0x1b: {  	s9 =	sadd.s32 $0xFFFFFEF7, lr;
	s5 =	simm.s32 $0xFFFFFFFF;
	p2 =	slt.u32 s8, $0xFFFFF086  }
0x1c: {  	p1 =	slt.u32 s9, $0xF7A;
	s5 =	simm.s32 @!p2 $0x0  }
0x1d: {  	s5 =	simm.s32 @p1 $0x1;
	p0 =	seq.s32 s7, s2  }
0x1e: {  	s7 =	smul.u32 @!p0 $0xF7A, s2;
	p2 =	seq.s32 @!p0 s5, $0x0  }
0x1f: {  	s9 =	smul.u32 $0xF7A, s1;
	s8 =	simm.s32 @!p0 $0x1BF5;
	p2 =	por !p2, p0  }
0x20: {  	[sflag:s8] =	ssyncset.s32 @!p0 $0xFFFFF086;
	s6 =	sadd.s32 @!p0 s3, s7;
	s7 =	simm.s32 @!p0 $0x108  }
0x21: {  	s3 =	sadd.s32 s3, s9;
	s6 =	sadd.s32 @!p0 $0x88, s6;
	s7 =	simm.s32 @p2 $0x1082  }
0x22: {  	[simem:s7], [sflag:s8] =	dma.local @!p0 [hbm:s6], $0xF7A  }
0x23: {  	s9 =	sor.u32 $0xD0000000, s2;
	s6 =	simm.s32 $0x108;
	_ =	swait.ge @!p0 [sflag:s8], $0x0  }
0x24: {  	s3 =	sadd.s32 $0x88, s3;
	s6 =	simm.s32 @!p1 $0x1082;
	[sflag:s4] =	ssyncset.s32 $0xFFFFF086  }
0x25: {  	[simem:s6], [sflag:s4] =	dma.local [hbm:s3], $0xF7A  }
0x26: {  	[smem:$0x3F9D] =	sst s1;
	(tag) =	ssettag s2;
	_ =	strace s9  }
0x27: {  	s1 =	sld [smem:$0x3FAD]  }
0x28: {  	s2 =	sld [smem:$0x3FAE]  }
0x29: {  	s4 =	sld [smem:$0x3FB0]  }
0x2a: {  	p0 =	seq.s32 s5, $0x0;
	s5 =	sld [smem:$0x3FB1]  }
0x2b: {  	s6 =	sld [smem:$0x3FB2]  }
0x2c: {  	s7 =	sld [smem:$0x3FB3]  }
0x2d: {  	s3 =	simm.s32 $0x108;
	s8 =	sld [smem:$0x3FB4]  }
0x2e: {  	s3 =	simm.s32 @!p0 $0x1082;
	s9 =	sld [smem:$0x3FB5]  }
0x2f: {  	lr =	sadd.s32 s0, s3;
	s0 =	sld [smem:$0x3FAC]  }
0x30: {  	s3 =	sld [smem:$0x3FAF]  }
0x31: {  	[smem:$0x3FB8] =	sst s10  }
0x32: {  	s10 =	sld [smem:$0x3FB6];
	_ =	sdelay $0x3  }
0x33: {  	p0 =	seq.s32 s10, $0x1;
	s10 =	sld [smem:$0x3FB8];
	_ =	sdelay $0x3  }
0x34: {  	[smem:$0x3FB8] =	sst s10  }
0x35: {  	s10 =	sld [smem:$0x3FB7];
	_ =	sdelay $0x3  }
0x36: {  	p1 =	seq.s32 s10, $0x1;
	s10 =	sld [smem:$0x3FB8];
	_ =	sdelay $0x3  }
0x37: {  	[smem:$0x3FB8] =	sst s10  }
0x38: {  	s10 =	sld [smem:$0x3FB9]  }
0x39: {  	_ = 	snop;
	(pc) =	sbr.ind lr, $3  }
0x3a: {  	_ = 	snop  }
0x3b: {  	_ = 	snop  }
0x3c: {  	p2 =	seq.s32 s10, $0x1;
	s10 =	sld [smem:$0x3FB8]  }
0x3d: {  	_ =	shalt  }
0x3e: {  	_ =	shalt  }
0x3f: {  	_ =	shalt  }
0x40: {  	_ =	shalt  }
0x41: {  	_ =	shalt  }
0x42: {  	_ =	shalt  }
0x43: {  	_ =	shalt  }
0x44: {  	_ =	shalt  }
0x45: {  	_ =	shalt  }
0x46: {  	_ =	shalt  }
0x47: {  	_ =	shalt  }
0x48: {  	_ =	shalt  }
0x49: {  	_ =	shalt  }
0x4a: {  	_ =	shalt  }
0x4b: {  	_ =	shalt  }
0x4c: {  	_ =	shalt  }
0x4d: {  	_ =	shalt  }
0x4e: {  	_ =	shalt  }
0x4f: {  	_ =	shalt  }
0x50: {  	_ =	shalt  }
0x51: {  	_ =	shalt  }
0x52: {  	_ =	shalt  }
0x53: {  	_ =	shalt  }
0x54: {  	_ =	shalt  }
0x55: {  	_ =	shalt  }
0x56: {  	_ =	shalt  }
0x57: {  	_ =	shalt  }
0x58: {  	_ =	shalt  }
0x59: {  	_ =	shalt  }
0x5a: {  	_ =	shalt  }
0x5b: {  	_ =	shalt  }
0x5c: {  	_ =	shalt  }
0x5d: {  	_ =	shalt  }
0x5e: {  	_ =	shalt  }
0x5f: {  	_ =	shalt  }
0x60: {  	_ =	shalt  }
0x61: {  	_ =	shalt  }
0x62: {  	_ =	shalt  }
0x63: {  	_ =	shalt  }
0x64: {  	_ =	shalt  }
0x65: {  	_ =	shalt  }
0x66: {  	_ =	shalt  }
0x67: {  	_ =	shalt  }
0x68: {  	_ =	shalt  }
0x69: {  	_ =	shalt  }
0x6a: {  	_ =	shalt  }
0x6b: {  	_ =	shalt  }
0x6c: {  	_ =	shalt  }
0x6d: {  	_ =	shalt  }
0x6e: {  	_ =	shalt  }
0x6f: {  	_ =	shalt  }
0x70: {  	_ =	shalt  }
0x71: {  	_ =	shalt  }
0x72: {  	_ =	shalt  }
0x73: {  	_ =	shalt  }
0x74: {  	_ =	shalt  }
0x75: {  	_ =	shalt  }
0x76: {  	_ =	shalt  }
0x77: {  	_ =	shalt  }
0x78: {  	_ =	shalt  }
0x79: {  	_ =	shalt  }
0x7a: {  	_ =	shalt  }
0x7b: {  	_ =	shalt  }
0x7c: {  	_ =	shalt  }
0x7d: {  	_ =	shalt  }
0x7e: {  	_ =	shalt  }
0x7f: {  	_ =	shalt  }
0x80: {  	_ =	shalt  }
0x81: {  	_ =	shalt  }
0x82: {  	_ =	shalt  }
0x83: {  	_ =	shalt  }
0x84: {  	_ =	shalt  }
0x85: {  	_ =	shalt  }
0x86: {  	_ =	shalt  }
0x87: {  	_ =	shalt  }
.Lfunc_end0:
.L_simem_size_0:
called_computation_lowered:
.L_overlay_start_0:
0x88: {  	s2 =	sld [smem:$0x3FD9]  }
0x89: {  	s3 =	sld [smem:$0x3FFE];
	_ =	sdelay $0x1  }
0x8a: {  	s1 =	srdreg.scid  }
0x8b: {  	s0 =	sand.u32 $0x1, s1  }
0x8c: {  	s16 =	sshll.u32 s0, $0xA;
	s2 =	sadd.s32 s3, s2  }
0x8d: {  	s2 =	sadd.s32 s2, s16  }
0x8e: {  	[smem:$0x3FC4] =	sst s2  }
0x8f: {  	_ = 	snop  }
0x90: {  	(tm) =	ssettm $0x1  }
0x91: {  	s17 =	sld [smem:$0x3FFB];
	_ =	sdelay $0x3  }
0x92: {  	_ =	strace s17  }
0x93: {  	s2 =	sld [smem:$0x3FFC];
	_ =	sdelay $0x3  }
0x94: {  	_ =	strace s2  }
0x95: {  	s2 =	sld [smem:$0x3FFD];
	_ =	sdelay $0x3  }
0x96: {  	_ =	strace s2  }
0x97: {  	_ =	strace $0x8FFFFFFF  }
0x98: {  	s18 =	sld [smem:$0x3FDB];
	_ =	sdelay $0x1  }
0x99: {  	s19 =	simm.s32 $_scs_section_size  }
0x9a: {  	s4 =	simm.s32 $_size__tile_overlayer_lowered;
	s5 =	simm.s32 $_tile_overlayer_lowered  }
0x9b: {  	s22 =	simm.s32 $0x1BFF;
	s21 =	sshll.u32 s5, $0x1;
	s2 =	sadd.s32 s19, s18  }
0x9c: {  	s6 =	simm.s32 $0x0;
	s20 =	sshll.u32 s4, $0x1;
	s4 =	sadd.s32 s21, s2  }
0x9d: {  	[timem:s6], [sflag:s22] =	dma.local [hbm:s4], s20  }
0x9e: {  	_ =	swait.ge [sflag:s22], s20  }
0x9f: {  	s3 =	ssub.s32 $0x0, s20;
	[sflag:s22] =	ssyncset.done $0x0  }
0xa0: {  	[sflag:s22] =	ssyncadd.s32 s3;
	_ =	sdelay $0x1  }
0xa1: {  	s23 =	simm.s32 $0x1B8B  }
0xa2: {  	_ =	swait.ge [sflag:s23], $0x1  }
0xa3: {  	[sflag:s23] =	ssyncset.done $0x0  }
0xa4: {  	s25 =	simm.s32 $0x1B8E;
	s24 =	sld [smem:$0x3FFE];
	[sflag:s23] =	ssyncadd.s32 $0xFFFFFFFF  }
0xa5: {  	s26 =	simm.s32 $execute0_lowered;
	[smem:$0x3FD2] =	sst s25  }
0xa6: {  	s4 =	sshll.u32 s26, $0x1;
	_ =	strace $0x80000046;
	[dreg:$0x1] =	wrdreg $0xFFFFFFFF  }
0xa7: {  	s28 =	simm.s32 $_size_execute0_lowered;
	s2 =	sadd.s32 s2, s4;
	[dreg:$0x0] =	wrdreg $0x0  }
0xa8: {  	s4 =	sshll.u32 s28, $0x1;
	[dreg:$0x2] =	wrdreg s2  }
0xa9: {  	[dreg:$0x3] =	wrdreg s4  }
0xaa: {  	[dreg:$0x4] =	wrdreg $0xC0  }
0xab: {  	_ =	task [dreg:s6], $0x5FFFF  }
0xac: {  	[dreg:$0x1] =	wrdreg $0xFFFFFFFF  }
0xad: {  	[dreg:$0x0] =	wrdreg $0x60  }
0xae: {  	[dreg:$0x2] =	wrdreg s24  }
0xaf: {  	[dreg:$0x3] =	wrdreg $0x9  }
0xb0: {  	_ =	task.clear_ibuf [dreg:s6], $0x4FFFF;
	_ =	strace $0x90000046  }
0xb1: {  	s29 =	simm.s32 $0x9;
	_ =	strace $0x80000048  }
0xb2: {  	_ =	swait.ge [sflag:s29], $0x1  }
0xb3: {  	[sflag:s29] =	ssyncadd.s32 $0xFFFFFFFF  }
0xb4: {  	_ =	strace $0x90000048  }
0xb5: {  	_ =	sfence  }
0xb6: {  	s30 =	sld [smem:$0x0];
	_ =	sdelay $0x2  }
0xb7: {  	s31 =	sshll.u32 s1, $0xD;
	s1 =	sshrl.u32 s1, $0x2  }
0xb8: {  	s3 =	sand.u32 $0x4000, s31;
	s1 =	sadd.s32 s1, s30  }
0xb9: {  	s0 =	sor.u32 s3, s0;
	s1 =	sshll.u32 s1, $0x11  }
0xba: {  	s0 =	sor.u32 s1, s0  }
0xbb: {  	s0 =	sadd.s32 $0x8F2B, s0  }
0xbc: {  	[sflag:s0] =	ssyncadd.remote.s32 $0x1  }
0xbd: {  	_ =	sfence.sel $0xFFFF  }
0xbe: {  	[dreg:$0x0] =	wrdreg $0xFFFFFFFF;
	(pc) =	sbr.abs _section_cstart, $3  }
0xbf: {  	[dreg:$0x1] =	wrdreg $0xFFFFFFFF  }
0xc0: {  	_ =	task.clear_ibuf [dreg:s6], $0x2FFFF;
	_ =	strace $0x9FFFFFFF  }
0xc1: {  	(tm) =	ssettm $0x7FFFFFFF  }
tec
execute0_lowered:
.L_overlay_start_1:
0x0: {  	(tag) =	ssettag $0x1  }
0x1: {  	s5 =	rddreg [dreg:$0x0]  }
0x2: {  	s0 =	rddreg [dreg:$0x1]  }
0x3: {  	s2 =	simm.s32 $0x0;
	s3 =	srdreg.scid;
	s1 =	stileid.u32  }
0x4: {  	s12 =	simm.s32 $0x4E80;
	s13 =	simm.s32 $0x18880;
	s14 =	simm.s32 $0x5  }
0x5: {  	s15 =	simm.s32 $0x1;
	s16 =	simm.s32 $0x9D00;
	s17 =	simm.s32 $0xEB80  }
0x6: {  	s18 =	simm.s32 $0x2;
	s19 =	simm.s32 $0x3;
	s20 =	simm.s32 $0x4  }
0x7: {  	s21 =	simm.s32 $0x0;
	[smem:$0x7FF] =	sst s2;
	s6 =	sand.u32 $0x1, s3  }
0x8: {  	s30 =	sshll.u32 s1, $0x9;
	s4 =	sshrl.u32 s1, $0x1;
	s8 =	sadd.s32 $0x1000, s5  }
0x9: {  	s7 =	sshll.u32 s6, $0x8;
	s4 =	smul.u32 $0x27400, s4;
	s3 =	sand.u32 $0x200, s30  }
0xa: {  	s9 =	sadd.s32 $0x28E00, s5;
	_ =	strace $0x80000047;
	s7 =	sor.u32 s7, s3  }
0xb: {  	s6 =	ssub.s32 $0x2, s6;
	s3 =	sadd.s32 $0x28400, s5;
	s7 =	sor.u32 s4, s7  }
0xc: {  	s31 =	sshrl.u32 s6, $0x1;
	s4 =	sadd.s32 $0xE00, s5;
	s7 =	sshrl.u32 s7, $0x3  }
0xd: {  	s11 =	ssub.s32 s6, s31;
	s10 =	sor.u32 $0x10, s7;
	s5 =	sadd.s32 s8, s7  }
0xe: {  	s7 =	sadd.s32 s9, s7;
	s6 =	sadd.s32 s8, s10;
	s8 =	sadd.s32 s9, s10  }
0xf: {  	v0 =	vimm.f32 $0.0e+00;
	s9 =	smax.u32 s11, $0x1;
	s10 =	simm.s32 $0x80;
	s11 =	simm.s32 $0x400  }
.LBB2_1:
0x10: {  	[tilespmem:s12], [sflag:$0x1] =	stream.strided.gather [hbm4b:s5+s10], $0x4E80, s11, s10, $0x38;
	[tilespmem:$0x18900] =	vst v63  }
0x11: {  	_ = 	snop  }
0x12: {  	[tilespmem:s13], [sflag:$0x5] =	stream.linear.gather [hbm4b:s4+s2], $0x80, $0x38;
	[tilespmem:$0x18900] =	vst v63  }
0x13: {  	_ =	swait.ge [sflag:s14], $0x80  }
0x14: {  	[sflag:s14] =	ssyncset.done $0x0  }
0x15: {  	[sflag:s14] =	ssyncadd.s32 $0xFFFFFF80  }
0x16: {  	[tilespmem:s2], [sflag:$0x5] =	stream.linear.gather [hbm4b:s3+s2], $0x4E80, $0x38;
	[tilespmem:$0x18900] =	vst v63  }
0x17: {  	_ =	swait.ge [sflag:s14], $0x4E80  }
0x18: {  	[sflag:s14] =	ssyncset.done $0x0  }
0x19: {  	[sflag:s14] =	ssyncadd.s32 $0xFFFFB180  }
0x1a: {  	s22 =	simm.s32 $0xEBD0;
	s23 =	simm.s32 $0x0;
	v1 =	vld [tilespmem:$0x18880]  }
0x1b: {  	s24 =	sand.u32 $0xFFE0, s23;
	v2 =	vld [tilespmem:$0x18890];
	[tilespmem:s22+$0x40] =	vst v0  }
0x1c: {  	[tilespmem:s24+$0xEC00] =	vst v0  }
0x1d: {  	[tilespmem:s22+$0x20] =	vst v0  }
0x1e: {  	[tilespmem:s22+$0x10] =	vst v0  }
0x1f: {  	[tilespmem:s22+$0x0] =	vst v0  }
0x20: {  	[tilespmem:s22+$0xFFFFFFF0] =	vst v0  }
0x21: {  	[tilespmem:s22+$0xFFFFFFE0] =	vst v0  }
0x22: {  	[tilespmem:s22+$0xFFFFFFD0] =	vst v0  }
0x23: {  	[tilespmem:s22+$0xFFFFFFC0] =	vst v0  }
.LBB2_2:
0x24: {  	s23 =	sadd.s32 $0xA0, s23;
	[tilespmem:s22+$0xFFFFFFB0] =	vst v0;
	s22 =	sadd.s32 $0xA0, s22  }
0x25: {  	s24 =	sand.u32 $0xFFE0, s23;
	[tilespmem:s22+$0x40] =	vst v0;
	p0 =	slt.u32 s23, $0x9C40  }
0x26: {  	[tilespmem:s24+$0xEC00] =	vst v0  }
0x27: {  	[tilespmem:s22+$0x20] =	vst v0  }
0x28: {  	[tilespmem:s22+$0x10] =	vst v0  }
.Ltmp0:
0x29: {  	[tilespmem:s22+$0x0] =	vst v0;
	(pc) =	sbr.rel @p0 .LBB2_2-.Ltmp0, $4  }
0x2a: {  	[tilespmem:s22+$0xFFFFFFF0] =	vst v0  }
0x2b: {  	[tilespmem:s22+$0xFFFFFFE0] =	vst v0  }
0x2c: {  	[tilespmem:s22+$0xFFFFFFD0] =	vst v0  }
0x2d: {  	[tilespmem:s22+$0xFFFFFFC0] =	vst v0  }
0x2e: {  	[tilespmem:s22+$0xFFFFFFB0] =	vst v0  }
0x2f: {  	_ =	swait.ge [sflag:s15], $0x4E80  }
0x30: {  	s30 =	simm.s32 $0x0;
	[sflag:s15] =	ssyncset.done $0x0  }
0x31: {  	s24 =	sand.u32 $0x7FE0, s30;
	[sflag:s15] =	ssyncadd.s32 $0xFFFFB180  }
0x32: {  	[tilespmem:s16], [sflag:$0x2] =	stream.strided.gather [hbm4b:s6+s10], $0x4E80, s11, s10, $0x38;
	[tilespmem:$0x18900] =	vst v63  }
0x33: {  	v3 =	vld [tilespmem:s24+$0x80];
	_ =	sdelay $0x1  }
0x34: {  	s25 =	simm.s32 $0xA0  }
0x35: {  	s31 =	sand.u32 $0x7FE0, s25;
	v4 =	vld [tilespmem:s24+$0x4F00]  }
0x36: {  	s23 =	simm.s32 $0x50;
	v8 =	vld [tilespmem:s31+$0x80]  }
0x37: {  	v6 =	vld [tilespmem:s23+$0xFFFFFFC0];
	v5 =	vand.u32 $0xFFFF, v3  }
0x38: {  	v7 =	vld [tilespmem:s23+$0xFFFFFFD0]  }
0x39: {  	s22 =	simm.s32 $0x4ED0;
	v9 =	vld [tilespmem:s23+$0xFFFFFFE0]  }
0x3a: {  	v10 =	vld [tilespmem:s22+$0x40]  }
0x3b: {  	v11 =	vld [tilespmem:s23+$0xFFFFFFF0]  }
0x3c: {  	[tilespmem:v5+s17+$0x0] =	vst.idx.add.f32.msk $0xffff, v4  }
0x3d: {  	v4 =	vld [tilespmem:s23+$0x40]  }
0x3e: {  	v12 =	vld [tilespmem:s23+$0x0]  }
0x3f: {  	v13 =	vld [tilespmem:s23+$0x10]  }
0x40: {  	v14 =	vld [tilespmem:s23+$0x20]  }
0x41: {  	v15 =	vld [tilespmem:s22+$0xFFFFFFC0]  }
0x42: {  	v16 =	vld [tilespmem:s22+$0xFFFFFFD0];
	v4 =	vand.u32 $0xFFFF, v4  }
0x43: {  	v5 =	vld [tilespmem:s23+$0xFFFFFFB0]  }
0x44: {  	v17 =	vld [tilespmem:s22+$0xFFFFFFE0]  }
0x45: {  	v19 =	vld [tilespmem:s22+$0xFFFFFFF0]  }
0x46: {  	v20 =	vld [tilespmem:s22+$0x0];
	v18 =	vand.u32 $0xFFFF, v6  }
0x47: {  	[tilespmem:v4+s17+$0x0] =	vst.idx.add.f32.msk $0xffff, v10  }
0x48: {  	v5 =	vand.u32 $0xFFFF, v5;
	v10 =	vld [tilespmem:s22+$0xFFFFFFB0]  }
0x49: {  	v3 =	vld [tilespmem:s31+$0x4F00];
	v7 =	vand.u32 $0xFFFF, v7  }
0x4a: {  	v9 =	vand.u32 $0xFFFF, v9;
	v6 =	vld [tilespmem:s22+$0x20]  }
0x4b: {  	v11 =	vand.u32 $0xFFFF, v11;
	[tilespmem:v18+s17+$0x0] =	vst.idx.add.f32.msk $0xffff, v15  }
0x4c: {  	v12 =	vand.u32 $0xFFFF, v12;
	v4 =	vld [tilespmem:s22+$0x10]  }
0x4d: {  	[tilespmem:v5+s17+$0x0] =	vst.idx.add.f32.msk $0xffff, v10;
	v5 =	vand.u32 $0xFFFF, v13  }
0x4e: {  	[tilespmem:v7+s17+$0x0] =	vst.idx.add.f32.msk $0xffff, v16;
	v7 =	vand.u32 $0xFFFF, v14  }
0x4f: {  	[tilespmem:v9+s17+$0x0] =	vst.idx.add.f32.msk $0xffff, v17  }
0x50: {  	[tilespmem:v11+s17+$0x0] =	vst.idx.add.f32.msk $0xffff, v19  }
0x51: {  	s28 =	simm.s32 $0x50;
	s26 =	simm.s32 $0x4ED0;
	v8 =	vand.u32 $0xFFFF, v8;
	[tilespmem:v12+s17+$0x0] =	vst.idx.add.f32.msk $0xffff, v20  }
.LBB2_4:
0x52: {  	s25 =	sadd.s32 $0xA0, s25;
	[tilespmem:v5+s17+$0x0] =	vst.idx.add.f32.msk $0xffff, v4  }
0x53: {  	s29 =	sand.u32 $0x7FE0, s25;
	[tilespmem:v7+s17+$0x0] =	vst.idx.add.f32.msk $0xffff, v6  }
0x54: {  	v4 =	vld [tilespmem:s29+$0x4F00]  }
0x55: {  	p0 =	slt.u32 s25, $0x4D80;
	v9 =	vld [tilespmem:s29+$0x80]  }
0x56: {  	s28 =	sadd.s32 $0xA0, s28;
	[tilespmem:v8+s17+$0x0] =	vst.idx.add.f32.msk $0xffff, v3  }
0x57: {  	v5 =	vld [tilespmem:s28+$0x40]  }
0x58: {  	v6 =	vld [tilespmem:s28+$0xFFFFFFB0]  }
0x59: {  	v7 =	vld [tilespmem:s28+$0xFFFFFFC0];
	v3 =	vmov v4  }
0x5a: {  	v4 =	vld [tilespmem:s28+$0xFFFFFFD0]  }
0x5b: {  	s26 =	sadd.s32 $0xA0, s26;
	v8 =	vld [tilespmem:s28+$0xFFFFFFE0]  }
0x5c: {  	v10 =	vld [tilespmem:s26+$0x40];
	v5 =	vand.u32 $0xFFFF, v5  }
0x5d: {  	v11 =	vand.u32 $0xFFFF, v6;
	v6 =	vld [tilespmem:s28+$0xFFFFFFF0]  }
0x5e: {  	v12 =	vand.u32 $0xFFFF, v7;
	v7 =	vld [tilespmem:s28+$0x0]  }
0x5f: {  	v13 =	vand.u32 $0xFFFF, v4;
	v4 =	vld [tilespmem:s28+$0x10]  }
0x60: {  	v8 =	vand.u32 $0xFFFF, v8;
	v14 =	vld [tilespmem:s28+$0x20]  }
0x61: {  	[tilespmem:v5+s17+$0x0] =	vst.idx.add.f32.msk $0xffff, v10  }
0x62: {  	v10 =	vld [tilespmem:s26+$0xFFFFFFB0];
	v15 =	vand.u32 $0xFFFF, v6  }
0x63: {  	v16 =	vld [tilespmem:s26+$0xFFFFFFC0];
	v17 =	vand.u32 $0xFFFF, v7  }
0x64: {  	v18 =	vld [tilespmem:s26+$0xFFFFFFD0];
	v5 =	vand.u32 $0xFFFF, v4  }
0x65: {  	v19 =	vld [tilespmem:s26+$0xFFFFFFE0];
	v7 =	vand.u32 $0xFFFF, v14  }
0x66: {  	v14 =	vld [tilespmem:s26+$0xFFFFFFF0]  }
0x67: {  	v20 =	vld [tilespmem:s26+$0x0]  }
0x68: {  	v4 =	vld [tilespmem:s26+$0x10]  }
0x69: {  	v6 =	vld [tilespmem:s26+$0x20]  }
0x6a: {  	[tilespmem:v11+s17+$0x0] =	vst.idx.add.f32.msk $0xffff, v10  }
.Ltmp1:
0x6b: {  	[tilespmem:v12+s17+$0x0] =	vst.idx.add.f32.msk $0xffff, v16;
	(pc) =	sbr.rel @p0 .LBB2_4-.Ltmp1, $4  }
0x6c: {  	[tilespmem:v13+s17+$0x0] =	vst.idx.add.f32.msk $0xffff, v18  }
0x6d: {  	[tilespmem:v8+s17+$0x0] =	vst.idx.add.f32.msk $0xffff, v19  }
0x6e: {  	[tilespmem:v15+s17+$0x0] =	vst.idx.add.f32.msk $0xffff, v14  }
0x6f: {  	v8 =	vand.u32 $0xFFFF, v9;
	[tilespmem:v17+s17+$0x0] =	vst.idx.add.f32.msk $0xffff, v20  }
0x70: {  	_ =	sdelay $0x3  }
0x71: {  	[tilespmem:v5+s17+$0x0] =	vst.idx.add.f32.msk $0xffff, v4  }
0x72: {  	[tilespmem:v7+s17+$0x0] =	vst.idx.add.f32.msk $0xffff, v6  }
0x73: {  	[tilespmem:v8+s17+$0x0] =	vst.idx.add.f32.msk $0xffff, v3;
	s25 =	sadd.s32 $0xA0, s28  }
0x74: {  	v3 =	vld [tilespmem:s25+$0x40]  }
0x75: {  	v4 =	vld [tilespmem:s25+$0xFFFFFFB0]  }
0x76: {  	v5 =	vld [tilespmem:s25+$0xFFFFFFC0]  }
0x77: {  	v6 =	vld [tilespmem:s25+$0xFFFFFFD0]  }
0x78: {  	s26 =	sadd.s32 $0xA0, s26;
	v7 =	vld [tilespmem:s25+$0xFFFFFFE0]  }
0x79: {  	v8 =	vld [tilespmem:s26+$0x40]  }
0x7a: {  	v9 =	vld [tilespmem:s25+$0xFFFFFFF0]  }
0x7b: {  	v10 =	vld [tilespmem:s25+$0x0]  }
0x7c: {  	v11 =	vld [tilespmem:s25+$0x10]  }
0x7d: {  	v12 =	vld [tilespmem:s25+$0x20];
	v3 =	vand.u32 $0xFFFF, v3  }
0x7e: {  	v13 =	vld [tilespmem:s26+$0xFFFFFFD0]  }
0x7f: {  	v14 =	vld [tilespmem:s26+$0xFFFFFFE0]  }
0x80: {  	v15 =	vld [tilespmem:s26+$0xFFFFFFF0]  }
0x81: {  	v16 =	vld [tilespmem:s26+$0x0]  }
0x82: {  	v6 =	vand.u32 $0xFFFF, v6;
	[tilespmem:v3+s17+$0x0] =	vst.idx.add.f32.msk $0xffff, v8  }
0x83: {  	v4 =	vand.u32 $0xFFFF, v4;
	v3 =	vld [tilespmem:s26+$0xFFFFFFB0]  }
0x84: {  	v17 =	vld [tilespmem:s26+$0x10];
	v7 =	vand.u32 $0xFFFF, v7  }
0x85: {  	v18 =	vld [tilespmem:s26+$0x20];
	v9 =	vand.u32 $0xFFFF, v9  }
0x86: {  	v10 =	vand.u32 $0xFFFF, v10;
	v8 =	vld [tilespmem:s26+$0xFFFFFFC0]  }
0x87: {  	v5 =	vand.u32 $0xFFFF, v5;
	[tilespmem:v6+s17+$0x0] =	vst.idx.add.f32.msk $0xffff, v13  }
0x88: {  	[tilespmem:v4+s17+$0x0] =	vst.idx.add.f32.msk $0xffff, v3;
	v3 =	vand.u32 $0xFFFF, v11  }
0x89: {  	[tilespmem:v7+s17+$0x0] =	vst.idx.add.f32.msk $0xffff, v14;
	v4 =	vand.u32 $0xFFFF, v12  }
0x8a: {  	[tilespmem:v9+s17+$0x0] =	vst.idx.add.f32.msk $0xffff, v15  }
0x8b: {  	[tilespmem:v10+s17+$0x0] =	vst.idx.add.f32.msk $0xffff, v16  }
0x8c: {  	[tilespmem:v5+s17+$0x0] =	vst.idx.add.f32.msk $0xffff, v8  }
0x8d: {  	[tilespmem:v3+s17+$0x0] =	vst.idx.add.f32.msk $0xffff, v17  }
0x8e: {  	s30 =	simm.s32 $0xA0;
	[tilespmem:v4+s17+$0x0] =	vst.idx.add.f32.msk $0xffff, v18  }
0x8f: {  	s31 =	sand.u32 $0x7FE0, s30;
	v3 =	vld [tilespmem:s24+$0x80]  }
0x90: {  	v6 =	vld [tilespmem:s31+$0x80]  }
0x91: {  	v7 =	vld [tilespmem:s23+$0x40]  }
0x92: {  	v10 =	vld [tilespmem:s23+$0xFFFFFFC0];
	_ =	sdelay $0x1  }
0x93: {  	v13 =	vld [tilespmem:s23+$0xFFFFFFD0];
	v4 =	vand.u32 $0xFFFF, v3  }
0x94: {  	v15 =	vld [tilespmem:s23+$0x0];
	v5 =	vand.u32 $0x10000, v3;
	v3 =	vand.u32 $0x20000, v3;
	v8 =	vand.u32 $0x10000, v6  }
0x95: {  	v9 =	vand.u32 $0xFFFF, v6;
	v6 =	vand.u32 $0x20000, v6;
	v11 =	vand.u32 $0xFFFF, v7  }
0x96: {  	v12 =	vand.u32 $0x10000, v7;
	v19 =	vand.u32 $0xFFFF, v10;
	v20 =	vand.u32 $0x10000, v10  }
0x97: {  	v10 =	vand.u32 $0x20000, v10;
	vm0 =	veq.s32 v5, $0x0;
	v5 =	vadd.s32 $0xFFFFFFFF, v4  }
0x98: {  	v14 =	vld [tilespmem:s23+$0xFFFFFFE0];
	vm1 =	veq.s32 v3, $0x0;
	v3 =	vnsel vm0, $0x9C40, v5;
	v5 =	vadd.s32 $0x1, v4  }
0x99: {  	v18 =	vld [tilespmem:s23+$0x10];
	v22 =	vand.u32 $0xFFFF, v13;
	v29 =	vand.u32 $0x10000, v15;
	v5 =	vnsel vm1, $0x9C40, v5  }
0x9a: {  	s26 =	simm.s32 $0xF0;
	v21 =	vld [tilespmem:s23+$0x20];
	vm5 =	veq.s32 v20, $0x0;
	v34 =	vadd.s32 $0xFFFFFFFF, v19;
	vm3 =	veq.s32 v10, $0x0  }
0x9b: {  	v62 =	vld [tilespmem:s26+$0x10];
	v10 =	vadd.s32 $0x1, v19;
	vm10 =	veq.s32 v29, $0x0;
	v29 =	vnsel vm5, $0x9C40, v34  }
0x9c: {  	v23 =	vand.u32 $0x10000, v13;
	v13 =	vand.u32 $0x20000, v13;
	v10 =	vnsel vm3, $0x9C40, v10  }
0x9d: {  	v24 =	vand.u32 $0xFFFF, v14;
	v25 =	vand.u32 $0x10000, v14;
	v14 =	vand.u32 $0x20000, v14;
	v3 =	vld.idx.msk [tilespmem:v3+s17+$0x0], $0xffff  }
0x9e: {  	v28 =	vand.u32 $0xFFFF, v15;
	v15 =	vand.u32 $0x20000, v15;
	v30 =	vand.u32 $0xFFFF, v18;
	v5 =	vld.idx.msk [tilespmem:v5+s17+$0x0], $0xffff  }
0x9f: {  	v31 =	vand.u32 $0x10000, v18;
	v18 =	vand.u32 $0x20000, v18;
	v32 =	vand.u32 $0xFFFF, v21;
	v4 =	vld.idx.msk [tilespmem:v4+s17+$0x0], $0xffff  }
0xa0: {  	v33 =	vand.u32 $0x10000, v21;
	v21 =	vand.u32 $0x20000, v21;
	v54 =	vand.u32 $0xFFFF, v62;
	v29 =	vld.idx.msk [tilespmem:v29+s17+$0x0], $0xffff  }
0xa1: {  	v55 =	vand.u32 $0x10000, v62;
	v56 =	vand.u32 $0x20000, v62;
	vm2 =	veq.s32 v25, $0x0;
	v10 =	vld.idx.msk [tilespmem:v10+s17+$0x0], $0xffff  }
0xa2: {  	vm7 =	veq.s32 v14, $0x0;
	v14 =	vadd.s32 $0x1, v24;
	vm12 =	veq.s32 v55, $0x0  }
0xa3: {  	vm13 =	veq.s32 v56, $0x0;
	vm0 =	veq.s32 v8, $0x0;
	v3 =	vadd.f32 v5, v3  }
0xa4: {  	v8 =	vadd.s32 $0xFFFFFFFF, v9;
	vm5 =	veq.s32 v18, $0x0;
	vm1 =	veq.s32 v6, $0x0;
	v6 =	vld [tilespmem:s23+$0xFFFFFFB0]  }
0xa5: {  	vm3 =	veq.s32 v33, $0x0;
	v19 =	vld.idx.msk [tilespmem:v19+s17+$0x0], $0xffff;
	v4 =	vmul.f32 v4, v1;
	v3 =	vmul.f32 v3, v2  }
0xa6: {  	v35 =	vld.idx.msk [tilespmem:v22+s17+$0x0], $0xffff;
	v10 =	vadd.f32 v10, v29;
	v5 =	vnsel vm0, $0x9C40, v8;
	vm0 =	veq.s32 v12, $0x0  }
0xa7: {  	v12 =	vadd.s32 $0xFFFFFFFF, v11;
	v16 =	vadd.f32 v3, v4;
	v3 =	vand.u32 $0x20000, v7  }
0xa8: {  	v29 =	vld [tilespmem:s26+$0xFFFFFFF0];
	v4 =	vnsel vm0, $0x9C40, v12;
	vm0 =	veq.s32 v3, $0x0;
	v3 =	vadd.s32 $0x1, v11  }
0xa9: {  	v14 =	vnsel vm7, $0x9C40, v14;
	v36 =	vld.idx.msk [tilespmem:v30+s17+$0x0], $0xffff;
	v8 =	vadd.s32 $0x1, v9;
	v3 =	vnsel vm0, $0x9C40, v3  }
0xaa: {  	v17 =	vand.u32 $0x10000, v6;
	v8 =	vnsel vm1, $0x9C40, v8;
	vm1 =	veq.s32 v13, $0x0;
	v13 =	vld.idx.msk [tilespmem:v24+s17+$0x0], $0xffff  }
0xab: {  	vm4 =	veq.s32 v17, $0x0;
	v19 =	vmul.f32 v19, v1;
	v35 =	vmul.f32 v35, v1;
	v7 =	vld [tilespmem:s23+$0xFFFFFFF0]  }
0xac: {  	v10 =	vmul.f32 v10, v2;
	v12 =	vand.u32 $0xFFFF, v6;
	v6 =	vand.u32 $0x20000, v6;
	v11 =	vld.idx.msk [tilespmem:v11+s17+$0x0], $0xffff  }
0xad: {  	v47 =	vand.u32 $0xFFFF, v29;
	v48 =	vand.u32 $0x10000, v29;
	v17 =	vadd.s32 $0xFFFFFFFF, v12;
	v4 =	vld.idx.msk [tilespmem:v4+s17+$0x0], $0xffff  }
0xae: {  	vm6 =	veq.s32 v6, $0x0;
	v6 =	vadd.s32 $0x1, v12;
	v17 =	vnsel vm4, $0x9C40, v17;
	v3 =	vld.idx.msk [tilespmem:v3+s17+$0x0], $0xffff  }
0xaf: {  	v18 =	vld.idx.msk [tilespmem:v5+s17+$0x0], $0xffff;
	v5 =	vadd.s32 $0xFFFFFFFF, v32;
	vm0 =	veq.s32 v23, $0x0;
	v23 =	vadd.s32 $0xFFFFFFFF, v22  }
0xb0: {  	vm4 =	veq.s32 v15, $0x0;
	v6 =	vnsel vm6, $0x9C40, v6;
	vm6 =	veq.s32 v31, $0x0;
	v31 =	vld.idx.msk [tilespmem:v9+s17+$0x0], $0xffff  }
0xb1: {  	v15 =	vadd.s32 $0x1, v28;
	v9 =	vadd.s32 $0x1, v30;
	v8 =	vld.idx.msk [tilespmem:v8+s17+$0x0], $0xffff;
	v26 =	vand.u32 $0xFFFF, v7  }
0xb2: {  	v23 =	vnsel vm0, $0x9C40, v23;
	v27 =	vand.u32 $0x10000, v7;
	v7 =	vand.u32 $0x20000, v7;
	v12 =	vld.idx.msk [tilespmem:v12+s17+$0x0], $0xffff  }
0xb3: {  	v11 =	vmul.f32 v11, v1;
	vm9 =	veq.s32 v7, $0x0;
	v17 =	vld.idx.msk [tilespmem:v17+s17+$0x0], $0xffff;
	v3 =	vadd.f32 v3, v4  }
0xb4: {  	v7 =	vadd.s32 $0xFFFFFFFF, v28;
	v4 =	vadd.s32 $0x1, v22;
	v22 =	vadd.s32 $0xFFFFFFFF, v24;
	v24 =	vld.idx.msk [tilespmem:v28+s17+$0x0], $0xffff  }
0xb5: {  	v28 =	vadd.s32 $0xFFFFFFFF, v30;
	v30 =	vld.idx.msk [tilespmem:v6+s17+$0x0], $0xffff;
	v4 =	vnsel vm1, $0x9C40, v4;
	v3 =	vmul.f32 v3, v2  }
0xb6: {  	s25 =	simm.s32 $0x140;
	v37 =	vnsel vm3, $0x9C40, v5;
	vm0 =	veq.s32 v21, $0x0;
	vm8 =	veq.s32 v27, $0x0;
	v25 =	vld.idx.msk [tilespmem:v26+s17+$0x0], $0xffff  }
0xb7: {  	s23 =	sand.u32 $0x7FE0, s25;
	v27 =	vadd.s32 $0xFFFFFFFF, v26;
	v22 =	vnsel vm2, $0x9C40, v22;
	v20 =	vadd.f32 v3, v11;
	v11 =	vld.idx.msk [tilespmem:v32+s17+$0x0], $0xffff  }
0xb8: {  	v21 =	vadd.s32 $0x1, v32;
	v27 =	vnsel vm8, $0x9C40, v27;
	v3 =	vadd.s32 $0x1, v26;
	v26 =	vld [tilespmem:s23+$0x80]  }
0xb9: {  	v15 =	vnsel vm4, $0x9C40, v15;
	v59 =	vnsel vm5, $0x9C40, v9;
	v23 =	vld.idx.msk [tilespmem:v23+s17+$0x0], $0xffff;
	v57 =	vnsel vm9, $0x9C40, v3  }
0xba: {  	v58 =	vnsel vm10, $0x9C40, v7;
	v7 =	vmul.f32 v13, v1;
	v17 =	vadd.f32 v30, v17;
	v38 =	vld.idx.msk [tilespmem:v4+s17+$0x0], $0xffff  }
0xbb: {  	v14 =	vld.idx.msk [tilespmem:v14+s17+$0x0], $0xffff;
	v21 =	vnsel vm0, $0x9C40, v21;
	v12 =	vmul.f32 v12, v1;
	v6 =	vmul.f32 v25, v1  }
0xbc: {  	v18 =	vadd.f32 v8, v18;
	v5 =	vmul.f32 v24, v1;
	v13 =	vld.idx.msk [tilespmem:v22+s17+$0x0], $0xffff;
	v17 =	vmul.f32 v17, v2  }
0xbd: {  	v22 =	vld.idx.msk [tilespmem:v27+s17+$0x0], $0xffff;
	v3 =	vmul.f32 v11, v1;
	v9 =	vand.u32 $0xFFFF, v26;
	v11 =	vand.u32 $0x10000, v26  }
0xbe: {  	v24 =	vand.u32 $0x20000, v26;
	v26 =	vadd.f32 v17, v12;
	v25 =	vld.idx.msk [tilespmem:v57+s17+$0x0], $0xffff;
	vm0 =	veq.s32 v11, $0x0  }
0xbf: {  	v11 =	vadd.s32 $0xFFFFFFFF, v9;
	vm1 =	veq.s32 v24, $0x0;
	v24 =	vld [tilespmem:s26+$0x40];
	v17 =	vadd.f32 v38, v23  }
0xc0: {  	v18 =	vmul.f32 v18, v2;
	v12 =	vnsel vm0, $0x9C40, v11;
	v11 =	vadd.s32 $0x1, v9  }
0xc1: {  	v41 =	vld [tilespmem:s26+$0x20];
	v23 =	vadd.f32 v10, v19;
	v14 =	vadd.f32 v14, v13;
	v10 =	vmul.f32 v17, v2  }
0xc2: {  	v8 =	vld.idx.msk [tilespmem:v58+s17+$0x0], $0xffff;
	v28 =	vnsel vm6, $0x9C40, v28;
	v19 =	vmul.f32 v31, v1;
	v13 =	vnsel vm1, $0x9C40, v11  }
0xc3: {  	v27 =	vld [tilespmem:s26+$0xFFFFFFC0];
	v39 =	vadd.f32 v10, v35;
	v10 =	vmul.f32 v14, v2;
	v11 =	vadd.f32 v25, v22  }
0xc4: {  	[tilespmem:s22+$0xFFFFFFB0] =	vst v26;
	v26 =	vld.idx.msk [tilespmem:v54+s17+$0x0], $0xffff;
	v25 =	vadd.f32 v18, v19;
	v18 =	vand.u32 $0xFFFF, v24;
	v14 =	vand.u32 $0x10000, v24  }
0xc5: {  	v17 =	vld [tilespmem:s26+$0xFFFFFFB0];
	v24 =	vand.u32 $0x20000, v24;
	vm0 =	veq.s32 v14, $0x0;
	v14 =	vadd.s32 $0xFFFFFFFF, v18  }
0xc6: {  	v22 =	vld [tilespmem:s26+$0xFFFFFFD0];
	v30 =	vnsel vm0, $0x9C40, v14;
	vm0 =	veq.s32 v24, $0x0;
	v14 =	vadd.s32 $0x1, v18  }
0xc7: {  	v50 =	vand.u32 $0x20000, v29;
	v29 =	vand.u32 $0x10000, v41;
	v19 =	vld [tilespmem:s26+$0xFFFFFFE0];
	v61 =	vnsel vm0, $0x9C40, v14  }
0xc8: {  	vm8 =	veq.s32 v48, $0x0;
	vm9 =	veq.s32 v50, $0x0;
	v4 =	vmul.f32 v36, v1;
	v24 =	vld [tilespmem:s26+$0x0]  }
0xc9: {  	v60 =	vand.u32 $0xFFFF, v27;
	v40 =	vand.u32 $0x10000, v27;
	v27 =	vand.u32 $0x20000, v27;
	v14 =	vld.idx.msk [tilespmem:v15+s17+$0x0], $0xffff  }
0xca: {  	v38 =	vadd.s32 $0xFFFFFFFF, v47;
	vm2 =	veq.s32 v40, $0x0;
	vm3 =	veq.s32 v27, $0x0;
	v15 =	vld.idx.msk [tilespmem:v28+s17+$0x0], $0xffff  }
0xcb: {  	[tilespmem:s22+$0xFFFFFFD0] =	vst v39;
	v39 =	vadd.s32 $0x1, v47;
	v32 =	vand.u32 $0xFFFF, v17;
	v31 =	vand.u32 $0x10000, v17;
	v49 =	vld.idx.msk [tilespmem:v30+s17+$0x0], $0xffff  }
0xcc: {  	v63 =	vand.u32 $0x20000, v17;
	v28 =	vand.u32 $0xFFFF, v41;
	vm0 =	veq.s32 v31, $0x0;
	v33 =	vld.idx.msk [tilespmem:v61+s17+$0x0], $0xffff  }
0xcd: {  	[tilespmem:s22+$0xFFFFFFC0] =	vst v23;
	v23 =	vld.idx.msk [tilespmem:v47+s17+$0x0], $0xffff;
	vm1 =	veq.s32 v63, $0x0;
	v31 =	vadd.s32 $0xFFFFFFFF, v32;
	v27 =	vadd.s32 $0x1, v32  }
0xce: {  	v51 =	vand.u32 $0xFFFF, v24;
	v52 =	vand.u32 $0x10000, v24;
	v53 =	vand.u32 $0x20000, v24;
	v24 =	vld.idx.msk [tilespmem:v18+s17+$0x0], $0xffff  }
0xcf: {  	[tilespmem:s24+$0x4F00] =	vst v16;
	v16 =	vld.idx.msk [tilespmem:v60+s17+$0x0], $0xffff;
	v42 =	vand.u32 $0xFFFF, v22;
	v43 =	vand.u32 $0x10000, v22;
	v22 =	vand.u32 $0x20000, v22  }
0xd0: {  	v17 =	vld.idx.msk [tilespmem:v59+s17+$0x0], $0xffff;
	v44 =	vand.u32 $0xFFFF, v19;
	v45 =	vand.u32 $0x10000, v19;
	v46 =	vand.u32 $0x20000, v19  }
0xd1: {  	v19 =	vld.idx.msk [tilespmem:v21+s17+$0x0], $0xffff;
	vm4 =	veq.s32 v43, $0x0;
	vm5 =	veq.s32 v22, $0x0;
	v61 =	vadd.f32 v33, v49  }
0xd2: {  	v34 =	vadd.s32 $0xFFFFFFFF, v42;
	vm6 =	veq.s32 v45, $0x0;
	v35 =	vadd.s32 $0x1, v42;
	v18 =	vld.idx.msk [tilespmem:v37+s17+$0x0], $0xffff  }
0xd3: {  	vm7 =	veq.s32 v46, $0x0;
	v21 =	vld.idx.msk [tilespmem:v32+s17+$0x0], $0xffff;
	v24 =	vmul.f32 v24, v1;
	v62 =	vmul.f32 v61, v2  }
0xd4: {  	[tilespmem:s31+$0x4F00] =	vst v25;
	v36 =	vadd.s32 $0xFFFFFFFF, v44;
	v43 =	vadd.s32 $0x1, v54;
	v30 =	vand.u32 $0x20000, v41;
	v25 =	vld.idx.msk [tilespmem:v28+s17+$0x0], $0xffff  }
0xd5: {  	[tilespmem:s22+$0x40] =	vst v20;
	v37 =	vadd.s32 $0x1, v44;
	v32 =	vadd.s32 $0xFFFFFFFF, v60;
	v20 =	vld.idx.msk [tilespmem:v42+s17+$0x0], $0xffff;
	v63 =	vadd.f32 v62, v24  }
0xd6: {  	s24 =	simm.s32 $0x4F70;
	vm10 =	veq.s32 v52, $0x0;
	v40 =	vadd.s32 $0xFFFFFFFF, v51;
	vm11 =	veq.s32 v53, $0x0;
	v22 =	vld.idx.msk [tilespmem:v44+s17+$0x0], $0xffff  }
0xd7: {  	v41 =	vadd.s32 $0x1, v51;
	v42 =	vadd.s32 $0xFFFFFFFF, v54;
	v33 =	vadd.s32 $0x1, v60;
	v24 =	vld.idx.msk [tilespmem:v51+s17+$0x0], $0xffff;
	[tilespmem:s24+$0x40] =	vst v63  }
.LBB2_6:
0xd8: {  	s25 =	sadd.s32 $0xA0, s25;
	vm14 =	veq.s32 v29, $0x0;
	v29 =	vadd.s32 $0xFFFFFFFF, v28;
	vm15 =	veq.s32 v30, $0x0  }
0xd9: {  	v30 =	vnsel vm0, $0x9C40, v31;
	v31 =	vnsel vm1, $0x9C40, v27;
	v27 =	vadd.s32 $0x1, v28;
	s28 =	sand.u32 $0x7FE0, s25;
	p0 =	slt.u32 s25, $0x4D80  }
0xda: {  	v32 =	vnsel vm2, $0x9C40, v32;
	v33 =	vnsel vm3, $0x9C40, v33;
	v34 =	vnsel vm4, $0x9C40, v34;
	v44 =	vld [tilespmem:s28+$0x80]  }
0xdb: {  	v45 =	vld.idx.msk [tilespmem:v9+s17+$0x0], $0xffff;
	v9 =	vnsel vm5, $0x9C40, v35;
	v35 =	vnsel vm6, $0x9C40, v36;
	v36 =	vnsel vm7, $0x9C40, v37  }
0xdc: {  	v37 =	vld.idx.msk [tilespmem:v12+s17+$0x0], $0xffff;
	v12 =	vnsel vm8, $0x9C40, v38;
	v38 =	vnsel vm9, $0x9C40, v39;
	v39 =	vnsel vm10, $0x9C40, v40  }
0xdd: {  	v40 =	vnsel vm11, $0x9C40, v41;
	v41 =	vnsel vm12, $0x9C40, v42;
	v42 =	vnsel vm13, $0x9C40, v43;
	v13 =	vld.idx.msk [tilespmem:v13+s17+$0x0], $0xffff  }
0xde: {  	v8 =	vadd.f32 v14, v8;
	v28 =	vnsel vm14, $0x9C40, v29;
	v27 =	vnsel vm15, $0x9C40, v27;
	v30 =	vld.idx.msk [tilespmem:v30+s17+$0x0], $0xffff  }
0xdf: {  	v11 =	vmul.f32 v11, v2;
	v15 =	vadd.f32 v17, v15;
	v17 =	vadd.f32 v19, v18;
	v14 =	vld.idx.msk [tilespmem:v31+s17+$0x0], $0xffff  }
0xe0: {  	v18 =	vmul.f32 v21, v1;
	v10 =	vadd.f32 v10, v7;
	v7 =	vmul.f32 v8, v2;
	v19 =	vld.idx.msk [tilespmem:v32+s17+$0x0], $0xffff  }
0xe1: {  	v11 =	vadd.f32 v11, v6;
	v15 =	vmul.f32 v15, v2;
	v17 =	vmul.f32 v17, v2;
	v8 =	vld.idx.msk [tilespmem:v33+s17+$0x0], $0xffff  }
0xe2: {  	v16 =	vmul.f32 v16, v1;
	v20 =	vmul.f32 v20, v1;
	v29 =	vadd.f32 v7, v5;
	v21 =	vld.idx.msk [tilespmem:v34+s17+$0x0], $0xffff  }
0xe3: {  	v6 =	vmul.f32 v23, v1;
	v7 =	vmul.f32 v22, v1;
	v15 =	vadd.f32 v15, v4;
	v31 =	vld.idx.msk [tilespmem:v9+s17+$0x0], $0xffff  }
0xe4: {  	v5 =	vmul.f32 v24, v1;
	v4 =	vmul.f32 v26, v1;
	v17 =	vadd.f32 v17, v3;
	v22 =	vld.idx.msk [tilespmem:v35+s17+$0x0], $0xffff  }
0xe5: {  	v3 =	vmul.f32 v25, v1;
	v14 =	vadd.f32 v14, v30;
	v23 =	vld.idx.msk [tilespmem:v36+s17+$0x0], $0xffff;
	[tilespmem:s22+$0xFFFFFFE0] =	vst v10  }
0xe6: {  	v9 =	vand.u32 $0xFFFF, v44;
	v10 =	vand.u32 $0x10000, v44;
	v24 =	vld.idx.msk [tilespmem:v12+s17+$0x0], $0xffff;
	[tilespmem:s22+$0xFFFFFFF0] =	vst v11  }
0xe7: {  	v11 =	vand.u32 $0x20000, v44;
	v12 =	vmul.f32 v14, v2;
	v14 =	vadd.f32 v8, v19;
	v19 =	vld.idx.msk [tilespmem:v38+s17+$0x0], $0xffff;
	[tilespmem:s22+$0x0] =	vst v29  }
0xe8: {  	s26 =	sadd.s32 $0xA0, s26;
	vm0 =	veq.s32 v10, $0x0;
	v10 =	vadd.s32 $0xFFFFFFFF, v9;
	vm1 =	veq.s32 v11, $0x0;
	v8 =	vld.idx.msk [tilespmem:v39+s17+$0x0], $0xffff;
	[tilespmem:s22+$0x10] =	vst v15  }
0xe9: {  	v11 =	vadd.f32 v12, v18;
	v14 =	vmul.f32 v14, v2;
	v18 =	vadd.f32 v31, v21;
	v15 =	vld [tilespmem:s26+$0x40];
	[tilespmem:s22+$0x20] =	vst v17;
	s22 =	smov.u32 s24  }
0xea: {  	v12 =	vnsel vm0, $0x9C40, v10;
	v10 =	vadd.s32 $0x1, v9;
	v21 =	vadd.f32 v13, v37;
	v17 =	vld [tilespmem:s26+$0xFFFFFFB0]  }
0xeb: {  	v25 =	vld [tilespmem:s26+$0xFFFFFFC0];
	[tilespmem:s24+$0xFFFFFFB0] =	vst v11;
	v11 =	vadd.f32 v14, v16;
	v14 =	vmul.f32 v18, v2;
	v16 =	vadd.f32 v23, v22  }
0xec: {  	v13 =	vnsel vm1, $0x9C40, v10;
	v21 =	vmul.f32 v21, v2;
	v22 =	vmul.f32 v45, v1;
	v18 =	vld [tilespmem:s26+$0xFFFFFFD0]  }
0xed: {  	v23 =	vld [tilespmem:s26+$0xFFFFFFE0];
	[tilespmem:s24+$0xFFFFFFC0] =	vst v11;
	v14 =	vadd.f32 v14, v20;
	v10 =	vmul.f32 v16, v2;
	v11 =	vadd.f32 v19, v24  }
0xee: {  	v43 =	vadd.f32 v21, v22;
	v16 =	vld [tilespmem:s26+$0xFFFFFFF0];
	v19 =	vand.u32 $0xFFFF, v15;
	v20 =	vand.u32 $0x10000, v15  }
0xef: {  	v15 =	vand.u32 $0x20000, v15;
	v21 =	vld [tilespmem:s26+$0x0];
	vm0 =	veq.s32 v20, $0x0;
	v20 =	vadd.s32 $0xFFFFFFFF, v19;
	[tilespmem:s24+$0xFFFFFFD0] =	vst v14  }
0xf0: {  	v14 =	vadd.s32 $0x1, v19;
	v22 =	vld [tilespmem:s26+$0x10];
	v20 =	vnsel vm0, $0x9C40, v20;
	vm0 =	veq.s32 v15, $0x0  }
0xf1: {  	v24 =	vand.u32 $0xFFFF, v17;
	v26 =	vand.u32 $0x10000, v17;
	v30 =	vld [tilespmem:s26+$0x20];
	v29 =	vnsel vm0, $0x9C40, v14  }
0xf2: {  	v32 =	vand.u32 $0x20000, v17;
	v34 =	vand.u32 $0xFFFF, v25;
	v33 =	vand.u32 $0x10000, v25;
	v14 =	vld.idx.msk [tilespmem:v40+s17+$0x0], $0xffff  }
0xf3: {  	v25 =	vand.u32 $0x20000, v25;
	v35 =	vand.u32 $0xFFFF, v18;
	v36 =	vand.u32 $0x10000, v18;
	v15 =	vld.idx.msk [tilespmem:v41+s17+$0x0], $0xffff  }
0xf4: {  	v37 =	vand.u32 $0x20000, v18;
	v38 =	vand.u32 $0xFFFF, v23;
	v39 =	vand.u32 $0x10000, v23;
	v17 =	vld.idx.msk [tilespmem:v42+s17+$0x0], $0xffff  }
0xf5: {  	v40 =	vand.u32 $0x20000, v23;
	v41 =	vand.u32 $0xFFFF, v16;
	v42 =	vand.u32 $0x10000, v16;
	v23 =	vld.idx.msk [tilespmem:v20+s17+$0x0], $0xffff  }
0xf6: {  	v44 =	vand.u32 $0x20000, v16;
	v45 =	vand.u32 $0xFFFF, v21;
	v46 =	vand.u32 $0x10000, v21;
	v47 =	vld.idx.msk [tilespmem:v29+s17+$0x0], $0xffff  }
0xf7: {  	v48 =	vand.u32 $0x20000, v21;
	v49 =	vand.u32 $0xFFFF, v22;
	v50 =	vand.u32 $0x10000, v22;
	v18 =	vld.idx.msk [tilespmem:v28+s17+$0x0], $0xffff  }
0xf8: {  	v51 =	vand.u32 $0x20000, v22;
	v29 =	vand.u32 $0x10000, v30;
	v28 =	vand.u32 $0xFFFF, v30;
	v52 =	vld.idx.msk [tilespmem:v19+s17+$0x0], $0xffff  }
0xf9: {  	v31 =	vadd.s32 $0xFFFFFFFF, v24;
	vm0 =	veq.s32 v26, $0x0;
	v30 =	vand.u32 $0x20000, v30;
	v19 =	vld.idx.msk [tilespmem:v27+s17+$0x0], $0xffff  }
0xfa: {  	vm1 =	veq.s32 v32, $0x0;
	vm2 =	veq.s32 v33, $0x0;
	v27 =	vadd.s32 $0x1, v24;
	v21 =	vld.idx.msk [tilespmem:v24+s17+$0x0], $0xffff  }
0xfb: {  	v32 =	vadd.s32 $0xFFFFFFFF, v34;
	vm3 =	veq.s32 v25, $0x0;
	v33 =	vadd.s32 $0x1, v34;
	v16 =	vld.idx.msk [tilespmem:v34+s17+$0x0], $0xffff  }
0xfc: {  	vm4 =	veq.s32 v36, $0x0;
	v34 =	vadd.s32 $0xFFFFFFFF, v35;
	v24 =	vadd.f32 v47, v23;
	v20 =	vld.idx.msk [tilespmem:v35+s17+$0x0], $0xffff  }
0xfd: {  	vm5 =	veq.s32 v37, $0x0;
	vm6 =	veq.s32 v39, $0x0;
	v35 =	vadd.s32 $0x1, v35;
	v22 =	vld.idx.msk [tilespmem:v38+s17+$0x0], $0xffff  }
0xfe: {  	v36 =	vadd.s32 $0xFFFFFFFF, v38;
	v25 =	vmul.f32 v52, v1;
	v39 =	vmul.f32 v24, v2;
	v23 =	vld.idx.msk [tilespmem:v41+s17+$0x0], $0xffff  }
.Ltmp2:
0xff: {  	vm7 =	veq.s32 v40, $0x0;
	v37 =	vadd.s32 $0x1, v38;
	vm8 =	veq.s32 v42, $0x0;
	v24 =	vld.idx.msk [tilespmem:v45+s17+$0x0], $0xffff;
	(pc) =	sbr.rel @p0 .LBB2_6-.Ltmp2, $4  }
0x100: {  	vm9 =	veq.s32 v44, $0x0;
	v38 =	vadd.s32 $0xFFFFFFFF, v41;
	v42 =	vadd.f32 v39, v25;
	v26 =	vld.idx.msk [tilespmem:v49+s17+$0x0], $0xffff  }
0x101: {  	s24 =	sadd.s32 $0xA0, s24;
	vm10 =	veq.s32 v46, $0x0;
	v40 =	vadd.s32 $0xFFFFFFFF, v45;
	v39 =	vadd.s32 $0x1, v41;
	v25 =	vld.idx.msk [tilespmem:v28+s17+$0x0], $0xffff;
	[tilespmem:s23+$0x4F00] =	vst v43;
	s23 =	smov.u32 s28  }
0x102: {  	vm11 =	veq.s32 v48, $0x0;
	vm12 =	veq.s32 v50, $0x0;
	v41 =	vadd.s32 $0x1, v45;
	[tilespmem:s24+$0x40] =	vst v42  }
0x103: {  	vm13 =	veq.s32 v51, $0x0;
	v43 =	vadd.s32 $0x1, v49;
	v42 =	vadd.s32 $0xFFFFFFFF, v49  }
0x104: {  	_ =	sdelay $0x3  }
0x105: {  	v9 =	vld.idx.msk [tilespmem:v9+s17+$0x0], $0xffff  }
0x106: {  	v31 =	vnsel vm0, $0x9C40, v31;
	v12 =	vld.idx.msk [tilespmem:v12+s17+$0x0], $0xffff  }
0x107: {  	v27 =	vnsel vm1, $0x9C40, v27;
	v13 =	vld.idx.msk [tilespmem:v13+s17+$0x0], $0xffff;
	s25 =	sadd.s32 $0xA0, s26  }
0x108: {  	v32 =	vnsel vm2, $0x9C40, v32;
	v46 =	vld [tilespmem:s25+$0x40]  }
0x109: {  	v50 =	vnsel vm3, $0x9C40, v33;
	v47 =	vld [tilespmem:s25+$0xFFFFFFB0]  }
0x10a: {  	v52 =	vnsel vm4, $0x9C40, v34;
	v48 =	vld [tilespmem:s25+$0xFFFFFFC0]  }
0x10b: {  	vm14 =	veq.s32 v29, $0x0;
	v51 =	vadd.s32 $0xFFFFFFFF, v28;
	v54 =	vnsel vm5, $0x9C40, v35;
	v31 =	vld.idx.msk [tilespmem:v31+s17+$0x0], $0xffff  }
0x10c: {  	vm15 =	veq.s32 v30, $0x0;
	v53 =	vadd.s32 $0x1, v28;
	v55 =	vnsel vm6, $0x9C40, v36;
	v27 =	vld.idx.msk [tilespmem:v27+s17+$0x0], $0xffff  }
0x10d: {  	v56 =	vnsel vm7, $0x9C40, v37;
	v57 =	vnsel vm8, $0x9C40, v38;
	v58 =	vnsel vm9, $0x9C40, v39;
	v32 =	vld.idx.msk [tilespmem:v32+s17+$0x0], $0xffff  }
0x10e: {  	v59 =	vnsel vm10, $0x9C40, v40;
	v40 =	vnsel vm11, $0x9C40, v41;
	v8 =	vadd.f32 v14, v8;
	v14 =	vld.idx.msk [tilespmem:v50+s17+$0x0], $0xffff  }
0x10f: {  	v41 =	vnsel vm12, $0x9C40, v42;
	v42 =	vnsel vm13, $0x9C40, v43;
	v11 =	vmul.f32 v11, v2;
	v61 =	vld.idx.msk [tilespmem:v52+s17+$0x0], $0xffff  }
0x110: {  	v15 =	vadd.f32 v17, v15;
	v60 =	vadd.f32 v19, v18;
	v21 =	vmul.f32 v21, v1;
	v62 =	vld.idx.msk [tilespmem:v54+s17+$0x0], $0xffff  }
0x111: {  	v10 =	vadd.f32 v10, v7;
	v16 =	vmul.f32 v16, v1;
	v20 =	vmul.f32 v20, v1;
	v63 =	vld.idx.msk [tilespmem:v55+s17+$0x0], $0xffff  }
0x112: {  	v7 =	vmul.f32 v22, v1;
	v33 =	vnsel vm14, $0x9C40, v51;
	v8 =	vmul.f32 v8, v2;
	v36 =	vld.idx.msk [tilespmem:v56+s17+$0x0], $0xffff  }
0x113: {  	v19 =	vnsel vm15, $0x9C40, v53;
	v15 =	vmul.f32 v15, v2;
	v11 =	vadd.f32 v11, v6;
	v43 =	vld.idx.msk [tilespmem:v57+s17+$0x0], $0xffff  }
0x114: {  	v17 =	vmul.f32 v60, v2;
	v34 =	vadd.f32 v8, v5;
	v44 =	vld.idx.msk [tilespmem:v58+s17+$0x0], $0xffff;
	v12 =	vadd.f32 v13, v12  }
0x115: {  	v5 =	vmul.f32 v23, v1;
	v15 =	vadd.f32 v15, v4;
	v4 =	vmul.f32 v24, v1;
	v50 =	vld [tilespmem:s25+$0xFFFFFFD0]  }
0x116: {  	v17 =	vadd.f32 v17, v3;
	v51 =	vmul.f32 v9, v1;
	v52 =	vld [tilespmem:s25+$0xFFFFFFE0];
	v12 =	vmul.f32 v12, v2  }
0x117: {  	v3 =	vmul.f32 v25, v1;
	v54 =	vld [tilespmem:s25+$0xFFFFFFF0];
	v53 =	vand.u32 $0x10000, v46;
	v60 =	vand.u32 $0xFFFF, v47  }
0x118: {  	v56 =	vld [tilespmem:s25+$0x0];
	v24 =	vand.u32 $0x20000, v47;
	vm12 =	veq.s32 v53, $0x0;
	v12 =	vadd.f32 v12, v51  }
0x119: {  	v58 =	vld [tilespmem:s25+$0x10];
	vm15 =	veq.s32 v24, $0x0;
	v6 =	vadd.f32 v27, v31;
	v14 =	vadd.f32 v14, v32  }
0x11a: {  	v18 =	vadd.f32 v62, v61;
	v49 =	vadd.f32 v36, v63;
	v27 =	vand.u32 $0x20000, v46  }
0x11b: {  	v22 =	vadd.f32 v44, v43;
	v61 =	vand.u32 $0x10000, v47;
	v62 =	vand.u32 $0xFFFF, v48  }
0x11c: {  	v63 =	vand.u32 $0x10000, v48;
	v25 =	vand.u32 $0x20000, v50;
	v51 =	vand.u32 $0x10000, v52  }
0x11d: {  	v44 =	vand.u32 $0xFFFF, v54;
	v29 =	vand.u32 $0x20000, v54;
	v47 =	vand.u32 $0x10000, v56  }
0x11e: {  	v8 =	vld.idx.msk [tilespmem:v59+s17+$0x0], $0xffff;
	v30 =	vand.u32 $0x20000, v56;
	v53 =	vand.u32 $0x10000, v58;
	vm13 =	veq.s32 v27, $0x0  }
0x11f: {  	v37 =	vld.idx.msk [tilespmem:v40+s17+$0x0], $0xffff;
	vm14 =	veq.s32 v61, $0x0;
	v27 =	vadd.s32 $0x1, v60;
	vm10 =	veq.s32 v25, $0x0  }
0x120: {  	v40 =	vld.idx.msk [tilespmem:v41+s17+$0x0], $0xffff;
	vm7 =	veq.s32 v51, $0x0;
	v45 =	vmul.f32 v6, v2;
	v14 =	vmul.f32 v14, v2  }
0x121: {  	v42 =	vld.idx.msk [tilespmem:v42+s17+$0x0], $0xffff;
	v13 =	vmul.f32 v18, v2;
	v9 =	vmul.f32 v49, v2;
	v18 =	vand.u32 $0x20000, v48  }
0x122: {  	v33 =	vld.idx.msk [tilespmem:v33+s17+$0x0], $0xffff;
	v48 =	vand.u32 $0xFFFF, v50;
	v49 =	vand.u32 $0x10000, v50;
	v50 =	vand.u32 $0xFFFF, v52  }
0x123: {  	[tilespmem:s22+$0xFFFFFFE0] =	vst v10;
	v19 =	vld.idx.msk [tilespmem:v19+s17+$0x0], $0xffff;
	v27 =	vnsel vm15, $0x9C40, v27;
	v10 =	vadd.s32 $0x1, v48;
	v21 =	vadd.f32 v45, v21  }
0x124: {  	[tilespmem:s22+$0xFFFFFFF0] =	vst v11;
	v32 =	vld [tilespmem:s25+$0x20];
	v11 =	vadd.s32 $0xFFFFFFFF, v50;
	v14 =	vadd.f32 v14, v16;
	v13 =	vadd.f32 v13, v20  }
0x125: {  	v16 =	vand.u32 $0xFFFF, v46;
	v46 =	vand.u32 $0xFFFF, v56;
	v56 =	vadd.s32 $0xFFFFFFFF, v60;
	v25 =	vld.idx.msk [tilespmem:v62+s17+$0x0], $0xffff  }
0x126: {  	v57 =	vadd.s32 $0x1, v16;
	v39 =	vnsel vm14, $0x9C40, v56;
	vm14 =	veq.s32 v29, $0x0;
	v29 =	vld.idx.msk [tilespmem:v44+s17+$0x0], $0xffff  }
0x127: {  	v20 =	vand.u32 $0x20000, v52;
	v52 =	vand.u32 $0xFFFF, v58;
	v59 =	vnsel vm13, $0x9C40, v57;
	v57 =	vld.idx.msk [tilespmem:v60+s17+$0x0], $0xffff  }
0x128: {  	v45 =	vand.u32 $0x10000, v54;
	v10 =	vnsel vm10, $0x9C40, v10;
	vm5 =	veq.s32 v20, $0x0;
	v20 =	vld.idx.msk [tilespmem:v48+s17+$0x0], $0xffff  }
0x129: {  	v23 =	vand.u32 $0x20000, v58;
	v11 =	vnsel vm7, $0x9C40, v11;
	vm1 =	veq.s32 v45, $0x0;
	v45 =	vld.idx.msk [tilespmem:v50+s17+$0x0], $0xffff  }
0x12a: {  	v8 =	vadd.f32 v37, v8;
	vm6 =	veq.s32 v63, $0x0;
	v54 =	vand.u32 $0xFFFF, v32;
	v27 =	vld.idx.msk [tilespmem:v27+s17+$0x0], $0xffff  }
0x12b: {  	v35 =	vadd.s32 $0x1, v62;
	v58 =	vadd.s32 $0xFFFFFFFF, v62;
	v55 =	vadd.s32 $0xFFFFFFFF, v16;
	v16 =	vld.idx.msk [tilespmem:v16+s17+$0x0], $0xffff  }
0x12c: {  	[tilespmem:s22+$0x10] =	vst v15;
	vm11 =	veq.s32 v30, $0x0;
	v15 =	vadd.s32 $0xFFFFFFFF, v44;
	v43 =	vnsel vm6, $0x9C40, v58;
	v30 =	vld.idx.msk [tilespmem:v52+s17+$0x0], $0xffff  }
0x12d: {  	v63 =	vadd.s32 $0x1, v44;
	v19 =	vadd.f32 v19, v33;
	v28 =	vnsel vm12, $0x9C40, v55;
	v10 =	vld.idx.msk [tilespmem:v10+s17+$0x0], $0xffff  }
0x12e: {  	v6 =	vmul.f32 v26, v1;
	vm15 =	veq.s32 v47, $0x0;
	v62 =	vadd.s32 $0x1, v50;
	v11 =	vld.idx.msk [tilespmem:v11+s17+$0x0], $0xffff  }
0x12f: {  	[tilespmem:s22+$0x0] =	vst v34;
	v22 =	vmul.f32 v22, v2;
	v8 =	vmul.f32 v8, v2;
	v34 =	vnsel vm5, $0x9C40, v62;
	v24 =	vld.idx.msk [tilespmem:v54+s17+$0x0], $0xffff  }
0x130: {  	v7 =	vadd.f32 v9, v7;
	vm12 =	veq.s32 v18, $0x0;
	v15 =	vnsel vm1, $0x9C40, v15;
	v61 =	vld.idx.msk [tilespmem:v39+s17+$0x0], $0xffff  }
0x131: {  	vm13 =	veq.s32 v49, $0x0;
	v49 =	vadd.s32 $0x1, v46;
	v35 =	vnsel vm12, $0x9C40, v35;
	v47 =	vld.idx.msk [tilespmem:v43+s17+$0x0], $0xffff  }
0x132: {  	vm12 =	veq.s32 v53, $0x0;
	v50 =	vadd.s32 $0xFFFFFFFF, v52;
	v51 =	vnsel vm11, $0x9C40, v49;
	v28 =	vld.idx.msk [tilespmem:v28+s17+$0x0], $0xffff  }
0x133: {  	[tilespmem:s23+$0x4F00] =	vst v12;
	v5 =	vadd.f32 v22, v5;
	v4 =	vadd.f32 v8, v4;
	v12 =	vnsel vm12, $0x9C40, v50;
	v26 =	vld.idx.msk [tilespmem:v59+s17+$0x0], $0xffff  }
0x134: {  	[tilespmem:s22+$0x20] =	vst v17;
	v55 =	vand.u32 $0x10000, v32;
	v39 =	vnsel vm14, $0x9C40, v63;
	v59 =	vadd.s32 $0xFFFFFFFF, v48;
	v53 =	vld.idx.msk [tilespmem:v34+s17+$0x0], $0xffff  }
0x135: {  	v32 =	vand.u32 $0x20000, v32;
	[tilespmem:s24+$0xFFFFFFB0] =	vst v21;
	v48 =	vadd.s32 $0xFFFFFFFF, v46;
	v15 =	vld.idx.msk [tilespmem:v15+s17+$0x0], $0xffff;
	v60 =	vnsel vm13, $0x9C40, v59  }
0x136: {  	[tilespmem:s24+$0xFFFFFFC0] =	vst v14;
	v14 =	vadd.s32 $0xFFFFFFFF, v54;
	vm14 =	veq.s32 v55, $0x0;
	v35 =	vld.idx.msk [tilespmem:v35+s17+$0x0], $0xffff;
	v17 =	vnsel vm15, $0x9C40, v48  }
0x137: {  	[tilespmem:s24+$0xFFFFFFD0] =	vst v13;
	v13 =	vadd.s32 $0x1, v54;
	v54 =	vadd.f32 v42, v40;
	v14 =	vnsel vm14, $0x9C40, v14;
	v18 =	vld.idx.msk [tilespmem:v51+s17+$0x0], $0xffff  }
0x138: {  	v31 =	vadd.s32 $0x1, v52;
	[tilespmem:s24+$0xFFFFFFE0] =	vst v7;
	vm13 =	veq.s32 v23, $0x0;
	vm15 =	veq.s32 v32, $0x0;
	v12 =	vld.idx.msk [tilespmem:v12+s17+$0x0], $0xffff  }
0x139: {  	[tilespmem:s24+$0xFFFFFFF0] =	vst v5;
	v9 =	vmul.f32 v54, v2;
	v52 =	vnsel vm13, $0x9C40, v31;
	v55 =	vld.idx.msk [tilespmem:v39+s17+$0x0], $0xffff;
	v26 =	vadd.f32 v26, v28  }
0x13a: {  	[tilespmem:s24+$0x0] =	vst v4;
	v58 =	vmul.f32 v25, v1;
	v13 =	vnsel vm15, $0x9C40, v13;
	v16 =	vmul.f32 v16, v1;
	v38 =	vld.idx.msk [tilespmem:v60+s17+$0x0], $0xffff  }
0x13b: {  	v6 =	vadd.f32 v9, v6;
	v9 =	vadd.f32 v27, v61;
	v56 =	vld.idx.msk [tilespmem:v17+s17+$0x0], $0xffff;
	v26 =	vmul.f32 v26, v2  }
0x13c: {  	v28 =	vmul.f32 v57, v1;
	v57 =	vmul.f32 v19, v2;
	v14 =	vld.idx.msk [tilespmem:v14+s17+$0x0], $0xffff;
	v7 =	vadd.f32 v35, v47  }
0x13d: {  	v20 =	vmul.f32 v20, v1;
	v5 =	vmul.f32 v9, v2;
	v16 =	vadd.f32 v26, v16;
	v26 =	vld.idx.msk [tilespmem:v46+s17+$0x0], $0xffff  }
0x13e: {  	v21 =	vld.idx.msk [tilespmem:v52+s17+$0x0], $0xffff;
	v3 =	vadd.f32 v57, v3;
	v4 =	vmul.f32 v7, v2;
	v7 =	vadd.f32 v53, v11  }
0x13f: {  	v8 =	vmul.f32 v45, v1;
	v5 =	vadd.f32 v5, v28;
	v9 =	vadd.f32 v10, v38;
	v10 =	vld.idx.msk [tilespmem:v13+s17+$0x0], $0xffff  }
0x140: {  	[tilespmem:s24+$0x20] =	vst v3;
	v3 =	vadd.f32 v4, v58;
	v4 =	vmul.f32 v7, v2;
	v7 =	vadd.f32 v18, v56  }
0x141: {  	s28 =	sadd.s32 $0xA0, s24;
	v59 =	vmul.f32 v29, v1;
	[tilespmem:s24+$0x10] =	vst v6;
	v6 =	vmul.f32 v9, v2;
	v9 =	vadd.f32 v55, v15  }
0x142: {  	[tilespmem:s28+$0xFFFFFFB0] =	vst v5;
	v7 =	vmul.f32 v7, v2;
	v60 =	vmul.f32 v26, v1  }
0x143: {  	[tilespmem:s28+$0x40] =	vst v16;
	v5 =	vadd.f32 v6, v20;
	v6 =	vmul.f32 v9, v2;
	v9 =	vadd.f32 v21, v12  }
0x144: {  	[tilespmem:s28+$0xFFFFFFC0] =	vst v3;
	v4 =	vadd.f32 v4, v8;
	v8 =	vmul.f32 v30, v1;
	v3 =	vadd.f32 v10, v14  }
0x145: {  	v7 =	vadd.f32 v7, v60;
	[tilespmem:s28+$0xFFFFFFD0] =	vst v5;
	v5 =	vadd.f32 v6, v59;
	v6 =	vmul.f32 v9, v2  }
0x146: {  	[tilespmem:s28+$0xFFFFFFE0] =	vst v4;
	v9 =	vmul.f32 v24, v1;
	v3 =	vmul.f32 v3, v2  }
0x147: {  	[tilespmem:s28+$0x0] =	vst v7;
	v4 =	vadd.f32 v6, v8  }
0x148: {  	[tilespmem:s28+$0xFFFFFFF0] =	vst v5;
	v3 =	vadd.f32 v3, v9  }
0x149: {  	s29 =	simm.s32 $0x0;
	[tilespmem:s28+$0x10] =	vst v4  }
0x14a: {  	s22 =	sand.u32 $0x7FE0, s29;
	[tilespmem:s28+$0x20] =	vst v3  }
0x14b: {  	[hbm4b:s7+s10] =	stream.strided.scatter [tilespmem:s12], [sflag:$0x3], $0x4E80, s11, s10, $0x38;
	[tilespmem:$0x18900] =	vst v63  }
0x14c: {  	s30 =	simm.s32 $0x50;
	v3 =	vld [tilespmem:s22+$0x80]  }
0x14d: {  	v4 =	vld [tilespmem:s30+$0x40]  }
0x14e: {  	v5 =	vld [tilespmem:s30+$0xFFFFFFB0]  }
0x14f: {  	v6 =	vld [tilespmem:s30+$0xFFFFFFC0]  }
0x150: {  	v7 =	vld [tilespmem:s30+$0xFFFFFFD0]  }
0x151: {  	v8 =	vld [tilespmem:s30+$0xFFFFFFE0];
	v3 =	vand.u32 $0xFFFF, v3  }
0x152: {  	v9 =	vld [tilespmem:s30+$0xFFFFFFF0];
	v4 =	vand.u32 $0xFFFF, v4  }
0x153: {  	v10 =	vld [tilespmem:s30+$0x0];
	v5 =	vand.u32 $0xFFFF, v5  }
0x154: {  	s22 =	simm.s32 $0xA0;
	v11 =	vld [tilespmem:s30+$0x10];
	v6 =	vand.u32 $0xFFFF, v6  }
0x155: {  	v13 =	vld [tilespmem:s30+$0x20];
	s31 =	sand.u32 $0x7FE0, s22;
	v7 =	vand.u32 $0xFFFF, v7  }
0x156: {  	s23 =	simm.s32 $0xF0;
	v14 =	vld [tilespmem:s31+$0x80];
	v8 =	vand.u32 $0xFFFF, v8;
	[tilespmem:v3+s17+$0x0] =	vst.idx.msk $0xffff, v0  }
0x157: {  	v15 =	vld [tilespmem:s23+$0x40];
	v61 =	vand.u32 $0xFFFF, v9;
	[tilespmem:v4+s17+$0x0] =	vst.idx.msk $0xffff, v0  }
0x158: {  	v62 =	vld [tilespmem:s23+$0xFFFFFFB0];
	v63 =	vand.u32 $0xFFFF, v10;
	[tilespmem:v5+s17+$0x0] =	vst.idx.msk $0xffff, v0  }
0x159: {  	v9 =	vld [tilespmem:s23+$0xFFFFFFC0];
	v12 =	vand.u32 $0xFFFF, v11;
	[tilespmem:v6+s17+$0x0] =	vst.idx.msk $0xffff, v0  }
0x15a: {  	v10 =	vand.u32 $0xFFFF, v13;
	v5 =	vld [tilespmem:s23+$0xFFFFFFD0];
	[tilespmem:v7+s17+$0x0] =	vst.idx.msk $0xffff, v0  }
0x15b: {  	v11 =	vand.u32 $0xFFFF, v14;
	v3 =	vld [tilespmem:s23+$0xFFFFFFE0];
	[tilespmem:v8+s17+$0x0] =	vst.idx.msk $0xffff, v0  }
0x15c: {  	v4 =	vld [tilespmem:s23+$0xFFFFFFF0];
	[tilespmem:v61+s17+$0x0] =	vst.idx.msk $0xffff, v0;
	v6 =	vand.u32 $0xFFFF, v15  }
0x15d: {  	v7 =	vand.u32 $0xFFFF, v62;
	v8 =	vld [tilespmem:s23+$0x0];
	[tilespmem:v63+s17+$0x0] =	vst.idx.msk $0xffff, v0  }
.LBB2_8:
0x15e: {  	s22 =	sadd.s32 $0xA0, s22;
	v13 =	vand.u32 $0xFFFF, v9;
	v14 =	vld [tilespmem:s23+$0x10];
	[tilespmem:v12+s17+$0x0] =	vst.idx.msk $0xffff, v0  }
0x15f: {  	s24 =	sand.u32 $0x7FE0, s22;
	p0 =	slt.u32 s22, $0x4D80;
	v15 =	vand.u32 $0xFFFF, v5;
	v16 =	vld [tilespmem:s23+$0x20];
	[tilespmem:v10+s17+$0x0] =	vst.idx.msk $0xffff, v0  }
0x160: {  	s23 =	sadd.s32 $0xA0, s23;
	v17 =	vld [tilespmem:s24+$0x80];
	v18 =	vand.u32 $0xFFFF, v3;
	[tilespmem:v11+s17+$0x0] =	vst.idx.msk $0xffff, v0  }
0x161: {  	v19 =	vld [tilespmem:s23+$0x40];
	v20 =	vand.u32 $0xFFFF, v4;
	[tilespmem:v6+s17+$0x0] =	vst.idx.msk $0xffff, v0  }
0x162: {  	v21 =	vld [tilespmem:s23+$0xFFFFFFB0];
	[tilespmem:v7+s17+$0x0] =	vst.idx.msk $0xffff, v0;
	v22 =	vand.u32 $0xFFFF, v8  }
.Ltmp3:
0x163: {  	v9 =	vld [tilespmem:s23+$0xFFFFFFC0];
	[tilespmem:v13+s17+$0x0] =	vst.idx.msk $0xffff, v0;
	v12 =	vand.u32 $0xFFFF, v14;
	(pc) =	sbr.rel @p0 .LBB2_8-.Ltmp3, $4  }
0x164: {  	v5 =	vld [tilespmem:s23+$0xFFFFFFD0];
	[tilespmem:v15+s17+$0x0] =	vst.idx.msk $0xffff, v0;
	v10 =	vand.u32 $0xFFFF, v16  }
0x165: {  	v3 =	vld [tilespmem:s23+$0xFFFFFFE0];
	v11 =	vand.u32 $0xFFFF, v17;
	[tilespmem:v18+s17+$0x0] =	vst.idx.msk $0xffff, v0  }
0x166: {  	v4 =	vld [tilespmem:s23+$0xFFFFFFF0];
	v6 =	vand.u32 $0xFFFF, v19;
	[tilespmem:v20+s17+$0x0] =	vst.idx.msk $0xffff, v0  }
0x167: {  	v7 =	vand.u32 $0xFFFF, v21;
	v8 =	vld [tilespmem:s23+$0x0];
	[tilespmem:v22+s17+$0x0] =	vst.idx.msk $0xffff, v0  }
0x168: {  	_ =	sdelay $0x3  }
0x169: {  	v9 =	vand.u32 $0xFFFF, v9;
	v13 =	vld [tilespmem:s23+$0x10];
	[tilespmem:v12+s17+$0x0] =	vst.idx.msk $0xffff, v0  }
0x16a: {  	v61 =	vld [tilespmem:s23+$0x20];
	[tilespmem:v10+s17+$0x0] =	vst.idx.msk $0xffff, v0;
	v5 =	vand.u32 $0xFFFF, v5  }
0x16b: {  	[tilespmem:v11+s17+$0x0] =	vst.idx.msk $0xffff, v0;
	v3 =	vand.u32 $0xFFFF, v3  }
0x16c: {  	[tilespmem:v6+s17+$0x0] =	vst.idx.msk $0xffff, v0;
	v4 =	vand.u32 $0xFFFF, v4  }
0x16d: {  	[tilespmem:v7+s17+$0x0] =	vst.idx.msk $0xffff, v0;
	v6 =	vand.u32 $0xFFFF, v8  }
0x16e: {  	[tilespmem:v9+s17+$0x0] =	vst.idx.msk $0xffff, v0;
	v7 =	vand.u32 $0xFFFF, v13  }
0x16f: {  	[tilespmem:v5+s17+$0x0] =	vst.idx.msk $0xffff, v0;
	v5 =	vand.u32 $0xFFFF, v61  }
0x170: {  	[tilespmem:v3+s17+$0x0] =	vst.idx.msk $0xffff, v0  }
0x171: {  	[tilespmem:v4+s17+$0x0] =	vst.idx.msk $0xffff, v0  }
0x172: {  	[tilespmem:v6+s17+$0x0] =	vst.idx.msk $0xffff, v0  }
0x173: {  	[tilespmem:v7+s17+$0x0] =	vst.idx.msk $0xffff, v0  }
0x174: {  	[tilespmem:v5+s17+$0x0] =	vst.idx.msk $0xffff, v0  }
0x175: {  	_ =	swait.ge [sflag:s18], $0x4E80  }
0x176: {  	s22 =	simm.s32 $0x0;
	[sflag:s18] =	ssyncset.done $0x0  }
0x177: {  	s24 =	sand.u32 $0x7FE0, s22;
	[sflag:s18] =	ssyncadd.s32 $0xFFFFB180  }
0x178: {  	v3 =	vld [tilespmem:s24+$0x80];
	_ =	sdelay $0x1  }
0x179: {  	s25 =	simm.s32 $0xA0  }
0x17a: {  	s31 =	sand.u32 $0x7FE0, s25;
	v4 =	vld [tilespmem:s24+$0x9D80]  }
0x17b: {  	s23 =	simm.s32 $0x50;
	v8 =	vld [tilespmem:s31+$0x80]  }
0x17c: {  	v6 =	vld [tilespmem:s23+$0xFFFFFFC0];
	v5 =	vand.u32 $0xFFFF, v3  }
0x17d: {  	v7 =	vld [tilespmem:s23+$0xFFFFFFD0]  }
0x17e: {  	s22 =	simm.s32 $0x9D50;
	v9 =	vld [tilespmem:s23+$0xFFFFFFE0]  }
0x17f: {  	v10 =	vld [tilespmem:s22+$0x40]  }
0x180: {  	v11 =	vld [tilespmem:s23+$0xFFFFFFF0]  }
0x181: {  	[tilespmem:v5+s17+$0x0] =	vst.idx.add.f32.msk $0xffff, v4  }
0x182: {  	v4 =	vld [tilespmem:s23+$0x40]  }
0x183: {  	v62 =	vld [tilespmem:s23+$0x0]  }
0x184: {  	v63 =	vld [tilespmem:s23+$0x10]  }
0x185: {  	v14 =	vld [tilespmem:s23+$0x20]  }
0x186: {  	v15 =	vld [tilespmem:s22+$0xFFFFFFC0]  }
0x187: {  	v16 =	vld [tilespmem:s22+$0xFFFFFFD0];
	v4 =	vand.u32 $0xFFFF, v4  }
0x188: {  	v5 =	vld [tilespmem:s23+$0xFFFFFFB0]  }
0x189: {  	v17 =	vld [tilespmem:s22+$0xFFFFFFE0]  }
0x18a: {  	v19 =	vld [tilespmem:s22+$0xFFFFFFF0]  }
0x18b: {  	v20 =	vld [tilespmem:s22+$0x0];
	v18 =	vand.u32 $0xFFFF, v6  }
0x18c: {  	[tilespmem:v4+s17+$0x0] =	vst.idx.add.f32.msk $0xffff, v10  }
0x18d: {  	v5 =	vand.u32 $0xFFFF, v5;
	v10 =	vld [tilespmem:s22+$0xFFFFFFB0]  }
0x18e: {  	v3 =	vld [tilespmem:s31+$0x9D80];
	v7 =	vand.u32 $0xFFFF, v7  }
0x18f: {  	v9 =	vand.u32 $0xFFFF, v9;
	v6 =	vld [tilespmem:s22+$0x20]  }
0x190: {  	v11 =	vand.u32 $0xFFFF, v11;
	[tilespmem:v18+s17+$0x0] =	vst.idx.add.f32.msk $0xffff, v15  }
0x191: {  	v12 =	vand.u32 $0xFFFF, v62;
	v4 =	vld [tilespmem:s22+$0x10]  }
0x192: {  	[tilespmem:v5+s17+$0x0] =	vst.idx.add.f32.msk $0xffff, v10;
	v5 =	vand.u32 $0xFFFF, v63  }
0x193: {  	[tilespmem:v7+s17+$0x0] =	vst.idx.add.f32.msk $0xffff, v16;
	v7 =	vand.u32 $0xFFFF, v14  }
0x194: {  	[tilespmem:v9+s17+$0x0] =	vst.idx.add.f32.msk $0xffff, v17  }
0x195: {  	[tilespmem:v11+s17+$0x0] =	vst.idx.add.f32.msk $0xffff, v19  }
0x196: {  	s28 =	simm.s32 $0x50;
	s26 =	simm.s32 $0x9D50;
	v8 =	vand.u32 $0xFFFF, v8;
	[tilespmem:v12+s17+$0x0] =	vst.idx.add.f32.msk $0xffff, v20  }
.LBB2_10:
0x197: {  	s25 =	sadd.s32 $0xA0, s25;
	[tilespmem:v5+s17+$0x0] =	vst.idx.add.f32.msk $0xffff, v4  }
0x198: {  	s29 =	sand.u32 $0x7FE0, s25;
	[tilespmem:v7+s17+$0x0] =	vst.idx.add.f32.msk $0xffff, v6  }
0x199: {  	v4 =	vld [tilespmem:s29+$0x9D80]  }
0x19a: {  	p0 =	slt.u32 s25, $0x4D80;
	v9 =	vld [tilespmem:s29+$0x80]  }
0x19b: {  	s28 =	sadd.s32 $0xA0, s28;
	[tilespmem:v8+s17+$0x0] =	vst.idx.add.f32.msk $0xffff, v3  }
0x19c: {  	v5 =	vld [tilespmem:s28+$0x40]  }
0x19d: {  	v6 =	vld [tilespmem:s28+$0xFFFFFFB0]  }
0x19e: {  	v7 =	vld [tilespmem:s28+$0xFFFFFFC0];
	v3 =	vmov v4  }
0x19f: {  	v4 =	vld [tilespmem:s28+$0xFFFFFFD0]  }
0x1a0: {  	s26 =	sadd.s32 $0xA0, s26;
	v8 =	vld [tilespmem:s28+$0xFFFFFFE0]  }
0x1a1: {  	v10 =	vld [tilespmem:s26+$0x40];
	v5 =	vand.u32 $0xFFFF, v5  }
0x1a2: {  	v11 =	vand.u32 $0xFFFF, v6;
	v6 =	vld [tilespmem:s28+$0xFFFFFFF0]  }
0x1a3: {  	v12 =	vand.u32 $0xFFFF, v7;
	v7 =	vld [tilespmem:s28+$0x0]  }
0x1a4: {  	v13 =	vand.u32 $0xFFFF, v4;
	v4 =	vld [tilespmem:s28+$0x10]  }
0x1a5: {  	v8 =	vand.u32 $0xFFFF, v8;
	v14 =	vld [tilespmem:s28+$0x20]  }
0x1a6: {  	[tilespmem:v5+s17+$0x0] =	vst.idx.add.f32.msk $0xffff, v10  }
0x1a7: {  	v10 =	vld [tilespmem:s26+$0xFFFFFFB0];
	v15 =	vand.u32 $0xFFFF, v6  }
0x1a8: {  	v16 =	vld [tilespmem:s26+$0xFFFFFFC0];
	v17 =	vand.u32 $0xFFFF, v7  }
0x1a9: {  	v18 =	vld [tilespmem:s26+$0xFFFFFFD0];
	v5 =	vand.u32 $0xFFFF, v4  }
0x1aa: {  	v19 =	vld [tilespmem:s26+$0xFFFFFFE0];
	v7 =	vand.u32 $0xFFFF, v14  }
0x1ab: {  	v14 =	vld [tilespmem:s26+$0xFFFFFFF0]  }
0x1ac: {  	v20 =	vld [tilespmem:s26+$0x0]  }
0x1ad: {  	v4 =	vld [tilespmem:s26+$0x10]  }
0x1ae: {  	v6 =	vld [tilespmem:s26+$0x20]  }
0x1af: {  	[tilespmem:v11+s17+$0x0] =	vst.idx.add.f32.msk $0xffff, v10  }
.Ltmp4:
0x1b0: {  	[tilespmem:v12+s17+$0x0] =	vst.idx.add.f32.msk $0xffff, v16;
	(pc) =	sbr.rel @p0 .LBB2_10-.Ltmp4, $4  }
0x1b1: {  	[tilespmem:v13+s17+$0x0] =	vst.idx.add.f32.msk $0xffff, v18  }
0x1b2: {  	[tilespmem:v8+s17+$0x0] =	vst.idx.add.f32.msk $0xffff, v19  }
0x1b3: {  	[tilespmem:v15+s17+$0x0] =	vst.idx.add.f32.msk $0xffff, v14  }
0x1b4: {  	v8 =	vand.u32 $0xFFFF, v9;
	[tilespmem:v17+s17+$0x0] =	vst.idx.add.f32.msk $0xffff, v20  }
0x1b5: {  	_ =	sdelay $0x3  }
0x1b6: {  	[tilespmem:v5+s17+$0x0] =	vst.idx.add.f32.msk $0xffff, v4  }
0x1b7: {  	[tilespmem:v7+s17+$0x0] =	vst.idx.add.f32.msk $0xffff, v6  }
0x1b8: {  	[tilespmem:v8+s17+$0x0] =	vst.idx.add.f32.msk $0xffff, v3;
	s25 =	sadd.s32 $0xA0, s28  }
0x1b9: {  	v3 =	vld [tilespmem:s25+$0x40]  }
0x1ba: {  	v4 =	vld [tilespmem:s25+$0xFFFFFFB0]  }
0x1bb: {  	v5 =	vld [tilespmem:s25+$0xFFFFFFC0]  }
0x1bc: {  	v6 =	vld [tilespmem:s25+$0xFFFFFFD0]  }
0x1bd: {  	s26 =	sadd.s32 $0xA0, s26;
	v7 =	vld [tilespmem:s25+$0xFFFFFFE0]  }
0x1be: {  	v8 =	vld [tilespmem:s26+$0x40]  }
0x1bf: {  	v9 =	vld [tilespmem:s25+$0xFFFFFFF0]  }
0x1c0: {  	v10 =	vld [tilespmem:s25+$0x0]  }
0x1c1: {  	v11 =	vld [tilespmem:s25+$0x10]  }
0x1c2: {  	v12 =	vld [tilespmem:s25+$0x20];
	v3 =	vand.u32 $0xFFFF, v3  }
0x1c3: {  	v13 =	vld [tilespmem:s26+$0xFFFFFFD0]  }
0x1c4: {  	v14 =	vld [tilespmem:s26+$0xFFFFFFE0]  }
0x1c5: {  	v15 =	vld [tilespmem:s26+$0xFFFFFFF0]  }
0x1c6: {  	v16 =	vld [tilespmem:s26+$0x0]  }
0x1c7: {  	v6 =	vand.u32 $0xFFFF, v6;
	[tilespmem:v3+s17+$0x0] =	vst.idx.add.f32.msk $0xffff, v8  }
0x1c8: {  	v4 =	vand.u32 $0xFFFF, v4;
	v3 =	vld [tilespmem:s26+$0xFFFFFFB0]  }
0x1c9: {  	v17 =	vld [tilespmem:s26+$0x10];
	v7 =	vand.u32 $0xFFFF, v7  }
0x1ca: {  	v18 =	vld [tilespmem:s26+$0x20];
	v9 =	vand.u32 $0xFFFF, v9  }
0x1cb: {  	v10 =	vand.u32 $0xFFFF, v10;
	v8 =	vld [tilespmem:s26+$0xFFFFFFC0]  }
0x1cc: {  	v5 =	vand.u32 $0xFFFF, v5;
	[tilespmem:v6+s17+$0x0] =	vst.idx.add.f32.msk $0xffff, v13  }
0x1cd: {  	[tilespmem:v4+s17+$0x0] =	vst.idx.add.f32.msk $0xffff, v3;
	v3 =	vand.u32 $0xFFFF, v11  }
0x1ce: {  	[tilespmem:v7+s17+$0x0] =	vst.idx.add.f32.msk $0xffff, v14;
	v4 =	vand.u32 $0xFFFF, v12  }
0x1cf: {  	[tilespmem:v9+s17+$0x0] =	vst.idx.add.f32.msk $0xffff, v15  }
0x1d0: {  	[tilespmem:v10+s17+$0x0] =	vst.idx.add.f32.msk $0xffff, v16  }
0x1d1: {  	[tilespmem:v5+s17+$0x0] =	vst.idx.add.f32.msk $0xffff, v8  }
0x1d2: {  	[tilespmem:v3+s17+$0x0] =	vst.idx.add.f32.msk $0xffff, v17  }
0x1d3: {  	s30 =	simm.s32 $0xA0;
	[tilespmem:v4+s17+$0x0] =	vst.idx.add.f32.msk $0xffff, v18  }
0x1d4: {  	s31 =	sand.u32 $0x7FE0, s30;
	v3 =	vld [tilespmem:s24+$0x80]  }
0x1d5: {  	v6 =	vld [tilespmem:s31+$0x80]  }
0x1d6: {  	v7 =	vld [tilespmem:s23+$0x40]  }
0x1d7: {  	v10 =	vld [tilespmem:s23+$0xFFFFFFC0];
	_ =	sdelay $0x1  }
0x1d8: {  	v13 =	vld [tilespmem:s23+$0xFFFFFFD0];
	v4 =	vand.u32 $0xFFFF, v3  }
0x1d9: {  	v15 =	vld [tilespmem:s23+$0x0];
	v5 =	vand.u32 $0x10000, v3;
	v3 =	vand.u32 $0x20000, v3;
	v8 =	vand.u32 $0x10000, v6  }
0x1da: {  	v9 =	vand.u32 $0xFFFF, v6;
	v6 =	vand.u32 $0x20000, v6;
	v11 =	vand.u32 $0xFFFF, v7  }
0x1db: {  	v12 =	vand.u32 $0x10000, v7;
	v19 =	vand.u32 $0xFFFF, v10;
	v20 =	vand.u32 $0x10000, v10  }
0x1dc: {  	v10 =	vand.u32 $0x20000, v10;
	vm0 =	veq.s32 v5, $0x0;
	v5 =	vadd.s32 $0xFFFFFFFF, v4  }
0x1dd: {  	v14 =	vld [tilespmem:s23+$0xFFFFFFE0];
	vm1 =	veq.s32 v3, $0x0;
	v3 =	vnsel vm0, $0x9C40, v5;
	v5 =	vadd.s32 $0x1, v4  }
0x1de: {  	v18 =	vld [tilespmem:s23+$0x10];
	v22 =	vand.u32 $0xFFFF, v13;
	v29 =	vand.u32 $0x10000, v15;
	v5 =	vnsel vm1, $0x9C40, v5  }
0x1df: {  	s26 =	simm.s32 $0xF0;
	v21 =	vld [tilespmem:s23+$0x20];
	vm5 =	veq.s32 v20, $0x0;
	v34 =	vadd.s32 $0xFFFFFFFF, v19;
	vm3 =	veq.s32 v10, $0x0  }
0x1e0: {  	v62 =	vld [tilespmem:s26+$0x10];
	v10 =	vadd.s32 $0x1, v19;
	vm10 =	veq.s32 v29, $0x0;
	v29 =	vnsel vm5, $0x9C40, v34  }
0x1e1: {  	v23 =	vand.u32 $0x10000, v13;
	v13 =	vand.u32 $0x20000, v13;
	v10 =	vnsel vm3, $0x9C40, v10  }
0x1e2: {  	v24 =	vand.u32 $0xFFFF, v14;
	v25 =	vand.u32 $0x10000, v14;
	v14 =	vand.u32 $0x20000, v14;
	v3 =	vld.idx.msk [tilespmem:v3+s17+$0x0], $0xffff  }
0x1e3: {  	v28 =	vand.u32 $0xFFFF, v15;
	v15 =	vand.u32 $0x20000, v15;
	v30 =	vand.u32 $0xFFFF, v18;
	v5 =	vld.idx.msk [tilespmem:v5+s17+$0x0], $0xffff  }
0x1e4: {  	v31 =	vand.u32 $0x10000, v18;
	v18 =	vand.u32 $0x20000, v18;
	v32 =	vand.u32 $0xFFFF, v21;
	v4 =	vld.idx.msk [tilespmem:v4+s17+$0x0], $0xffff  }
0x1e5: {  	v33 =	vand.u32 $0x10000, v21;
	v21 =	vand.u32 $0x20000, v21;
	v54 =	vand.u32 $0xFFFF, v62;
	v29 =	vld.idx.msk [tilespmem:v29+s17+$0x0], $0xffff  }
0x1e6: {  	v55 =	vand.u32 $0x10000, v62;
	v56 =	vand.u32 $0x20000, v62;
	vm2 =	veq.s32 v25, $0x0;
	v10 =	vld.idx.msk [tilespmem:v10+s17+$0x0], $0xffff  }
0x1e7: {  	vm7 =	veq.s32 v14, $0x0;
	v14 =	vadd.s32 $0x1, v24;
	vm12 =	veq.s32 v55, $0x0  }
0x1e8: {  	vm13 =	veq.s32 v56, $0x0;
	vm0 =	veq.s32 v8, $0x0;
	v3 =	vadd.f32 v5, v3  }
0x1e9: {  	v8 =	vadd.s32 $0xFFFFFFFF, v9;
	vm5 =	veq.s32 v18, $0x0;
	vm1 =	veq.s32 v6, $0x0;
	v6 =	vld [tilespmem:s23+$0xFFFFFFB0]  }
0x1ea: {  	vm3 =	veq.s32 v33, $0x0;
	v19 =	vld.idx.msk [tilespmem:v19+s17+$0x0], $0xffff;
	v4 =	vmul.f32 v4, v1;
	v3 =	vmul.f32 v3, v2  }
0x1eb: {  	v35 =	vld.idx.msk [tilespmem:v22+s17+$0x0], $0xffff;
	v10 =	vadd.f32 v10, v29;
	v5 =	vnsel vm0, $0x9C40, v8;
	vm0 =	veq.s32 v12, $0x0  }
0x1ec: {  	v12 =	vadd.s32 $0xFFFFFFFF, v11;
	v16 =	vadd.f32 v3, v4;
	v3 =	vand.u32 $0x20000, v7  }
0x1ed: {  	v29 =	vld [tilespmem:s26+$0xFFFFFFF0];
	v4 =	vnsel vm0, $0x9C40, v12;
	vm0 =	veq.s32 v3, $0x0;
	v3 =	vadd.s32 $0x1, v11  }
0x1ee: {  	v14 =	vnsel vm7, $0x9C40, v14;
	v36 =	vld.idx.msk [tilespmem:v30+s17+$0x0], $0xffff;
	v8 =	vadd.s32 $0x1, v9;
	v3 =	vnsel vm0, $0x9C40, v3  }
0x1ef: {  	v17 =	vand.u32 $0x10000, v6;
	v8 =	vnsel vm1, $0x9C40, v8;
	vm1 =	veq.s32 v13, $0x0;
	v13 =	vld.idx.msk [tilespmem:v24+s17+$0x0], $0xffff  }
0x1f0: {  	vm4 =	veq.s32 v17, $0x0;
	v19 =	vmul.f32 v19, v1;
	v35 =	vmul.f32 v35, v1;
	v7 =	vld [tilespmem:s23+$0xFFFFFFF0]  }
0x1f1: {  	v10 =	vmul.f32 v10, v2;
	v12 =	vand.u32 $0xFFFF, v6;
	v6 =	vand.u32 $0x20000, v6;
	v11 =	vld.idx.msk [tilespmem:v11+s17+$0x0], $0xffff  }
0x1f2: {  	v47 =	vand.u32 $0xFFFF, v29;
	v48 =	vand.u32 $0x10000, v29;
	v17 =	vadd.s32 $0xFFFFFFFF, v12;
	v4 =	vld.idx.msk [tilespmem:v4+s17+$0x0], $0xffff  }
0x1f3: {  	vm6 =	veq.s32 v6, $0x0;
	v6 =	vadd.s32 $0x1, v12;
	v17 =	vnsel vm4, $0x9C40, v17;
	v3 =	vld.idx.msk [tilespmem:v3+s17+$0x0], $0xffff  }
0x1f4: {  	v18 =	vld.idx.msk [tilespmem:v5+s17+$0x0], $0xffff;
	v5 =	vadd.s32 $0xFFFFFFFF, v32;
	vm0 =	veq.s32 v23, $0x0;
	v23 =	vadd.s32 $0xFFFFFFFF, v22  }
0x1f5: {  	vm4 =	veq.s32 v15, $0x0;
	v6 =	vnsel vm6, $0x9C40, v6;
	vm6 =	veq.s32 v31, $0x0;
	v31 =	vld.idx.msk [tilespmem:v9+s17+$0x0], $0xffff  }
0x1f6: {  	v15 =	vadd.s32 $0x1, v28;
	v9 =	vadd.s32 $0x1, v30;
	v8 =	vld.idx.msk [tilespmem:v8+s17+$0x0], $0xffff;
	v26 =	vand.u32 $0xFFFF, v7  }
0x1f7: {  	v23 =	vnsel vm0, $0x9C40, v23;
	v27 =	vand.u32 $0x10000, v7;
	v7 =	vand.u32 $0x20000, v7;
	v12 =	vld.idx.msk [tilespmem:v12+s17+$0x0], $0xffff  }
0x1f8: {  	v11 =	vmul.f32 v11, v1;
	vm9 =	veq.s32 v7, $0x0;
	v17 =	vld.idx.msk [tilespmem:v17+s17+$0x0], $0xffff;
	v3 =	vadd.f32 v3, v4  }
0x1f9: {  	v7 =	vadd.s32 $0xFFFFFFFF, v28;
	v4 =	vadd.s32 $0x1, v22;
	v22 =	vadd.s32 $0xFFFFFFFF, v24;
	v24 =	vld.idx.msk [tilespmem:v28+s17+$0x0], $0xffff  }
0x1fa: {  	v28 =	vadd.s32 $0xFFFFFFFF, v30;
	v30 =	vld.idx.msk [tilespmem:v6+s17+$0x0], $0xffff;
	v4 =	vnsel vm1, $0x9C40, v4;
	v3 =	vmul.f32 v3, v2  }
0x1fb: {  	s25 =	simm.s32 $0x140;
	v37 =	vnsel vm3, $0x9C40, v5;
	vm0 =	veq.s32 v21, $0x0;
	vm8 =	veq.s32 v27, $0x0;
	v25 =	vld.idx.msk [tilespmem:v26+s17+$0x0], $0xffff  }
0x1fc: {  	s23 =	sand.u32 $0x7FE0, s25;
	v27 =	vadd.s32 $0xFFFFFFFF, v26;
	v22 =	vnsel vm2, $0x9C40, v22;
	v20 =	vadd.f32 v3, v11;
	v11 =	vld.idx.msk [tilespmem:v32+s17+$0x0], $0xffff  }
0x1fd: {  	v21 =	vadd.s32 $0x1, v32;
	v27 =	vnsel vm8, $0x9C40, v27;
	v3 =	vadd.s32 $0x1, v26;
	v26 =	vld [tilespmem:s23+$0x80]  }
0x1fe: {  	v15 =	vnsel vm4, $0x9C40, v15;
	v59 =	vnsel vm5, $0x9C40, v9;
	v23 =	vld.idx.msk [tilespmem:v23+s17+$0x0], $0xffff;
	v57 =	vnsel vm9, $0x9C40, v3  }
0x1ff: {  	v58 =	vnsel vm10, $0x9C40, v7;
	v7 =	vmul.f32 v13, v1;
	v17 =	vadd.f32 v30, v17;
	v38 =	vld.idx.msk [tilespmem:v4+s17+$0x0], $0xffff  }
0x200: {  	v14 =	vld.idx.msk [tilespmem:v14+s17+$0x0], $0xffff;
	v21 =	vnsel vm0, $0x9C40, v21;
	v12 =	vmul.f32 v12, v1;
	v6 =	vmul.f32 v25, v1  }
0x201: {  	v18 =	vadd.f32 v8, v18;
	v5 =	vmul.f32 v24, v1;
	v13 =	vld.idx.msk [tilespmem:v22+s17+$0x0], $0xffff;
	v17 =	vmul.f32 v17, v2  }
0x202: {  	v22 =	vld.idx.msk [tilespmem:v27+s17+$0x0], $0xffff;
	v3 =	vmul.f32 v11, v1;
	v9 =	vand.u32 $0xFFFF, v26;
	v11 =	vand.u32 $0x10000, v26  }
0x203: {  	v24 =	vand.u32 $0x20000, v26;
	v26 =	vadd.f32 v17, v12;
	v25 =	vld.idx.msk [tilespmem:v57+s17+$0x0], $0xffff;
	vm0 =	veq.s32 v11, $0x0  }
0x204: {  	v11 =	vadd.s32 $0xFFFFFFFF, v9;
	vm1 =	veq.s32 v24, $0x0;
	v24 =	vld [tilespmem:s26+$0x40];
	v17 =	vadd.f32 v38, v23  }
0x205: {  	v18 =	vmul.f32 v18, v2;
	v12 =	vnsel vm0, $0x9C40, v11;
	v11 =	vadd.s32 $0x1, v9  }
0x206: {  	v41 =	vld [tilespmem:s26+$0x20];
	v23 =	vadd.f32 v10, v19;
	v14 =	vadd.f32 v14, v13;
	v10 =	vmul.f32 v17, v2  }
0x207: {  	v8 =	vld.idx.msk [tilespmem:v58+s17+$0x0], $0xffff;
	v28 =	vnsel vm6, $0x9C40, v28;
	v19 =	vmul.f32 v31, v1;
	v13 =	vnsel vm1, $0x9C40, v11  }
0x208: {  	v27 =	vld [tilespmem:s26+$0xFFFFFFC0];
	v39 =	vadd.f32 v10, v35;
	v10 =	vmul.f32 v14, v2;
	v11 =	vadd.f32 v25, v22  }
0x209: {  	[tilespmem:s22+$0xFFFFFFB0] =	vst v26;
	v26 =	vld.idx.msk [tilespmem:v54+s17+$0x0], $0xffff;
	v25 =	vadd.f32 v18, v19;
	v18 =	vand.u32 $0xFFFF, v24;
	v14 =	vand.u32 $0x10000, v24  }
0x20a: {  	v17 =	vld [tilespmem:s26+$0xFFFFFFB0];
	v24 =	vand.u32 $0x20000, v24;
	vm0 =	veq.s32 v14, $0x0;
	v14 =	vadd.s32 $0xFFFFFFFF, v18  }
0x20b: {  	v22 =	vld [tilespmem:s26+$0xFFFFFFD0];
	v30 =	vnsel vm0, $0x9C40, v14;
	vm0 =	veq.s32 v24, $0x0;
	v14 =	vadd.s32 $0x1, v18  }
0x20c: {  	v50 =	vand.u32 $0x20000, v29;
	v29 =	vand.u32 $0x10000, v41;
	v19 =	vld [tilespmem:s26+$0xFFFFFFE0];
	v61 =	vnsel vm0, $0x9C40, v14  }
0x20d: {  	vm8 =	veq.s32 v48, $0x0;
	vm9 =	veq.s32 v50, $0x0;
	v4 =	vmul.f32 v36, v1;
	v24 =	vld [tilespmem:s26+$0x0]  }
0x20e: {  	v60 =	vand.u32 $0xFFFF, v27;
	v40 =	vand.u32 $0x10000, v27;
	v27 =	vand.u32 $0x20000, v27;
	v14 =	vld.idx.msk [tilespmem:v15+s17+$0x0], $0xffff  }
0x20f: {  	v38 =	vadd.s32 $0xFFFFFFFF, v47;
	vm2 =	veq.s32 v40, $0x0;
	vm3 =	veq.s32 v27, $0x0;
	v15 =	vld.idx.msk [tilespmem:v28+s17+$0x0], $0xffff  }
0x210: {  	[tilespmem:s22+$0xFFFFFFD0] =	vst v39;
	v39 =	vadd.s32 $0x1, v47;
	v32 =	vand.u32 $0xFFFF, v17;
	v31 =	vand.u32 $0x10000, v17;
	v49 =	vld.idx.msk [tilespmem:v30+s17+$0x0], $0xffff  }
0x211: {  	v63 =	vand.u32 $0x20000, v17;
	v28 =	vand.u32 $0xFFFF, v41;
	vm0 =	veq.s32 v31, $0x0;
	v33 =	vld.idx.msk [tilespmem:v61+s17+$0x0], $0xffff  }
0x212: {  	[tilespmem:s22+$0xFFFFFFC0] =	vst v23;
	v23 =	vld.idx.msk [tilespmem:v47+s17+$0x0], $0xffff;
	vm1 =	veq.s32 v63, $0x0;
	v31 =	vadd.s32 $0xFFFFFFFF, v32;
	v27 =	vadd.s32 $0x1, v32  }
0x213: {  	v51 =	vand.u32 $0xFFFF, v24;
	v52 =	vand.u32 $0x10000, v24;
	v53 =	vand.u32 $0x20000, v24;
	v24 =	vld.idx.msk [tilespmem:v18+s17+$0x0], $0xffff  }
0x214: {  	[tilespmem:s24+$0x9D80] =	vst v16;
	v16 =	vld.idx.msk [tilespmem:v60+s17+$0x0], $0xffff;
	v42 =	vand.u32 $0xFFFF, v22;
	v43 =	vand.u32 $0x10000, v22;
	v22 =	vand.u32 $0x20000, v22  }
0x215: {  	v17 =	vld.idx.msk [tilespmem:v59+s17+$0x0], $0xffff;
	v44 =	vand.u32 $0xFFFF, v19;
	v45 =	vand.u32 $0x10000, v19;
	v46 =	vand.u32 $0x20000, v19  }
0x216: {  	v19 =	vld.idx.msk [tilespmem:v21+s17+$0x0], $0xffff;
	vm4 =	veq.s32 v43, $0x0;
	vm5 =	veq.s32 v22, $0x0;
	v61 =	vadd.f32 v33, v49  }
0x217: {  	v34 =	vadd.s32 $0xFFFFFFFF, v42;
	vm6 =	veq.s32 v45, $0x0;
	v35 =	vadd.s32 $0x1, v42;
	v18 =	vld.idx.msk [tilespmem:v37+s17+$0x0], $0xffff  }
0x218: {  	vm7 =	veq.s32 v46, $0x0;
	v21 =	vld.idx.msk [tilespmem:v32+s17+$0x0], $0xffff;
	v24 =	vmul.f32 v24, v1;
	v62 =	vmul.f32 v61, v2  }
0x219: {  	[tilespmem:s31+$0x9D80] =	vst v25;
	v36 =	vadd.s32 $0xFFFFFFFF, v44;
	v43 =	vadd.s32 $0x1, v54;
	v30 =	vand.u32 $0x20000, v41;
	v25 =	vld.idx.msk [tilespmem:v28+s17+$0x0], $0xffff  }
0x21a: {  	[tilespmem:s22+$0x40] =	vst v20;
	v37 =	vadd.s32 $0x1, v44;
	v32 =	vadd.s32 $0xFFFFFFFF, v60;
	v20 =	vld.idx.msk [tilespmem:v42+s17+$0x0], $0xffff;
	v63 =	vadd.f32 v62, v24  }
0x21b: {  	s24 =	simm.s32 $0x9DF0;
	vm10 =	veq.s32 v52, $0x0;
	v40 =	vadd.s32 $0xFFFFFFFF, v51;
	vm11 =	veq.s32 v53, $0x0;
	v22 =	vld.idx.msk [tilespmem:v44+s17+$0x0], $0xffff  }
0x21c: {  	v41 =	vadd.s32 $0x1, v51;
	v42 =	vadd.s32 $0xFFFFFFFF, v54;
	v33 =	vadd.s32 $0x1, v60;
	v24 =	vld.idx.msk [tilespmem:v51+s17+$0x0], $0xffff;
	[tilespmem:s24+$0x40] =	vst v63  }
.LBB2_12:
0x21d: {  	s25 =	sadd.s32 $0xA0, s25;
	vm14 =	veq.s32 v29, $0x0;
	v29 =	vadd.s32 $0xFFFFFFFF, v28;
	vm15 =	veq.s32 v30, $0x0  }
0x21e: {  	v30 =	vnsel vm0, $0x9C40, v31;
	v31 =	vnsel vm1, $0x9C40, v27;
	v27 =	vadd.s32 $0x1, v28;
	s28 =	sand.u32 $0x7FE0, s25;
	p0 =	slt.u32 s25, $0x4D80  }
0x21f: {  	v32 =	vnsel vm2, $0x9C40, v32;
	v33 =	vnsel vm3, $0x9C40, v33;
	v34 =	vnsel vm4, $0x9C40, v34;
	v44 =	vld [tilespmem:s28+$0x80]  }
0x220: {  	v45 =	vld.idx.msk [tilespmem:v9+s17+$0x0], $0xffff;
	v9 =	vnsel vm5, $0x9C40, v35;
	v35 =	vnsel vm6, $0x9C40, v36;
	v36 =	vnsel vm7, $0x9C40, v37  }
0x221: {  	v37 =	vld.idx.msk [tilespmem:v12+s17+$0x0], $0xffff;
	v12 =	vnsel vm8, $0x9C40, v38;
	v38 =	vnsel vm9, $0x9C40, v39;
	v39 =	vnsel vm10, $0x9C40, v40  }
0x222: {  	v40 =	vnsel vm11, $0x9C40, v41;
	v41 =	vnsel vm12, $0x9C40, v42;
	v42 =	vnsel vm13, $0x9C40, v43;
	v13 =	vld.idx.msk [tilespmem:v13+s17+$0x0], $0xffff  }
0x223: {  	v8 =	vadd.f32 v14, v8;
	v28 =	vnsel vm14, $0x9C40, v29;
	v27 =	vnsel vm15, $0x9C40, v27;
	v30 =	vld.idx.msk [tilespmem:v30+s17+$0x0], $0xffff  }
0x224: {  	v11 =	vmul.f32 v11, v2;
	v15 =	vadd.f32 v17, v15;
	v17 =	vadd.f32 v19, v18;
	v14 =	vld.idx.msk [tilespmem:v31+s17+$0x0], $0xffff  }
0x225: {  	v18 =	vmul.f32 v21, v1;
	v10 =	vadd.f32 v10, v7;
	v7 =	vmul.f32 v8, v2;
	v19 =	vld.idx.msk [tilespmem:v32+s17+$0x0], $0xffff  }
0x226: {  	v11 =	vadd.f32 v11, v6;
	v15 =	vmul.f32 v15, v2;
	v17 =	vmul.f32 v17, v2;
	v8 =	vld.idx.msk [tilespmem:v33+s17+$0x0], $0xffff  }
0x227: {  	v16 =	vmul.f32 v16, v1;
	v20 =	vmul.f32 v20, v1;
	v29 =	vadd.f32 v7, v5;
	v21 =	vld.idx.msk [tilespmem:v34+s17+$0x0], $0xffff  }
0x228: {  	v6 =	vmul.f32 v23, v1;
	v7 =	vmul.f32 v22, v1;
	v15 =	vadd.f32 v15, v4;
	v31 =	vld.idx.msk [tilespmem:v9+s17+$0x0], $0xffff  }
0x229: {  	v5 =	vmul.f32 v24, v1;
	v4 =	vmul.f32 v26, v1;
	v17 =	vadd.f32 v17, v3;
	v22 =	vld.idx.msk [tilespmem:v35+s17+$0x0], $0xffff  }
0x22a: {  	v3 =	vmul.f32 v25, v1;
	v14 =	vadd.f32 v14, v30;
	v23 =	vld.idx.msk [tilespmem:v36+s17+$0x0], $0xffff;
	[tilespmem:s22+$0xFFFFFFE0] =	vst v10  }
0x22b: {  	v9 =	vand.u32 $0xFFFF, v44;
	v10 =	vand.u32 $0x10000, v44;
	v24 =	vld.idx.msk [tilespmem:v12+s17+$0x0], $0xffff;
	[tilespmem:s22+$0xFFFFFFF0] =	vst v11  }
0x22c: {  	v11 =	vand.u32 $0x20000, v44;
	v12 =	vmul.f32 v14, v2;
	v14 =	vadd.f32 v8, v19;
	v19 =	vld.idx.msk [tilespmem:v38+s17+$0x0], $0xffff;
	[tilespmem:s22+$0x0] =	vst v29  }
0x22d: {  	s26 =	sadd.s32 $0xA0, s26;
	vm0 =	veq.s32 v10, $0x0;
	v10 =	vadd.s32 $0xFFFFFFFF, v9;
	vm1 =	veq.s32 v11, $0x0;
	v8 =	vld.idx.msk [tilespmem:v39+s17+$0x0], $0xffff;
	[tilespmem:s22+$0x10] =	vst v15  }
0x22e: {  	v11 =	vadd.f32 v12, v18;
	v14 =	vmul.f32 v14, v2;
	v18 =	vadd.f32 v31, v21;
	v15 =	vld [tilespmem:s26+$0x40];
	[tilespmem:s22+$0x20] =	vst v17;
	s22 =	smov.u32 s24  }
0x22f: {  	v12 =	vnsel vm0, $0x9C40, v10;
	v10 =	vadd.s32 $0x1, v9;
	v21 =	vadd.f32 v13, v37;
	v17 =	vld [tilespmem:s26+$0xFFFFFFB0]  }
0x230: {  	v25 =	vld [tilespmem:s26+$0xFFFFFFC0];
	[tilespmem:s24+$0xFFFFFFB0] =	vst v11;
	v11 =	vadd.f32 v14, v16;
	v14 =	vmul.f32 v18, v2;
	v16 =	vadd.f32 v23, v22  }
0x231: {  	v13 =	vnsel vm1, $0x9C40, v10;
	v21 =	vmul.f32 v21, v2;
	v22 =	vmul.f32 v45, v1;
	v18 =	vld [tilespmem:s26+$0xFFFFFFD0]  }
0x232: {  	v23 =	vld [tilespmem:s26+$0xFFFFFFE0];
	[tilespmem:s24+$0xFFFFFFC0] =	vst v11;
	v14 =	vadd.f32 v14, v20;
	v10 =	vmul.f32 v16, v2;
	v11 =	vadd.f32 v19, v24  }
0x233: {  	v43 =	vadd.f32 v21, v22;
	v16 =	vld [tilespmem:s26+$0xFFFFFFF0];
	v19 =	vand.u32 $0xFFFF, v15;
	v20 =	vand.u32 $0x10000, v15  }
0x234: {  	v15 =	vand.u32 $0x20000, v15;
	v21 =	vld [tilespmem:s26+$0x0];
	vm0 =	veq.s32 v20, $0x0;
	v20 =	vadd.s32 $0xFFFFFFFF, v19;
	[tilespmem:s24+$0xFFFFFFD0] =	vst v14  }
0x235: {  	v14 =	vadd.s32 $0x1, v19;
	v22 =	vld [tilespmem:s26+$0x10];
	v20 =	vnsel vm0, $0x9C40, v20;
	vm0 =	veq.s32 v15, $0x0  }
0x236: {  	v24 =	vand.u32 $0xFFFF, v17;
	v26 =	vand.u32 $0x10000, v17;
	v30 =	vld [tilespmem:s26+$0x20];
	v29 =	vnsel vm0, $0x9C40, v14  }
0x237: {  	v32 =	vand.u32 $0x20000, v17;
	v34 =	vand.u32 $0xFFFF, v25;
	v33 =	vand.u32 $0x10000, v25;
	v14 =	vld.idx.msk [tilespmem:v40+s17+$0x0], $0xffff  }
0x238: {  	v25 =	vand.u32 $0x20000, v25;
	v35 =	vand.u32 $0xFFFF, v18;
	v36 =	vand.u32 $0x10000, v18;
	v15 =	vld.idx.msk [tilespmem:v41+s17+$0x0], $0xffff  }
0x239: {  	v37 =	vand.u32 $0x20000, v18;
	v38 =	vand.u32 $0xFFFF, v23;
	v39 =	vand.u32 $0x10000, v23;
	v17 =	vld.idx.msk [tilespmem:v42+s17+$0x0], $0xffff  }
0x23a: {  	v40 =	vand.u32 $0x20000, v23;
	v41 =	vand.u32 $0xFFFF, v16;
	v42 =	vand.u32 $0x10000, v16;
	v23 =	vld.idx.msk [tilespmem:v20+s17+$0x0], $0xffff  }
0x23b: {  	v44 =	vand.u32 $0x20000, v16;
	v45 =	vand.u32 $0xFFFF, v21;
	v46 =	vand.u32 $0x10000, v21;
	v47 =	vld.idx.msk [tilespmem:v29+s17+$0x0], $0xffff  }
0x23c: {  	v48 =	vand.u32 $0x20000, v21;
	v49 =	vand.u32 $0xFFFF, v22;
	v50 =	vand.u32 $0x10000, v22;
	v18 =	vld.idx.msk [tilespmem:v28+s17+$0x0], $0xffff  }
0x23d: {  	v51 =	vand.u32 $0x20000, v22;
	v29 =	vand.u32 $0x10000, v30;
	v28 =	vand.u32 $0xFFFF, v30;
	v52 =	vld.idx.msk [tilespmem:v19+s17+$0x0], $0xffff  }
0x23e: {  	v31 =	vadd.s32 $0xFFFFFFFF, v24;
	vm0 =	veq.s32 v26, $0x0;
	v30 =	vand.u32 $0x20000, v30;
	v19 =	vld.idx.msk [tilespmem:v27+s17+$0x0], $0xffff  }
0x23f: {  	vm1 =	veq.s32 v32, $0x0;
	vm2 =	veq.s32 v33, $0x0;
	v27 =	vadd.s32 $0x1, v24;
	v21 =	vld.idx.msk [tilespmem:v24+s17+$0x0], $0xffff  }
0x240: {  	v32 =	vadd.s32 $0xFFFFFFFF, v34;
	vm3 =	veq.s32 v25, $0x0;
	v33 =	vadd.s32 $0x1, v34;
	v16 =	vld.idx.msk [tilespmem:v34+s17+$0x0], $0xffff  }
0x241: {  	vm4 =	veq.s32 v36, $0x0;
	v34 =	vadd.s32 $0xFFFFFFFF, v35;
	v24 =	vadd.f32 v47, v23;
	v20 =	vld.idx.msk [tilespmem:v35+s17+$0x0], $0xffff  }
0x242: {  	vm5 =	veq.s32 v37, $0x0;
	vm6 =	veq.s32 v39, $0x0;
	v35 =	vadd.s32 $0x1, v35;
	v22 =	vld.idx.msk [tilespmem:v38+s17+$0x0], $0xffff  }
0x243: {  	v36 =	vadd.s32 $0xFFFFFFFF, v38;
	v25 =	vmul.f32 v52, v1;
	v39 =	vmul.f32 v24, v2;
	v23 =	vld.idx.msk [tilespmem:v41+s17+$0x0], $0xffff  }
.Ltmp5:
0x244: {  	vm7 =	veq.s32 v40, $0x0;
	v37 =	vadd.s32 $0x1, v38;
	vm8 =	veq.s32 v42, $0x0;
	v24 =	vld.idx.msk [tilespmem:v45+s17+$0x0], $0xffff;
	(pc) =	sbr.rel @p0 .LBB2_12-.Ltmp5, $4  }
0x245: {  	vm9 =	veq.s32 v44, $0x0;
	v38 =	vadd.s32 $0xFFFFFFFF, v41;
	v42 =	vadd.f32 v39, v25;
	v26 =	vld.idx.msk [tilespmem:v49+s17+$0x0], $0xffff  }
0x246: {  	s24 =	sadd.s32 $0xA0, s24;
	vm10 =	veq.s32 v46, $0x0;
	v40 =	vadd.s32 $0xFFFFFFFF, v45;
	v39 =	vadd.s32 $0x1, v41;
	v25 =	vld.idx.msk [tilespmem:v28+s17+$0x0], $0xffff;
	[tilespmem:s23+$0x9D80] =	vst v43;
	s23 =	smov.u32 s28  }
0x247: {  	vm11 =	veq.s32 v48, $0x0;
	vm12 =	veq.s32 v50, $0x0;
	v41 =	vadd.s32 $0x1, v45;
	[tilespmem:s24+$0x40] =	vst v42  }
0x248: {  	vm13 =	veq.s32 v51, $0x0;
	v43 =	vadd.s32 $0x1, v49;
	v42 =	vadd.s32 $0xFFFFFFFF, v49  }
0x249: {  	_ =	sdelay $0x3  }
0x24a: {  	v9 =	vld.idx.msk [tilespmem:v9+s17+$0x0], $0xffff  }
0x24b: {  	v12 =	vld.idx.msk [tilespmem:v12+s17+$0x0], $0xffff  }
0x24c: {  	v31 =	vnsel vm0, $0x9C40, v31;
	v13 =	vld.idx.msk [tilespmem:v13+s17+$0x0], $0xffff;
	s25 =	sadd.s32 $0xA0, s26  }
0x24d: {  	v27 =	vnsel vm1, $0x9C40, v27;
	v32 =	vnsel vm2, $0x9C40, v32;
	v50 =	vnsel vm7, $0x9C40, v37;
	v37 =	vld [tilespmem:s25+$0x40]  }
0x24e: {  	vm14 =	veq.s32 v29, $0x0;
	v63 =	vnsel vm3, $0x9C40, v33;
	v51 =	vnsel vm8, $0x9C40, v38;
	v38 =	vld [tilespmem:s25+$0xFFFFFFB0]  }
0x24f: {  	v45 =	vadd.s32 $0xFFFFFFFF, v28;
	v55 =	vnsel vm12, $0x9C40, v42;
	v42 =	vnsel vm13, $0x9C40, v43;
	v43 =	vld [tilespmem:s25+$0xFFFFFFC0]  }
0x250: {  	vm15 =	veq.s32 v30, $0x0;
	v47 =	vadd.s32 $0x1, v28;
	v33 =	vnsel vm14, $0x9C40, v45;
	v45 =	vld [tilespmem:s25+$0xFFFFFFD0]  }
0x251: {  	v46 =	vnsel vm4, $0x9C40, v34;
	v57 =	vadd.f32 v19, v18;
	v19 =	vnsel vm15, $0x9C40, v47;
	v47 =	vld [tilespmem:s25+$0xFFFFFFE0]  }
0x252: {  	v48 =	vnsel vm5, $0x9C40, v35;
	v31 =	vld.idx.msk [tilespmem:v31+s17+$0x0], $0xffff  }
0x253: {  	v49 =	vnsel vm6, $0x9C40, v36;
	v52 =	vnsel vm9, $0x9C40, v39;
	v53 =	vnsel vm10, $0x9C40, v40;
	v27 =	vld.idx.msk [tilespmem:v27+s17+$0x0], $0xffff  }
0x254: {  	v8 =	vadd.f32 v14, v8;
	v11 =	vmul.f32 v11, v2;
	v21 =	vmul.f32 v21, v1;
	v32 =	vld.idx.msk [tilespmem:v32+s17+$0x0], $0xffff  }
0x255: {  	v15 =	vadd.f32 v17, v15;
	v16 =	vmul.f32 v16, v1;
	v20 =	vmul.f32 v20, v1;
	v56 =	vld.idx.msk [tilespmem:v63+s17+$0x0], $0xffff  }
0x256: {  	v10 =	vadd.f32 v10, v7;
	v7 =	vmul.f32 v22, v1;
	v8 =	vmul.f32 v8, v2;
	v58 =	vld.idx.msk [tilespmem:v46+s17+$0x0], $0xffff  }
0x257: {  	v54 =	vnsel vm11, $0x9C40, v41;
	v15 =	vmul.f32 v15, v2;
	v17 =	vmul.f32 v57, v2;
	v59 =	vld.idx.msk [tilespmem:v48+s17+$0x0], $0xffff  }
0x258: {  	v11 =	vadd.f32 v11, v6;
	v6 =	vmul.f32 v26, v1;
	v34 =	vadd.f32 v8, v5;
	v60 =	vld.idx.msk [tilespmem:v49+s17+$0x0], $0xffff  }
0x259: {  	v5 =	vmul.f32 v23, v1;
	v15 =	vadd.f32 v15, v4;
	v4 =	vmul.f32 v24, v1;
	v61 =	vld.idx.msk [tilespmem:v50+s17+$0x0], $0xffff  }
0x25a: {  	v17 =	vadd.f32 v17, v3;
	v3 =	vmul.f32 v25, v1;
	v63 =	vld.idx.msk [tilespmem:v51+s17+$0x0], $0xffff;
	v12 =	vadd.f32 v13, v12  }
0x25b: {  	v35 =	vld.idx.msk [tilespmem:v52+s17+$0x0], $0xffff;
	v46 =	vmul.f32 v9, v1;
	v57 =	vand.u32 $0x10000, v37;
	v48 =	vand.u32 $0xFFFF, v38  }
0x25c: {  	v8 =	vld.idx.msk [tilespmem:v53+s17+$0x0], $0xffff;
	v49 =	vand.u32 $0x10000, v38;
	v24 =	vand.u32 $0x20000, v38;
	v51 =	vand.u32 $0xFFFF, v43  }
0x25d: {  	v50 =	vld [tilespmem:s25+$0x20];
	v52 =	vand.u32 $0x10000, v43;
	v53 =	vand.u32 $0xFFFF, v45;
	v12 =	vmul.f32 v12, v2  }
0x25e: {  	v40 =	vld.idx.msk [tilespmem:v55+s17+$0x0], $0xffff;
	v25 =	vand.u32 $0x20000, v45;
	v55 =	vand.u32 $0xFFFF, v47;
	vm12 =	veq.s32 v57, $0x0  }
0x25f: {  	v33 =	vld.idx.msk [tilespmem:v33+s17+$0x0], $0xffff;
	vm14 =	veq.s32 v49, $0x0;
	vm15 =	veq.s32 v24, $0x0;
	v12 =	vadd.f32 v12, v46  }
0x260: {  	v19 =	vld.idx.msk [tilespmem:v19+s17+$0x0], $0xffff;
	vm6 =	veq.s32 v52, $0x0;
	v62 =	vadd.f32 v27, v31;
	v14 =	vadd.f32 v56, v32  }
0x261: {  	vm10 =	veq.s32 v25, $0x0;
	v18 =	vadd.f32 v59, v58;
	v44 =	vadd.f32 v61, v60  }
0x262: {  	v27 =	vand.u32 $0x20000, v37;
	v22 =	vadd.f32 v35, v63;
	v56 =	vand.u32 $0x10000, v47  }
0x263: {  	v35 =	vadd.s32 $0x1, v51;
	v32 =	vand.u32 $0x20000, v50;
	vm13 =	veq.s32 v27, $0x0  }
0x264: {  	v27 =	vadd.s32 $0x1, v48;
	vm7 =	veq.s32 v56, $0x0;
	v36 =	vmul.f32 v62, v2  }
0x265: {  	v58 =	vld [tilespmem:s25+$0xFFFFFFF0];
	v19 =	vadd.f32 v19, v33;
	v14 =	vmul.f32 v14, v2;
	v39 =	vmul.f32 v18, v2  }
0x266: {  	v60 =	vld [tilespmem:s25+$0x0];
	v9 =	vmul.f32 v44, v2;
	v18 =	vand.u32 $0x20000, v43;
	v27 =	vnsel vm15, $0x9C40, v27  }
0x267: {  	v42 =	vld.idx.msk [tilespmem:v42+s17+$0x0], $0xffff;
	v22 =	vmul.f32 v22, v2;
	v21 =	vadd.f32 v36, v21;
	v14 =	vadd.f32 v14, v16  }
0x268: {  	v13 =	vadd.f32 v39, v20;
	v16 =	vand.u32 $0xFFFF, v37;
	v37 =	vld.idx.msk [tilespmem:v54+s17+$0x0], $0xffff;
	v54 =	vand.u32 $0x10000, v45  }
0x269: {  	v25 =	vld.idx.msk [tilespmem:v51+s17+$0x0], $0xffff;
	v20 =	vand.u32 $0x20000, v47;
	v59 =	vadd.s32 $0xFFFFFFFF, v16;
	v61 =	vadd.s32 $0x1, v16  }
0x26a: {  	v62 =	vld [tilespmem:s25+$0x10];
	v44 =	vand.u32 $0xFFFF, v58;
	v45 =	vand.u32 $0x10000, v58;
	v29 =	vand.u32 $0x20000, v58  }
0x26b: {  	v46 =	vand.u32 $0xFFFF, v60;
	v58 =	vand.u32 $0xFFFF, v50;
	vm5 =	veq.s32 v20, $0x0;
	v20 =	vld.idx.msk [tilespmem:v53+s17+$0x0], $0xffff  }
0x26c: {  	v47 =	vand.u32 $0x10000, v60;
	v28 =	vnsel vm12, $0x9C40, v59;
	vm1 =	veq.s32 v45, $0x0;
	v45 =	vld.idx.msk [tilespmem:v55+s17+$0x0], $0xffff  }
0x26d: {  	v30 =	vand.u32 $0x20000, v60;
	v60 =	vadd.s32 $0xFFFFFFFF, v48;
	v63 =	vnsel vm13, $0x9C40, v61;
	v27 =	vld.idx.msk [tilespmem:v27+s17+$0x0], $0xffff  }
0x26e: {  	vm12 =	veq.s32 v18, $0x0;
	v59 =	vand.u32 $0x10000, v50;
	v39 =	vnsel vm14, $0x9C40, v60;
	v16 =	vld.idx.msk [tilespmem:v16+s17+$0x0], $0xffff  }
0x26f: {  	v61 =	vadd.s32 $0xFFFFFFFF, v51;
	vm14 =	veq.s32 v29, $0x0;
	v31 =	vand.u32 $0xFFFF, v62;
	v29 =	vld.idx.msk [tilespmem:v44+s17+$0x0], $0xffff  }
0x270: {  	vm13 =	veq.s32 v54, $0x0;
	vm15 =	veq.s32 v47, $0x0;
	v43 =	vnsel vm6, $0x9C40, v61;
	v24 =	vld.idx.msk [tilespmem:v58+s17+$0x0], $0xffff  }
0x271: {  	vm11 =	veq.s32 v30, $0x0;
	v50 =	vadd.s32 $0x1, v55;
	v35 =	vnsel vm12, $0x9C40, v35;
	v28 =	vld.idx.msk [tilespmem:v28+s17+$0x0], $0xffff  }
0x272: {  	[tilespmem:s22+$0x0] =	vst v34;
	v51 =	vadd.s32 $0xFFFFFFFF, v44;
	v57 =	vand.u32 $0x10000, v62;
	v34 =	vnsel vm5, $0x9C40, v50;
	v26 =	vld.idx.msk [tilespmem:v63+s17+$0x0], $0xffff  }
0x273: {  	[tilespmem:s22+$0x10] =	vst v15;
	v23 =	vand.u32 $0x20000, v62;
	v62 =	vadd.s32 $0xFFFFFFFF, v53;
	v15 =	vnsel vm1, $0x9C40, v51;
	v49 =	vld.idx.msk [tilespmem:v39+s17+$0x0], $0xffff  }
0x274: {  	vm12 =	veq.s32 v57, $0x0;
	v47 =	vnsel vm13, $0x9C40, v62;
	v56 =	vadd.s32 $0xFFFFFFFF, v31;
	v30 =	vld.idx.msk [tilespmem:v31+s17+$0x0], $0xffff  }
0x275: {  	v7 =	vadd.f32 v9, v7;
	v60 =	vnsel vm12, $0x9C40, v56;
	v63 =	vadd.s32 $0x1, v53;
	v53 =	vld.idx.msk [tilespmem:v43+s17+$0x0], $0xffff  }
0x276: {  	[tilespmem:s22+$0xFFFFFFE0] =	vst v10;
	v5 =	vadd.f32 v22, v5;
	v52 =	vadd.s32 $0x1, v44;
	v54 =	vadd.s32 $0xFFFFFFFF, v46;
	v35 =	vld.idx.msk [tilespmem:v35+s17+$0x0], $0xffff  }
0x277: {  	[tilespmem:s22+$0x20] =	vst v17;
	v17 =	vnsel vm15, $0x9C40, v54;
	vm15 =	veq.s32 v32, $0x0;
	v39 =	vnsel vm14, $0x9C40, v52;
	v62 =	vld.idx.msk [tilespmem:v34+s17+$0x0], $0xffff  }
0x278: {  	[tilespmem:s22+$0xFFFFFFF0] =	vst v11;
	vm13 =	veq.s32 v23, $0x0;
	v57 =	vadd.s32 $0xFFFFFFFF, v58;
	v58 =	vadd.s32 $0x1, v58;
	v15 =	vld.idx.msk [tilespmem:v15+s17+$0x0], $0xffff  }
0x279: {  	[tilespmem:s24+$0xFFFFFFD0] =	vst v13;
	v8 =	vadd.f32 v37, v8;
	v20 =	vmul.f32 v20, v1;
	v13 =	vnsel vm15, $0x9C40, v58;
	v38 =	vld.idx.msk [tilespmem:v47+s17+$0x0], $0xffff  }
0x27a: {  	[tilespmem:s23+$0x9D80] =	vst v12;
	vm14 =	veq.s32 v59, $0x0;
	v10 =	vnsel vm10, $0x9C40, v63;
	v31 =	vadd.s32 $0x1, v31;
	v12 =	vld.idx.msk [tilespmem:v60+s17+$0x0], $0xffff  }
0x27b: {  	[tilespmem:s24+$0xFFFFFFB0] =	vst v21;
	v61 =	vnsel vm13, $0x9C40, v31;
	v26 =	vadd.f32 v26, v28;
	v28 =	vld.idx.msk [tilespmem:v48+s17+$0x0], $0xffff;
	v48 =	vadd.s32 $0xFFFFFFFF, v55  }
0x27c: {  	[tilespmem:s24+$0xFFFFFFC0] =	vst v14;
	v63 =	vadd.f32 v42, v40;
	v55 =	vadd.s32 $0x1, v46;
	v36 =	vld.idx.msk [tilespmem:v39+s17+$0x0], $0xffff;
	v11 =	vnsel vm7, $0x9C40, v48  }
0x27d: {  	[tilespmem:s24+$0xFFFFFFE0] =	vst v7;
	v8 =	vmul.f32 v8, v2;
	v40 =	vmul.f32 v19, v2;
	v39 =	vld.idx.msk [tilespmem:v17+s17+$0x0], $0xffff;
	v59 =	vnsel vm11, $0x9C40, v55  }
0x27e: {  	[tilespmem:s24+$0xFFFFFFF0] =	vst v5;
	v14 =	vnsel vm14, $0x9C40, v57;
	v42 =	vmul.f32 v25, v1;
	v37 =	vmul.f32 v63, v2;
	v50 =	vld.idx.msk [tilespmem:v13+s17+$0x0], $0xffff  }
0x27f: {  	v43 =	vmul.f32 v45, v1;
	v4 =	vadd.f32 v8, v4;
	v16 =	vmul.f32 v16, v1;
	v10 =	vld.idx.msk [tilespmem:v10+s17+$0x0], $0xffff  }
0x280: {  	v3 =	vadd.f32 v40, v3;
	v44 =	vmul.f32 v29, v1;
	v6 =	vadd.f32 v37, v6;
	v21 =	vld.idx.msk [tilespmem:v61+s17+$0x0], $0xffff  }
0x281: {  	[tilespmem:s24+$0x0] =	vst v4;
	v45 =	vadd.f32 v27, v49;
	v47 =	vadd.f32 v35, v53;
	v11 =	vld.idx.msk [tilespmem:v11+s17+$0x0], $0xffff  }
0x282: {  	[tilespmem:s24+$0x20] =	vst v3;
	v60 =	vmul.f32 v30, v1;
	v26 =	vmul.f32 v26, v2;
	v18 =	vld.idx.msk [tilespmem:v59+s17+$0x0], $0xffff  }
0x283: {  	v14 =	vld.idx.msk [tilespmem:v14+s17+$0x0], $0xffff;
	v48 =	vmul.f32 v45, v2;
	v51 =	vmul.f32 v47, v2;
	v54 =	vadd.f32 v36, v15  }
0x284: {  	v16 =	vadd.f32 v26, v16;
	v26 =	vld.idx.msk [tilespmem:v46+s17+$0x0], $0xffff;
	v28 =	vmul.f32 v28, v1;
	v49 =	vadd.f32 v10, v38  }
0x285: {  	s31 =	sadd.s32 $0xA0, s24;
	[tilespmem:s24+$0x10] =	vst v6;
	v3 =	vadd.f32 v51, v42;
	v58 =	vmul.f32 v54, v2;
	v59 =	vadd.f32 v21, v12  }
0x286: {  	[tilespmem:s31+$0x40] =	vst v16;
	v5 =	vadd.f32 v48, v28;
	v53 =	vmul.f32 v49, v2;
	v52 =	vadd.f32 v62, v11  }
0x287: {  	[tilespmem:s31+$0xFFFFFFC0] =	vst v3;
	v61 =	vadd.f32 v58, v44;
	v56 =	vadd.f32 v18, v39;
	v62 =	vmul.f32 v59, v2  }
0x288: {  	v3 =	vadd.f32 v50, v14;
	[tilespmem:s31+$0xFFFFFFB0] =	vst v5;
	v57 =	vadd.f32 v53, v20;
	v55 =	vmul.f32 v52, v2  }
0x289: {  	v46 =	vmul.f32 v26, v1;
	[tilespmem:s31+$0xFFFFFFF0] =	vst v61;
	v7 =	vmul.f32 v56, v2;
	v63 =	vadd.f32 v62, v60  }
0x28a: {  	v1 =	vmul.f32 v24, v1;
	[tilespmem:s31+$0xFFFFFFD0] =	vst v57;
	v2 =	vmul.f32 v3, v2;
	v4 =	vadd.f32 v55, v43  }
0x28b: {  	v3 =	vadd.f32 v7, v46;
	[tilespmem:s31+$0x10] =	vst v63  }
0x28c: {  	v1 =	vadd.f32 v2, v1;
	[tilespmem:s31+$0xFFFFFFE0] =	vst v4  }
0x28d: {  	[tilespmem:s31+$0x0] =	vst v3  }
0x28e: {  	s21 =	sadd.s32 $0x1, s21;
	[tilespmem:s31+$0x20] =	vst v1  }
0x28f: {  	[hbm4b:s8+s10] =	stream.strided.scatter [tilespmem:s16], [sflag:$0x4], $0x4E80, s11, s10, $0x38;
	[tilespmem:$0x18900] =	vst v63  }
0x290: {  	p0 =	sne.s32 s21, s9;
	_ =	swait.ge [sflag:s19], $0x4E80  }
.Ltmp6:
0x291: {  	[sflag:s19] =	ssyncset.done $0x0;
	(pc) =	sbr.rel @p0 .LBB2_1-.Ltmp6, $4  }
0x292: {  	[sflag:s19] =	ssyncadd.s32 $0xFFFFB180  }
0x293: {  	_ =	swait.ge [sflag:s20], $0x4E80  }
0x294: {  	[sflag:s20] =	ssyncset.done $0x0  }
0x295: {  	[sflag:s20] =	ssyncadd.s32 $0xFFFFB180  }
0x296: {  	_ =	sfence.sel $0x180000  }
0x297: {  	[bflag:$0x0] =	sbarrier.arrive $0xFFFF  }
0x298: {  	p0 =	sne.s32 s1, $0x0;
	_ =	strace $0x90000047  }
0x299: {  	s0 =	sadd.s32 @!p0 $0x100000, s0;
	[bflag:$0x2] =	sbarrier.arrive $0xFFFF  }
0x29a: {  	[sflag:s0] =	ssyncadd.tile.s32 @!p0 $0x1;
	_ =	shalt  }
.Lfunc_end2:
_tile_overlayer_lowered:
.L_overlay_start_2:
0x29b: {  	(tag) =	ssettag $0x2  }
0x29c: {  	s0 =	rddreg [dreg:$0x0];
	s2 =	stileid.u32  }
0x29d: {  	s1 =	rddreg [dreg:$0x1];
	p0 =	sne.s32 s2, $0x0  }
0x29e: {  	s3 =	rddreg [dreg:$0x2];
	[bflag:$0x3] =	sbarrier.arrive $0xFFFF;
	s2 =	simm.s32 @!p0 $0x1C05  }
0x29f: {  	[timem:s3], [sflag:s2] =	dma.local @!p0 [hbm:s0], s1  }
0x2a0: {  	s0 =	simm.s32 @!p0 $0x5  }
0x2a1: {  	_ =	swait.ge @!p0 [sflag:s0], s1  }
0x2a2: {  	s1 =	ssub.s32 @!p0 $0x0, s1;
	[sflag:s0] =	ssyncset.done @!p0 $0x0  }
0x2a3: {  	[sflag:s0] =	ssyncadd.s32 @!p0 s1  }
0x2a4: {  	[bflag:$0x3] =	sbarrier.arrive $0xFFFF  }
0x2a5: {  	_ =	shalt  }

// kernel: kernel.7.cloned.1.call-start
scs
__scs_entry_jumppad:
0x0: {  	(pc) =	sbr.rel $0x88, $3  }
0x1: {  	(tag) =	ssettag $0x0;
	lr =	simm.s32 $0x1  }
0x2: {  	[smem:$0x3F9D] =	sst lr;
	_ =	strace $0xD0000000  }
0x3: {  	_ = 	snop  }
0x4: {  	_ = 	snop  }
0x5: {  	_ = 	snop  }
0x6: {  	_ = 	snop  }
0x7: {  	_ = 	snop  }
__scs_overlays_trampoline_lowered:
0x8: {  	[smem:$0x3FAC] =	sst s0  }
0x9: {  	[smem:$0x3FAD] =	sst s1  }
0xa: {  	[smem:$0x3FAE] =	sst s2  }
0xb: {  	[smem:$0x3FAF] =	sst s3  }
0xc: {  	[smem:$0x3FB0] =	sst s4  }
0xd: {  	[smem:$0x3FB1] =	sst s5  }
0xe: {  	[smem:$0x3FB2] =	sst s6  }
0xf: {  	[smem:$0x3FB3] =	sst s7  }
0x10: {  	[smem:$0x3FB4] =	sst s8  }
0x11: {  	[smem:$0x3FB5] =	sst s9;
	s0 =	simm.s32 @!p0 $0x0  }
0x12: {  	s1 =	sld [smem:$0x3F9B];
	s0 =	simm.s32 @p0 $0x1  }
0x13: {  	[smem:$0x3FB6] =	sst s0;
	s0 =	simm.s32 @!p1 $0x0  }
0x14: {  	s2 =	sld [smem:$0x3F9A];
	s0 =	simm.s32 @p1 $0x1  }
0x15: {  	[smem:$0x3FB7] =	sst s0;
	s0 =	simm.s32 @!p2 $0x0  }
0x16: {  	s3 =	sld [smem:$0x3FDB];
	s0 =	simm.s32 @p2 $0x1  }
0x17: {  	s4 =	simm.s32 $0x1BF5;
	[smem:$0x3FB9] =	sst s0  }
0x18: {  	s0 =	sld [smem:$0x3F9C];
	_ =	swait.ge [sflag:s4], $0x0  }
0x19: {  	s7 =	sld [smem:$0x3F9D]  }
0x1a: {  	s8 =	sadd.s32 $0xFFFFE003, lr  }
0x1b: {  	s9 =	sadd.s32 $0xFFFFFEF7, lr;
	s5 =	simm.s32 $0xFFFFFFFF;
	p2 =	slt.u32 s8, $0xFFFFF086  }
0x1c: {  	p1 =	slt.u32 s9, $0xF7A;
	s5 =	simm.s32 @!p2 $0x0  }
0x1d: {  	s5 =	simm.s32 @p1 $0x1;
	p0 =	seq.s32 s7, s2  }
0x1e: {  	s7 =	smul.u32 @!p0 $0xF7A, s2;
	p2 =	seq.s32 @!p0 s5, $0x0  }
0x1f: {  	s9 =	smul.u32 $0xF7A, s1;
	s8 =	simm.s32 @!p0 $0x1BF5;
	p2 =	por !p2, p0  }
0x20: {  	[sflag:s8] =	ssyncset.s32 @!p0 $0xFFFFF086;
	s6 =	sadd.s32 @!p0 s3, s7;
	s7 =	simm.s32 @!p0 $0x108  }
0x21: {  	s3 =	sadd.s32 s3, s9;
	s6 =	sadd.s32 @!p0 $0x88, s6;
	s7 =	simm.s32 @p2 $0x1082  }
0x22: {  	[simem:s7], [sflag:s8] =	dma.local @!p0 [hbm:s6], $0xF7A  }
0x23: {  	s9 =	sor.u32 $0xD0000000, s2;
	s6 =	simm.s32 $0x108;
	_ =	swait.ge @!p0 [sflag:s8], $0x0  }
0x24: {  	s3 =	sadd.s32 $0x88, s3;
	s6 =	simm.s32 @!p1 $0x1082;
	[sflag:s4] =	ssyncset.s32 $0xFFFFF086  }
0x25: {  	[simem:s6], [sflag:s4] =	dma.local [hbm:s3], $0xF7A  }
0x26: {  	[smem:$0x3F9D] =	sst s1;
	(tag) =	ssettag s2;
	_ =	strace s9  }
0x27: {  	s1 =	sld [smem:$0x3FAD]  }
0x28: {  	s2 =	sld [smem:$0x3FAE]  }
0x29: {  	s4 =	sld [smem:$0x3FB0]  }
0x2a: {  	p0 =	seq.s32 s5, $0x0;
	s5 =	sld [smem:$0x3FB1]  }
0x2b: {  	s6 =	sld [smem:$0x3FB2]  }
0x2c: {  	s7 =	sld [smem:$0x3FB3]  }
0x2d: {  	s3 =	simm.s32 $0x108;
	s8 =	sld [smem:$0x3FB4]  }
0x2e: {  	s3 =	simm.s32 @!p0 $0x1082;
	s9 =	sld [smem:$0x3FB5]  }
0x2f: {  	lr =	sadd.s32 s0, s3;
	s0 =	sld [smem:$0x3FAC]  }
0x30: {  	s3 =	sld [smem:$0x3FAF]  }
0x31: {  	[smem:$0x3FB8] =	sst s10  }
0x32: {  	s10 =	sld [smem:$0x3FB6];
	_ =	sdelay $0x3  }
0x33: {  	p0 =	seq.s32 s10, $0x1;
	s10 =	sld [smem:$0x3FB8];
	_ =	sdelay $0x3  }
0x34: {  	[smem:$0x3FB8] =	sst s10  }
0x35: {  	s10 =	sld [smem:$0x3FB7];
	_ =	sdelay $0x3  }
0x36: {  	p1 =	seq.s32 s10, $0x1;
	s10 =	sld [smem:$0x3FB8];
	_ =	sdelay $0x3  }
0x37: {  	[smem:$0x3FB8] =	sst s10  }
0x38: {  	s10 =	sld [smem:$0x3FB9]  }
0x39: {  	_ = 	snop;
	(pc) =	sbr.ind lr, $3  }
0x3a: {  	_ = 	snop  }
0x3b: {  	_ = 	snop  }
0x3c: {  	p2 =	seq.s32 s10, $0x1;
	s10 =	sld [smem:$0x3FB8]  }
0x3d: {  	_ =	shalt  }
0x3e: {  	_ =	shalt  }
0x3f: {  	_ =	shalt  }
0x40: {  	_ =	shalt  }
0x41: {  	_ =	shalt  }
0x42: {  	_ =	shalt  }
0x43: {  	_ =	shalt  }
0x44: {  	_ =	shalt  }
0x45: {  	_ =	shalt  }
0x46: {  	_ =	shalt  }
0x47: {  	_ =	shalt  }
0x48: {  	_ =	shalt  }
0x49: {  	_ =	shalt  }
0x4a: {  	_ =	shalt  }
0x4b: {  	_ =	shalt  }
0x4c: {  	_ =	shalt  }
0x4d: {  	_ =	shalt  }
0x4e: {  	_ =	shalt  }
0x4f: {  	_ =	shalt  }
0x50: {  	_ =	shalt  }
0x51: {  	_ =	shalt  }
0x52: {  	_ =	shalt  }
0x53: {  	_ =	shalt  }
0x54: {  	_ =	shalt  }
0x55: {  	_ =	shalt  }
0x56: {  	_ =	shalt  }
0x57: {  	_ =	shalt  }
0x58: {  	_ =	shalt  }
0x59: {  	_ =	shalt  }
0x5a: {  	_ =	shalt  }
0x5b: {  	_ =	shalt  }
0x5c: {  	_ =	shalt  }
0x5d: {  	_ =	shalt  }
0x5e: {  	_ =	shalt  }
0x5f: {  	_ =	shalt  }
0x60: {  	_ =	shalt  }
0x61: {  	_ =	shalt  }
0x62: {  	_ =	shalt  }
0x63: {  	_ =	shalt  }
0x64: {  	_ =	shalt  }
0x65: {  	_ =	shalt  }
0x66: {  	_ =	shalt  }
0x67: {  	_ =	shalt  }
0x68: {  	_ =	shalt  }
0x69: {  	_ =	shalt  }
0x6a: {  	_ =	shalt  }
0x6b: {  	_ =	shalt  }
0x6c: {  	_ =	shalt  }
0x6d: {  	_ =	shalt  }
0x6e: {  	_ =	shalt  }
0x6f: {  	_ =	shalt  }
0x70: {  	_ =	shalt  }
0x71: {  	_ =	shalt  }
0x72: {  	_ =	shalt  }
0x73: {  	_ =	shalt  }
0x74: {  	_ =	shalt  }
0x75: {  	_ =	shalt  }
0x76: {  	_ =	shalt  }
0x77: {  	_ =	shalt  }
0x78: {  	_ =	shalt  }
0x79: {  	_ =	shalt  }
0x7a: {  	_ =	shalt  }
0x7b: {  	_ =	shalt  }
0x7c: {  	_ =	shalt  }
0x7d: {  	_ =	shalt  }
0x7e: {  	_ =	shalt  }
0x7f: {  	_ =	shalt  }
0x80: {  	_ =	shalt  }
0x81: {  	_ =	shalt  }
0x82: {  	_ =	shalt  }
0x83: {  	_ =	shalt  }
0x84: {  	_ =	shalt  }
0x85: {  	_ =	shalt  }
0x86: {  	_ =	shalt  }
0x87: {  	_ =	shalt  }
.Lfunc_end0:
.L_simem_size_0:
called_computation.1_lowered:
.L_overlay_start_0:
0x88: {  	s2 =	sld [smem:$0x3FD9]  }
0x89: {  	s3 =	sld [smem:$0x3FFE];
	_ =	sdelay $0x1  }
0x8a: {  	s1 =	srdreg.scid  }
0x8b: {  	s0 =	sand.u32 $0x1, s1  }
0x8c: {  	s17 =	sshll.u32 s0, $0xA;
	s2 =	sadd.s32 s3, s2  }
0x8d: {  	s2 =	sadd.s32 s2, s17  }
0x8e: {  	[smem:$0x3FC4] =	sst s2  }
0x8f: {  	_ = 	snop  }
0x90: {  	s18 =	sld [smem:$0x3FD0];
	(tm) =	ssettm $0x1  }
0x91: {  	s19 =	sld [smem:$0x3FFB];
	_ =	sdelay $0x3  }
0x92: {  	_ =	strace s19  }
0x93: {  	s2 =	sld [smem:$0x3FFC];
	_ =	sdelay $0x3  }
0x94: {  	_ =	strace s2  }
0x95: {  	s2 =	sld [smem:$0x3FFD];
	_ =	sdelay $0x3  }
0x96: {  	_ =	strace s2  }
0x97: {  	_ =	strace $0x8FFFFFFF  }
0x98: {  	s20 =	sld [smem:$0x3FDB];
	_ =	sdelay $0x1  }
0x99: {  	s4 =	simm.s32 $_scs_section_size  }
0x9a: {  	s5 =	simm.s32 $_size__tile_overlayer_lowered;
	s6 =	simm.s32 $_tile_overlayer_lowered  }
0x9b: {  	s7 =	simm.s32 $0x1BFF;
	s21 =	sshll.u32 s6, $0x1;
	s4 =	sadd.s32 s4, s20  }
0x9c: {  	s22 =	simm.s32 $0x0;
	s5 =	sshll.u32 s5, $0x1;
	s6 =	sadd.s32 s21, s4  }
0x9d: {  	[timem:s22], [sflag:s7] =	dma.local [hbm:s6], s5  }
0x9e: {  	_ =	swait.ge [sflag:s7], s5  }
0x9f: {  	s5 =	ssub.s32 $0x0, s5;
	[sflag:s7] =	ssyncset.done $0x0  }
0xa0: {  	[sflag:s7] =	ssyncadd.s32 s5;
	_ =	sdelay $0x1  }
0xa1: {  	s23 =	simm.s32 $0x1B8B  }
0xa2: {  	_ =	swait.ge [sflag:s23], $0x1  }
0xa3: {  	[sflag:s23] =	ssyncset.done $0x0  }
0xa4: {  	[sflag:s23] =	ssyncadd.s32 $0xFFFFFFFF  }
0xa5: {  	s5 =	sld [smem:$0x0]  }
0xa6: {  	s6 =	sand.u32 $0xFFFFFFFE, s1  }
0xa7: {  	p0 =	sne.s32 s1, s6  }
0xa8: {  	s6 =	sshll.u32 @p0 s6, $0xE  }
0xa9: {  	s6 =	sadd.s32 @p0 $0x11B8D, s6;
	s7 =	sshll.u32 @p0 s5, $0x11  }
0xaa: {  	s6 =	sor.u32 @p0 s7, s6  }
0xab: {  	[sflag:s6] =	ssyncadd.remote.s32 @p0 $0x1;
	_ =	sdelay $0x1  }
0xac: {  	s6 =	simm.s32 @p0 $0x1B8D  }
0xad: {  	_ =	swait.eq @p0 [sflag:s6], $0x1  }
0xae: {  	[sflag:s6] =	ssyncadd.s32 @p0 $0xFFFFFFFF  }
0xaf: {  	s7 =	sshll.u32 @!p0 s1, $0xE  }
0xb0: {  	s7 =	sor.u32 @!p0 $0x4000, s7;
	s6 =	simm.s32 @!p0 $0x1B8D  }
0xb1: {  	s5 =	sshll.u32 @!p0 s5, $0x11;
	s7 =	sadd.s32 @!p0 $0x11B8D, s7;
	_ =	swait.eq @!p0 [sflag:s6], $0x1  }
0xb2: {  	s5 =	sor.u32 @!p0 s5, s7;
	[sflag:s6] =	ssyncadd.s32 @!p0 $0xFFFFFFFF  }
0xb3: {  	s25 =	simm.s32 $0x1B8E;
	s24 =	sld [smem:$0x3FFE];
	[sflag:s5] =	ssyncadd.remote.s32 @!p0 $0x1  }
0xb4: {  	s26 =	simm.s32 $execute0_lowered;
	[smem:$0x3FD2] =	sst s25  }
0xb5: {  	s6 =	sshll.u32 s26, $0x1;
	_ =	strace $0x80000049;
	[dreg:$0x1] =	wrdreg $0xFFFFFFFF  }
0xb6: {  	s28 =	simm.s32 $_size_execute0_lowered;
	s4 =	sadd.s32 s4, s6;
	[dreg:$0x0] =	wrdreg $0x0  }
0xb7: {  	s6 =	sshll.u32 s28, $0x1;
	[dreg:$0x2] =	wrdreg s4  }
0xb8: {  	[dreg:$0x3] =	wrdreg s6  }
0xb9: {  	[dreg:$0x4] =	wrdreg $0xC0  }
0xba: {  	_ =	task [dreg:s22], $0x5FFFF  }
0xbb: {  	[dreg:$0x1] =	wrdreg $0xFFFFFFFF  }
0xbc: {  	[dreg:$0x0] =	wrdreg $0x60  }
0xbd: {  	[dreg:$0x2] =	wrdreg s24  }
0xbe: {  	[dreg:$0x3] =	wrdreg s18  }
0xbf: {  	[dreg:$0x4] =	wrdreg $0xA  }
0xc0: {  	_ =	task.clear_ibuf [dreg:s22], $0x5FFFF;
	_ =	strace $0x90000049  }
0xc1: {  	s29 =	simm.s32 $0xA;
	_ =	strace $0x8000004B  }
0xc2: {  	_ =	swait.ge [sflag:s29], $0x1  }
0xc3: {  	[sflag:s29] =	ssyncadd.s32 $0xFFFFFFFF  }
0xc4: {  	_ =	strace $0x9000004B  }
0xc5: {  	_ =	sfence  }
0xc6: {  	s30 =	sld [smem:$0x0];
	_ =	sdelay $0x2  }
0xc7: {  	s31 =	sshll.u32 s1, $0xD;
	s1 =	sshrl.u32 s1, $0x2  }
0xc8: {  	s4 =	sand.u32 $0x4000, s31;
	s1 =	sadd.s32 s1, s30  }
0xc9: {  	s0 =	sor.u32 s4, s0;
	s1 =	sshll.u32 s1, $0x11  }
0xca: {  	s0 =	sor.u32 s1, s0  }
0xcb: {  	s0 =	sadd.s32 $0x8F2B, s0  }
0xcc: {  	[sflag:s0] =	ssyncadd.remote.s32 $0x1  }
0xcd: {  	_ =	sfence.sel $0xFFFF  }
0xce: {  	[dreg:$0x0] =	wrdreg $0xFFFFFFFF;
	(pc) =	sbr.abs _section_cstart, $3  }
0xcf: {  	[dreg:$0x1] =	wrdreg $0xFFFFFFFF  }
0xd0: {  	_ =	task.clear_ibuf [dreg:s22], $0x2FFFF;
	_ =	strace $0x9FFFFFFF  }
0xd1: {  	(tm) =	ssettm $0x7FFFFFFF  }
tec
execute0_lowered:
.L_overlay_start_1:
0x0: {  	(tag) =	ssettag $0x1  }
0x1: {  	s5 =	rddreg [dreg:$0x0]  }
0x2: {  	s6 =	rddreg [dreg:$0x1]  }
0x3: {  	s0 =	rddreg [dreg:$0x2];
	s2 =	simm.s32 $0x0;
	s3 =	srdreg.scid  }
0x4: {  	s1 =	stileid.u32;
	s12 =	simm.s32 $0x4E80;
	s13 =	simm.s32 $0x18880  }
0x5: {  	s14 =	simm.s32 $0x5;
	s15 =	simm.s32 $0x1;
	s16 =	simm.s32 $0x9D00  }
0x6: {  	s17 =	simm.s32 $0xEB80;
	s18 =	simm.s32 $0x2;
	s19 =	simm.s32 $0x3  }
0x7: {  	s20 =	simm.s32 $0x4;
	s21 =	simm.s32 $0x0;
	s7 =	sand.u32 $0x1, s3  }
0x8: {  	s30 =	sshll.u32 s1, $0x9;
	s4 =	sshrl.u32 s1, $0x1;
	[smem:$0x7FF] =	sst s2  }
0x9: {  	s8 =	sshll.u32 s7, $0x8;
	s4 =	smul.u32 $0x27400, s4;
	s3 =	sand.u32 $0x200, s30  }
0xa: {  	s9 =	sadd.s32 $0x50200, s5;
	_ =	strace $0x8000004A;
	s8 =	sor.u32 s8, s3  }
0xb: {  	s7 =	ssub.s32 $0x2, s7;
	s3 =	sadd.s32 $0x28400, s5;
	s8 =	sor.u32 s4, s8  }
0xc: {  	s31 =	sshrl.u32 s7, $0x1;
	s4 =	sadd.s32 $0xE00, s5;
	s8 =	sshrl.u32 s8, $0x3  }
0xd: {  	s11 =	ssub.s32 s7, s31;
	s10 =	sor.u32 $0x10, s8;
	s5 =	sadd.s32 s6, s8  }
0xe: {  	s7 =	sadd.s32 s9, s8;
	s6 =	sadd.s32 s6, s10;
	s8 =	sadd.s32 s9, s10  }
0xf: {  	v0 =	vimm.f32 $0.0e+00;
	s9 =	smax.u32 s11, $0x1;
	s10 =	simm.s32 $0x80;
	s11 =	simm.s32 $0x400  }
.LBB2_1:
0x10: {  	[tilespmem:s12], [sflag:$0x1] =	stream.strided.gather [hbm4b:s5+s10], $0x4E80, s11, s10, $0x38;
	[tilespmem:$0x18900] =	vst v63  }
0x11: {  	_ = 	snop  }
0x12: {  	[tilespmem:s13], [sflag:$0x5] =	stream.linear.gather [hbm4b:s4+s2], $0x80, $0x38;
	[tilespmem:$0x18900] =	vst v63  }
0x13: {  	_ =	swait.ge [sflag:s14], $0x80  }
0x14: {  	[sflag:s14] =	ssyncset.done $0x0  }
0x15: {  	[sflag:s14] =	ssyncadd.s32 $0xFFFFFF80  }
0x16: {  	[tilespmem:s2], [sflag:$0x5] =	stream.linear.gather [hbm4b:s3+s2], $0x4E80, $0x38;
	[tilespmem:$0x18900] =	vst v63  }
0x17: {  	_ =	swait.ge [sflag:s14], $0x4E80  }
0x18: {  	[sflag:s14] =	ssyncset.done $0x0  }
0x19: {  	[sflag:s14] =	ssyncadd.s32 $0xFFFFB180  }
0x1a: {  	s22 =	simm.s32 $0xEBD0;
	s23 =	simm.s32 $0x0;
	v1 =	vld [tilespmem:$0x18880]  }
0x1b: {  	s24 =	sand.u32 $0xFFE0, s23;
	v2 =	vld [tilespmem:$0x18890];
	[tilespmem:s22+$0x40] =	vst v0  }
0x1c: {  	[tilespmem:s24+$0xEC00] =	vst v0  }
0x1d: {  	[tilespmem:s22+$0x20] =	vst v0  }
0x1e: {  	[tilespmem:s22+$0x10] =	vst v0  }
0x1f: {  	[tilespmem:s22+$0x0] =	vst v0  }
0x20: {  	[tilespmem:s22+$0xFFFFFFF0] =	vst v0  }
0x21: {  	[tilespmem:s22+$0xFFFFFFE0] =	vst v0  }
0x22: {  	[tilespmem:s22+$0xFFFFFFD0] =	vst v0  }
0x23: {  	[tilespmem:s22+$0xFFFFFFC0] =	vst v0  }
.LBB2_2:
0x24: {  	s23 =	sadd.s32 $0xA0, s23;
	[tilespmem:s22+$0xFFFFFFB0] =	vst v0;
	s22 =	sadd.s32 $0xA0, s22  }
0x25: {  	s24 =	sand.u32 $0xFFE0, s23;
	[tilespmem:s22+$0x40] =	vst v0;
	p0 =	slt.u32 s23, $0x9C40  }
0x26: {  	[tilespmem:s24+$0xEC00] =	vst v0  }
0x27: {  	[tilespmem:s22+$0x20] =	vst v0  }
0x28: {  	[tilespmem:s22+$0x10] =	vst v0  }
.Ltmp0:
0x29: {  	[tilespmem:s22+$0x0] =	vst v0;
	(pc) =	sbr.rel @p0 .LBB2_2-.Ltmp0, $4  }
0x2a: {  	[tilespmem:s22+$0xFFFFFFF0] =	vst v0  }
0x2b: {  	[tilespmem:s22+$0xFFFFFFE0] =	vst v0  }
0x2c: {  	[tilespmem:s22+$0xFFFFFFD0] =	vst v0  }
0x2d: {  	[tilespmem:s22+$0xFFFFFFC0] =	vst v0  }
0x2e: {  	[tilespmem:s22+$0xFFFFFFB0] =	vst v0  }
0x2f: {  	_ =	swait.ge [sflag:s15], $0x4E80  }
0x30: {  	s30 =	simm.s32 $0x0;
	[sflag:s15] =	ssyncset.done $0x0  }
0x31: {  	s24 =	sand.u32 $0x7FE0, s30;
	[sflag:s15] =	ssyncadd.s32 $0xFFFFB180  }
0x32: {  	[tilespmem:s16], [sflag:$0x2] =	stream.strided.gather [hbm4b:s6+s10], $0x4E80, s11, s10, $0x38;
	[tilespmem:$0x18900] =	vst v63  }
0x33: {  	v3 =	vld [tilespmem:s24+$0x80];
	_ =	sdelay $0x1  }
0x34: {  	s25 =	simm.s32 $0xA0  }
0x35: {  	s31 =	sand.u32 $0x7FE0, s25;
	v4 =	vld [tilespmem:s24+$0x4F00]  }
0x36: {  	s23 =	simm.s32 $0x50;
	v8 =	vld [tilespmem:s31+$0x80]  }
0x37: {  	v6 =	vld [tilespmem:s23+$0xFFFFFFC0];
	v5 =	vand.u32 $0xFFFF, v3  }
0x38: {  	v7 =	vld [tilespmem:s23+$0xFFFFFFD0]  }
0x39: {  	s22 =	simm.s32 $0x4ED0;
	v9 =	vld [tilespmem:s23+$0xFFFFFFE0]  }
0x3a: {  	v10 =	vld [tilespmem:s22+$0x40]  }
0x3b: {  	v11 =	vld [tilespmem:s23+$0xFFFFFFF0]  }
0x3c: {  	[tilespmem:v5+s17+$0x0] =	vst.idx.add.f32.msk $0xffff, v4  }
0x3d: {  	v4 =	vld [tilespmem:s23+$0x40]  }
0x3e: {  	v12 =	vld [tilespmem:s23+$0x0]  }
0x3f: {  	v13 =	vld [tilespmem:s23+$0x10]  }
0x40: {  	v14 =	vld [tilespmem:s23+$0x20]  }
0x41: {  	v15 =	vld [tilespmem:s22+$0xFFFFFFC0]  }
0x42: {  	v16 =	vld [tilespmem:s22+$0xFFFFFFD0];
	v4 =	vand.u32 $0xFFFF, v4  }
0x43: {  	v5 =	vld [tilespmem:s23+$0xFFFFFFB0]  }
0x44: {  	v17 =	vld [tilespmem:s22+$0xFFFFFFE0]  }
0x45: {  	v19 =	vld [tilespmem:s22+$0xFFFFFFF0]  }
0x46: {  	v20 =	vld [tilespmem:s22+$0x0];
	v18 =	vand.u32 $0xFFFF, v6  }
0x47: {  	[tilespmem:v4+s17+$0x0] =	vst.idx.add.f32.msk $0xffff, v10  }
0x48: {  	v5 =	vand.u32 $0xFFFF, v5;
	v10 =	vld [tilespmem:s22+$0xFFFFFFB0]  }
0x49: {  	v3 =	vld [tilespmem:s31+$0x4F00];
	v7 =	vand.u32 $0xFFFF, v7  }
0x4a: {  	v9 =	vand.u32 $0xFFFF, v9;
	v6 =	vld [tilespmem:s22+$0x20]  }
0x4b: {  	v11 =	vand.u32 $0xFFFF, v11;
	[tilespmem:v18+s17+$0x0] =	vst.idx.add.f32.msk $0xffff, v15  }
0x4c: {  	v12 =	vand.u32 $0xFFFF, v12;
	v4 =	vld [tilespmem:s22+$0x10]  }
0x4d: {  	[tilespmem:v5+s17+$0x0] =	vst.idx.add.f32.msk $0xffff, v10;
	v5 =	vand.u32 $0xFFFF, v13  }
0x4e: {  	[tilespmem:v7+s17+$0x0] =	vst.idx.add.f32.msk $0xffff, v16;
	v7 =	vand.u32 $0xFFFF, v14  }
0x4f: {  	[tilespmem:v9+s17+$0x0] =	vst.idx.add.f32.msk $0xffff, v17  }
0x50: {  	[tilespmem:v11+s17+$0x0] =	vst.idx.add.f32.msk $0xffff, v19  }
0x51: {  	s28 =	simm.s32 $0x50;
	s26 =	simm.s32 $0x4ED0;
	v8 =	vand.u32 $0xFFFF, v8;
	[tilespmem:v12+s17+$0x0] =	vst.idx.add.f32.msk $0xffff, v20  }
.LBB2_4:
0x52: {  	s25 =	sadd.s32 $0xA0, s25;
	[tilespmem:v5+s17+$0x0] =	vst.idx.add.f32.msk $0xffff, v4  }
0x53: {  	s29 =	sand.u32 $0x7FE0, s25;
	[tilespmem:v7+s17+$0x0] =	vst.idx.add.f32.msk $0xffff, v6  }
0x54: {  	v4 =	vld [tilespmem:s29+$0x4F00]  }
0x55: {  	p0 =	slt.u32 s25, $0x4D80;
	v9 =	vld [tilespmem:s29+$0x80]  }
0x56: {  	s28 =	sadd.s32 $0xA0, s28;
	[tilespmem:v8+s17+$0x0] =	vst.idx.add.f32.msk $0xffff, v3  }
0x57: {  	v5 =	vld [tilespmem:s28+$0x40]  }
0x58: {  	v6 =	vld [tilespmem:s28+$0xFFFFFFB0]  }
0x59: {  	v7 =	vld [tilespmem:s28+$0xFFFFFFC0];
	v3 =	vmov v4  }
0x5a: {  	v4 =	vld [tilespmem:s28+$0xFFFFFFD0]  }
0x5b: {  	s26 =	sadd.s32 $0xA0, s26;
	v8 =	vld [tilespmem:s28+$0xFFFFFFE0]  }
0x5c: {  	v10 =	vld [tilespmem:s26+$0x40];
	v5 =	vand.u32 $0xFFFF, v5  }
0x5d: {  	v11 =	vand.u32 $0xFFFF, v6;
	v6 =	vld [tilespmem:s28+$0xFFFFFFF0]  }
0x5e: {  	v12 =	vand.u32 $0xFFFF, v7;
	v7 =	vld [tilespmem:s28+$0x0]  }
0x5f: {  	v13 =	vand.u32 $0xFFFF, v4;
	v4 =	vld [tilespmem:s28+$0x10]  }
0x60: {  	v8 =	vand.u32 $0xFFFF, v8;
	v14 =	vld [tilespmem:s28+$0x20]  }
0x61: {  	[tilespmem:v5+s17+$0x0] =	vst.idx.add.f32.msk $0xffff, v10  }
0x62: {  	v10 =	vld [tilespmem:s26+$0xFFFFFFB0];
	v15 =	vand.u32 $0xFFFF, v6  }
0x63: {  	v16 =	vld [tilespmem:s26+$0xFFFFFFC0];
	v17 =	vand.u32 $0xFFFF, v7  }
0x64: {  	v18 =	vld [tilespmem:s26+$0xFFFFFFD0];
	v5 =	vand.u32 $0xFFFF, v4  }
0x65: {  	v19 =	vld [tilespmem:s26+$0xFFFFFFE0];
	v7 =	vand.u32 $0xFFFF, v14  }
0x66: {  	v14 =	vld [tilespmem:s26+$0xFFFFFFF0]  }
0x67: {  	v20 =	vld [tilespmem:s26+$0x0]  }
0x68: {  	v4 =	vld [tilespmem:s26+$0x10]  }
0x69: {  	v6 =	vld [tilespmem:s26+$0x20]  }
0x6a: {  	[tilespmem:v11+s17+$0x0] =	vst.idx.add.f32.msk $0xffff, v10  }
.Ltmp1:
0x6b: {  	[tilespmem:v12+s17+$0x0] =	vst.idx.add.f32.msk $0xffff, v16;
	(pc) =	sbr.rel @p0 .LBB2_4-.Ltmp1, $4  }
0x6c: {  	[tilespmem:v13+s17+$0x0] =	vst.idx.add.f32.msk $0xffff, v18  }
0x6d: {  	[tilespmem:v8+s17+$0x0] =	vst.idx.add.f32.msk $0xffff, v19  }
0x6e: {  	[tilespmem:v15+s17+$0x0] =	vst.idx.add.f32.msk $0xffff, v14  }
0x6f: {  	v8 =	vand.u32 $0xFFFF, v9;
	[tilespmem:v17+s17+$0x0] =	vst.idx.add.f32.msk $0xffff, v20  }
0x70: {  	_ =	sdelay $0x3  }
0x71: {  	[tilespmem:v5+s17+$0x0] =	vst.idx.add.f32.msk $0xffff, v4  }
0x72: {  	[tilespmem:v7+s17+$0x0] =	vst.idx.add.f32.msk $0xffff, v6  }
0x73: {  	[tilespmem:v8+s17+$0x0] =	vst.idx.add.f32.msk $0xffff, v3;
	s25 =	sadd.s32 $0xA0, s28  }
0x74: {  	v3 =	vld [tilespmem:s25+$0x40]  }
0x75: {  	v4 =	vld [tilespmem:s25+$0xFFFFFFB0]  }
0x76: {  	v5 =	vld [tilespmem:s25+$0xFFFFFFC0]  }
0x77: {  	v6 =	vld [tilespmem:s25+$0xFFFFFFD0]  }
0x78: {  	s26 =	sadd.s32 $0xA0, s26;
	v7 =	vld [tilespmem:s25+$0xFFFFFFE0]  }
0x79: {  	v8 =	vld [tilespmem:s26+$0x40]  }
0x7a: {  	v9 =	vld [tilespmem:s25+$0xFFFFFFF0]  }
0x7b: {  	v10 =	vld [tilespmem:s25+$0x0]  }
0x7c: {  	v11 =	vld [tilespmem:s25+$0x10]  }
0x7d: {  	v12 =	vld [tilespmem:s25+$0x20];
	v3 =	vand.u32 $0xFFFF, v3  }
0x7e: {  	v13 =	vld [tilespmem:s26+$0xFFFFFFD0]  }
0x7f: {  	v14 =	vld [tilespmem:s26+$0xFFFFFFE0]  }
0x80: {  	v15 =	vld [tilespmem:s26+$0xFFFFFFF0]  }
0x81: {  	v16 =	vld [tilespmem:s26+$0x0]  }
0x82: {  	v6 =	vand.u32 $0xFFFF, v6;
	[tilespmem:v3+s17+$0x0] =	vst.idx.add.f32.msk $0xffff, v8  }
0x83: {  	v4 =	vand.u32 $0xFFFF, v4;
	v3 =	vld [tilespmem:s26+$0xFFFFFFB0]  }
0x84: {  	v17 =	vld [tilespmem:s26+$0x10];
	v7 =	vand.u32 $0xFFFF, v7  }
0x85: {  	v18 =	vld [tilespmem:s26+$0x20];
	v9 =	vand.u32 $0xFFFF, v9  }
0x86: {  	v10 =	vand.u32 $0xFFFF, v10;
	v8 =	vld [tilespmem:s26+$0xFFFFFFC0]  }
0x87: {  	v5 =	vand.u32 $0xFFFF, v5;
	[tilespmem:v6+s17+$0x0] =	vst.idx.add.f32.msk $0xffff, v13  }
0x88: {  	[tilespmem:v4+s17+$0x0] =	vst.idx.add.f32.msk $0xffff, v3;
	v3 =	vand.u32 $0xFFFF, v11  }
0x89: {  	[tilespmem:v7+s17+$0x0] =	vst.idx.add.f32.msk $0xffff, v14;
	v4 =	vand.u32 $0xFFFF, v12  }
0x8a: {  	[tilespmem:v9+s17+$0x0] =	vst.idx.add.f32.msk $0xffff, v15  }
0x8b: {  	[tilespmem:v10+s17+$0x0] =	vst.idx.add.f32.msk $0xffff, v16  }
0x8c: {  	[tilespmem:v5+s17+$0x0] =	vst.idx.add.f32.msk $0xffff, v8  }
0x8d: {  	[tilespmem:v3+s17+$0x0] =	vst.idx.add.f32.msk $0xffff, v17  }
0x8e: {  	s30 =	simm.s32 $0xA0;
	[tilespmem:v4+s17+$0x0] =	vst.idx.add.f32.msk $0xffff, v18  }
0x8f: {  	s31 =	sand.u32 $0x7FE0, s30;
	v3 =	vld [tilespmem:s24+$0x80]  }
0x90: {  	v6 =	vld [tilespmem:s31+$0x80]  }
0x91: {  	v7 =	vld [tilespmem:s23+$0x40]  }
0x92: {  	v10 =	vld [tilespmem:s23+$0xFFFFFFC0];
	_ =	sdelay $0x1  }
0x93: {  	v13 =	vld [tilespmem:s23+$0xFFFFFFD0];
	v4 =	vand.u32 $0xFFFF, v3  }
0x94: {  	v15 =	vld [tilespmem:s23+$0x0];
	v5 =	vand.u32 $0x10000, v3;
	v3 =	vand.u32 $0x20000, v3;
	v8 =	vand.u32 $0x10000, v6  }
0x95: {  	v9 =	vand.u32 $0xFFFF, v6;
	v6 =	vand.u32 $0x20000, v6;
	v11 =	vand.u32 $0xFFFF, v7  }
0x96: {  	v12 =	vand.u32 $0x10000, v7;
	v19 =	vand.u32 $0xFFFF, v10;
	v20 =	vand.u32 $0x10000, v10  }
0x97: {  	v10 =	vand.u32 $0x20000, v10;
	vm0 =	veq.s32 v5, $0x0;
	v5 =	vadd.s32 $0xFFFFFFFF, v4  }
0x98: {  	v14 =	vld [tilespmem:s23+$0xFFFFFFE0];
	vm1 =	veq.s32 v3, $0x0;
	v3 =	vnsel vm0, $0x9C40, v5;
	v5 =	vadd.s32 $0x1, v4  }
0x99: {  	v18 =	vld [tilespmem:s23+$0x10];
	v22 =	vand.u32 $0xFFFF, v13;
	v29 =	vand.u32 $0x10000, v15;
	v5 =	vnsel vm1, $0x9C40, v5  }
0x9a: {  	s26 =	simm.s32 $0xF0;
	v21 =	vld [tilespmem:s23+$0x20];
	vm5 =	veq.s32 v20, $0x0;
	v34 =	vadd.s32 $0xFFFFFFFF, v19;
	vm3 =	veq.s32 v10, $0x0  }
0x9b: {  	v62 =	vld [tilespmem:s26+$0x10];
	v10 =	vadd.s32 $0x1, v19;
	vm10 =	veq.s32 v29, $0x0;
	v29 =	vnsel vm5, $0x9C40, v34  }
0x9c: {  	v23 =	vand.u32 $0x10000, v13;
	v13 =	vand.u32 $0x20000, v13;
	v10 =	vnsel vm3, $0x9C40, v10  }
0x9d: {  	v24 =	vand.u32 $0xFFFF, v14;
	v25 =	vand.u32 $0x10000, v14;
	v14 =	vand.u32 $0x20000, v14;
	v3 =	vld.idx.msk [tilespmem:v3+s17+$0x0], $0xffff  }
0x9e: {  	v28 =	vand.u32 $0xFFFF, v15;
	v15 =	vand.u32 $0x20000, v15;
	v30 =	vand.u32 $0xFFFF, v18;
	v5 =	vld.idx.msk [tilespmem:v5+s17+$0x0], $0xffff  }
0x9f: {  	v31 =	vand.u32 $0x10000, v18;
	v18 =	vand.u32 $0x20000, v18;
	v32 =	vand.u32 $0xFFFF, v21;
	v4 =	vld.idx.msk [tilespmem:v4+s17+$0x0], $0xffff  }
0xa0: {  	v33 =	vand.u32 $0x10000, v21;
	v21 =	vand.u32 $0x20000, v21;
	v54 =	vand.u32 $0xFFFF, v62;
	v29 =	vld.idx.msk [tilespmem:v29+s17+$0x0], $0xffff  }
0xa1: {  	v55 =	vand.u32 $0x10000, v62;
	v56 =	vand.u32 $0x20000, v62;
	vm2 =	veq.s32 v25, $0x0;
	v10 =	vld.idx.msk [tilespmem:v10+s17+$0x0], $0xffff  }
0xa2: {  	vm7 =	veq.s32 v14, $0x0;
	v14 =	vadd.s32 $0x1, v24;
	vm12 =	veq.s32 v55, $0x0  }
0xa3: {  	vm13 =	veq.s32 v56, $0x0;
	vm0 =	veq.s32 v8, $0x0;
	v3 =	vadd.f32 v5, v3  }
0xa4: {  	v8 =	vadd.s32 $0xFFFFFFFF, v9;
	vm5 =	veq.s32 v18, $0x0;
	vm1 =	veq.s32 v6, $0x0;
	v6 =	vld [tilespmem:s23+$0xFFFFFFB0]  }
0xa5: {  	vm3 =	veq.s32 v33, $0x0;
	v19 =	vld.idx.msk [tilespmem:v19+s17+$0x0], $0xffff;
	v4 =	vmul.f32 v4, v1;
	v3 =	vmul.f32 v3, v2  }
0xa6: {  	v35 =	vld.idx.msk [tilespmem:v22+s17+$0x0], $0xffff;
	v10 =	vadd.f32 v10, v29;
	v5 =	vnsel vm0, $0x9C40, v8;
	vm0 =	veq.s32 v12, $0x0  }
0xa7: {  	v12 =	vadd.s32 $0xFFFFFFFF, v11;
	v16 =	vadd.f32 v3, v4;
	v3 =	vand.u32 $0x20000, v7  }
0xa8: {  	v29 =	vld [tilespmem:s26+$0xFFFFFFF0];
	v4 =	vnsel vm0, $0x9C40, v12;
	vm0 =	veq.s32 v3, $0x0;
	v3 =	vadd.s32 $0x1, v11  }
0xa9: {  	v14 =	vnsel vm7, $0x9C40, v14;
	v36 =	vld.idx.msk [tilespmem:v30+s17+$0x0], $0xffff;
	v8 =	vadd.s32 $0x1, v9;
	v3 =	vnsel vm0, $0x9C40, v3  }
0xaa: {  	v17 =	vand.u32 $0x10000, v6;
	v8 =	vnsel vm1, $0x9C40, v8;
	vm1 =	veq.s32 v13, $0x0;
	v13 =	vld.idx.msk [tilespmem:v24+s17+$0x0], $0xffff  }
0xab: {  	vm4 =	veq.s32 v17, $0x0;
	v19 =	vmul.f32 v19, v1;
	v35 =	vmul.f32 v35, v1;
	v7 =	vld [tilespmem:s23+$0xFFFFFFF0]  }
0xac: {  	v10 =	vmul.f32 v10, v2;
	v12 =	vand.u32 $0xFFFF, v6;
	v6 =	vand.u32 $0x20000, v6;
	v11 =	vld.idx.msk [tilespmem:v11+s17+$0x0], $0xffff  }
0xad: {  	v47 =	vand.u32 $0xFFFF, v29;
	v48 =	vand.u32 $0x10000, v29;
	v17 =	vadd.s32 $0xFFFFFFFF, v12;
	v4 =	vld.idx.msk [tilespmem:v4+s17+$0x0], $0xffff  }
0xae: {  	vm6 =	veq.s32 v6, $0x0;
	v6 =	vadd.s32 $0x1, v12;
	v17 =	vnsel vm4, $0x9C40, v17;
	v3 =	vld.idx.msk [tilespmem:v3+s17+$0x0], $0xffff  }
0xaf: {  	v18 =	vld.idx.msk [tilespmem:v5+s17+$0x0], $0xffff;
	v5 =	vadd.s32 $0xFFFFFFFF, v32;
	vm0 =	veq.s32 v23, $0x0;
	v23 =	vadd.s32 $0xFFFFFFFF, v22  }
0xb0: {  	vm4 =	veq.s32 v15, $0x0;
	v6 =	vnsel vm6, $0x9C40, v6;
	vm6 =	veq.s32 v31, $0x0;
	v31 =	vld.idx.msk [tilespmem:v9+s17+$0x0], $0xffff  }
0xb1: {  	v15 =	vadd.s32 $0x1, v28;
	v9 =	vadd.s32 $0x1, v30;
	v8 =	vld.idx.msk [tilespmem:v8+s17+$0x0], $0xffff;
	v26 =	vand.u32 $0xFFFF, v7  }
0xb2: {  	v23 =	vnsel vm0, $0x9C40, v23;
	v27 =	vand.u32 $0x10000, v7;
	v7 =	vand.u32 $0x20000, v7;
	v12 =	vld.idx.msk [tilespmem:v12+s17+$0x0], $0xffff  }
0xb3: {  	v11 =	vmul.f32 v11, v1;
	vm9 =	veq.s32 v7, $0x0;
	v17 =	vld.idx.msk [tilespmem:v17+s17+$0x0], $0xffff;
	v3 =	vadd.f32 v3, v4  }
0xb4: {  	v7 =	vadd.s32 $0xFFFFFFFF, v28;
	v4 =	vadd.s32 $0x1, v22;
	v22 =	vadd.s32 $0xFFFFFFFF, v24;
	v24 =	vld.idx.msk [tilespmem:v28+s17+$0x0], $0xffff  }
0xb5: {  	v28 =	vadd.s32 $0xFFFFFFFF, v30;
	v30 =	vld.idx.msk [tilespmem:v6+s17+$0x0], $0xffff;
	v4 =	vnsel vm1, $0x9C40, v4;
	v3 =	vmul.f32 v3, v2  }
0xb6: {  	s25 =	simm.s32 $0x140;
	v37 =	vnsel vm3, $0x9C40, v5;
	vm0 =	veq.s32 v21, $0x0;
	vm8 =	veq.s32 v27, $0x0;
	v25 =	vld.idx.msk [tilespmem:v26+s17+$0x0], $0xffff  }
0xb7: {  	s23 =	sand.u32 $0x7FE0, s25;
	v27 =	vadd.s32 $0xFFFFFFFF, v26;
	v22 =	vnsel vm2, $0x9C40, v22;
	v20 =	vadd.f32 v3, v11;
	v11 =	vld.idx.msk [tilespmem:v32+s17+$0x0], $0xffff  }
0xb8: {  	v21 =	vadd.s32 $0x1, v32;
	v27 =	vnsel vm8, $0x9C40, v27;
	v3 =	vadd.s32 $0x1, v26;
	v26 =	vld [tilespmem:s23+$0x80]  }
0xb9: {  	v15 =	vnsel vm4, $0x9C40, v15;
	v59 =	vnsel vm5, $0x9C40, v9;
	v23 =	vld.idx.msk [tilespmem:v23+s17+$0x0], $0xffff;
	v57 =	vnsel vm9, $0x9C40, v3  }
0xba: {  	v58 =	vnsel vm10, $0x9C40, v7;
	v7 =	vmul.f32 v13, v1;
	v17 =	vadd.f32 v30, v17;
	v38 =	vld.idx.msk [tilespmem:v4+s17+$0x0], $0xffff  }
0xbb: {  	v14 =	vld.idx.msk [tilespmem:v14+s17+$0x0], $0xffff;
	v21 =	vnsel vm0, $0x9C40, v21;
	v12 =	vmul.f32 v12, v1;
	v6 =	vmul.f32 v25, v1  }
0xbc: {  	v18 =	vadd.f32 v8, v18;
	v5 =	vmul.f32 v24, v1;
	v13 =	vld.idx.msk [tilespmem:v22+s17+$0x0], $0xffff;
	v17 =	vmul.f32 v17, v2  }
0xbd: {  	v22 =	vld.idx.msk [tilespmem:v27+s17+$0x0], $0xffff;
	v3 =	vmul.f32 v11, v1;
	v9 =	vand.u32 $0xFFFF, v26;
	v11 =	vand.u32 $0x10000, v26  }
0xbe: {  	v24 =	vand.u32 $0x20000, v26;
	v26 =	vadd.f32 v17, v12;
	v25 =	vld.idx.msk [tilespmem:v57+s17+$0x0], $0xffff;
	vm0 =	veq.s32 v11, $0x0  }
0xbf: {  	v11 =	vadd.s32 $0xFFFFFFFF, v9;
	vm1 =	veq.s32 v24, $0x0;
	v24 =	vld [tilespmem:s26+$0x40];
	v17 =	vadd.f32 v38, v23  }
0xc0: {  	v18 =	vmul.f32 v18, v2;
	v12 =	vnsel vm0, $0x9C40, v11;
	v11 =	vadd.s32 $0x1, v9  }
0xc1: {  	v41 =	vld [tilespmem:s26+$0x20];
	v23 =	vadd.f32 v10, v19;
	v14 =	vadd.f32 v14, v13;
	v10 =	vmul.f32 v17, v2  }
0xc2: {  	v8 =	vld.idx.msk [tilespmem:v58+s17+$0x0], $0xffff;
	v28 =	vnsel vm6, $0x9C40, v28;
	v19 =	vmul.f32 v31, v1;
	v13 =	vnsel vm1, $0x9C40, v11  }
0xc3: {  	v27 =	vld [tilespmem:s26+$0xFFFFFFC0];
	v39 =	vadd.f32 v10, v35;
	v10 =	vmul.f32 v14, v2;
	v11 =	vadd.f32 v25, v22  }
0xc4: {  	[tilespmem:s22+$0xFFFFFFB0] =	vst v26;
	v26 =	vld.idx.msk [tilespmem:v54+s17+$0x0], $0xffff;
	v25 =	vadd.f32 v18, v19;
	v18 =	vand.u32 $0xFFFF, v24;
	v14 =	vand.u32 $0x10000, v24  }
0xc5: {  	v17 =	vld [tilespmem:s26+$0xFFFFFFB0];
	v24 =	vand.u32 $0x20000, v24;
	vm0 =	veq.s32 v14, $0x0;
	v14 =	vadd.s32 $0xFFFFFFFF, v18  }
0xc6: {  	v22 =	vld [tilespmem:s26+$0xFFFFFFD0];
	v30 =	vnsel vm0, $0x9C40, v14;
	vm0 =	veq.s32 v24, $0x0;
	v14 =	vadd.s32 $0x1, v18  }
0xc7: {  	v50 =	vand.u32 $0x20000, v29;
	v29 =	vand.u32 $0x10000, v41;
	v19 =	vld [tilespmem:s26+$0xFFFFFFE0];
	v61 =	vnsel vm0, $0x9C40, v14  }
0xc8: {  	vm8 =	veq.s32 v48, $0x0;
	vm9 =	veq.s32 v50, $0x0;
	v4 =	vmul.f32 v36, v1;
	v24 =	vld [tilespmem:s26+$0x0]  }
0xc9: {  	v60 =	vand.u32 $0xFFFF, v27;
	v40 =	vand.u32 $0x10000, v27;
	v27 =	vand.u32 $0x20000, v27;
	v14 =	vld.idx.msk [tilespmem:v15+s17+$0x0], $0xffff  }
0xca: {  	v38 =	vadd.s32 $0xFFFFFFFF, v47;
	vm2 =	veq.s32 v40, $0x0;
	vm3 =	veq.s32 v27, $0x0;
	v15 =	vld.idx.msk [tilespmem:v28+s17+$0x0], $0xffff  }
0xcb: {  	[tilespmem:s22+$0xFFFFFFD0] =	vst v39;
	v39 =	vadd.s32 $0x1, v47;
	v32 =	vand.u32 $0xFFFF, v17;
	v31 =	vand.u32 $0x10000, v17;
	v49 =	vld.idx.msk [tilespmem:v30+s17+$0x0], $0xffff  }
0xcc: {  	v63 =	vand.u32 $0x20000, v17;
	v28 =	vand.u32 $0xFFFF, v41;
	vm0 =	veq.s32 v31, $0x0;
	v33 =	vld.idx.msk [tilespmem:v61+s17+$0x0], $0xffff  }
0xcd: {  	[tilespmem:s22+$0xFFFFFFC0] =	vst v23;
	v23 =	vld.idx.msk [tilespmem:v47+s17+$0x0], $0xffff;
	vm1 =	veq.s32 v63, $0x0;
	v31 =	vadd.s32 $0xFFFFFFFF, v32;
	v27 =	vadd.s32 $0x1, v32  }
0xce: {  	v51 =	vand.u32 $0xFFFF, v24;
	v52 =	vand.u32 $0x10000, v24;
	v53 =	vand.u32 $0x20000, v24;
	v24 =	vld.idx.msk [tilespmem:v18+s17+$0x0], $0xffff  }
0xcf: {  	[tilespmem:s24+$0x4F00] =	vst v16;
	v16 =	vld.idx.msk [tilespmem:v60+s17+$0x0], $0xffff;
	v42 =	vand.u32 $0xFFFF, v22;
	v43 =	vand.u32 $0x10000, v22;
	v22 =	vand.u32 $0x20000, v22  }
0xd0: {  	v17 =	vld.idx.msk [tilespmem:v59+s17+$0x0], $0xffff;
	v44 =	vand.u32 $0xFFFF, v19;
	v45 =	vand.u32 $0x10000, v19;
	v46 =	vand.u32 $0x20000, v19  }
0xd1: {  	v19 =	vld.idx.msk [tilespmem:v21+s17+$0x0], $0xffff;
	vm4 =	veq.s32 v43, $0x0;
	vm5 =	veq.s32 v22, $0x0;
	v61 =	vadd.f32 v33, v49  }
0xd2: {  	v34 =	vadd.s32 $0xFFFFFFFF, v42;
	vm6 =	veq.s32 v45, $0x0;
	v35 =	vadd.s32 $0x1, v42;
	v18 =	vld.idx.msk [tilespmem:v37+s17+$0x0], $0xffff  }
0xd3: {  	vm7 =	veq.s32 v46, $0x0;
	v21 =	vld.idx.msk [tilespmem:v32+s17+$0x0], $0xffff;
	v24 =	vmul.f32 v24, v1;
	v62 =	vmul.f32 v61, v2  }
0xd4: {  	[tilespmem:s31+$0x4F00] =	vst v25;
	v36 =	vadd.s32 $0xFFFFFFFF, v44;
	v43 =	vadd.s32 $0x1, v54;
	v30 =	vand.u32 $0x20000, v41;
	v25 =	vld.idx.msk [tilespmem:v28+s17+$0x0], $0xffff  }
0xd5: {  	[tilespmem:s22+$0x40] =	vst v20;
	v37 =	vadd.s32 $0x1, v44;
	v32 =	vadd.s32 $0xFFFFFFFF, v60;
	v20 =	vld.idx.msk [tilespmem:v42+s17+$0x0], $0xffff;
	v63 =	vadd.f32 v62, v24  }
0xd6: {  	s24 =	simm.s32 $0x4F70;
	vm10 =	veq.s32 v52, $0x0;
	v40 =	vadd.s32 $0xFFFFFFFF, v51;
	vm11 =	veq.s32 v53, $0x0;
	v22 =	vld.idx.msk [tilespmem:v44+s17+$0x0], $0xffff  }
0xd7: {  	v41 =	vadd.s32 $0x1, v51;
	v42 =	vadd.s32 $0xFFFFFFFF, v54;
	v33 =	vadd.s32 $0x1, v60;
	v24 =	vld.idx.msk [tilespmem:v51+s17+$0x0], $0xffff;
	[tilespmem:s24+$0x40] =	vst v63  }
.LBB2_6:
0xd8: {  	s25 =	sadd.s32 $0xA0, s25;
	vm14 =	veq.s32 v29, $0x0;
	v29 =	vadd.s32 $0xFFFFFFFF, v28;
	vm15 =	veq.s32 v30, $0x0  }
0xd9: {  	v30 =	vnsel vm0, $0x9C40, v31;
	v31 =	vnsel vm1, $0x9C40, v27;
	v27 =	vadd.s32 $0x1, v28;
	s28 =	sand.u32 $0x7FE0, s25;
	p0 =	slt.u32 s25, $0x4D80  }
0xda: {  	v32 =	vnsel vm2, $0x9C40, v32;
	v33 =	vnsel vm3, $0x9C40, v33;
	v34 =	vnsel vm4, $0x9C40, v34;
	v44 =	vld [tilespmem:s28+$0x80]  }
0xdb: {  	v45 =	vld.idx.msk [tilespmem:v9+s17+$0x0], $0xffff;
	v9 =	vnsel vm5, $0x9C40, v35;
	v35 =	vnsel vm6, $0x9C40, v36;
	v36 =	vnsel vm7, $0x9C40, v37  }
0xdc: {  	v37 =	vld.idx.msk [tilespmem:v12+s17+$0x0], $0xffff;
	v12 =	vnsel vm8, $0x9C40, v38;
	v38 =	vnsel vm9, $0x9C40, v39;
	v39 =	vnsel vm10, $0x9C40, v40  }
0xdd: {  	v40 =	vnsel vm11, $0x9C40, v41;
	v41 =	vnsel vm12, $0x9C40, v42;
	v42 =	vnsel vm13, $0x9C40, v43;
	v13 =	vld.idx.msk [tilespmem:v13+s17+$0x0], $0xffff  }
0xde: {  	v8 =	vadd.f32 v14, v8;
	v28 =	vnsel vm14, $0x9C40, v29;
	v27 =	vnsel vm15, $0x9C40, v27;
	v30 =	vld.idx.msk [tilespmem:v30+s17+$0x0], $0xffff  }
0xdf: {  	v11 =	vmul.f32 v11, v2;
	v15 =	vadd.f32 v17, v15;
	v17 =	vadd.f32 v19, v18;
	v14 =	vld.idx.msk [tilespmem:v31+s17+$0x0], $0xffff  }
0xe0: {  	v18 =	vmul.f32 v21, v1;
	v10 =	vadd.f32 v10, v7;
	v7 =	vmul.f32 v8, v2;
	v19 =	vld.idx.msk [tilespmem:v32+s17+$0x0], $0xffff  }
0xe1: {  	v11 =	vadd.f32 v11, v6;
	v15 =	vmul.f32 v15, v2;
	v17 =	vmul.f32 v17, v2;
	v8 =	vld.idx.msk [tilespmem:v33+s17+$0x0], $0xffff  }
0xe2: {  	v16 =	vmul.f32 v16, v1;
	v20 =	vmul.f32 v20, v1;
	v29 =	vadd.f32 v7, v5;
	v21 =	vld.idx.msk [tilespmem:v34+s17+$0x0], $0xffff  }
0xe3: {  	v6 =	vmul.f32 v23, v1;
	v7 =	vmul.f32 v22, v1;
	v15 =	vadd.f32 v15, v4;
	v31 =	vld.idx.msk [tilespmem:v9+s17+$0x0], $0xffff  }
0xe4: {  	v5 =	vmul.f32 v24, v1;
	v4 =	vmul.f32 v26, v1;
	v17 =	vadd.f32 v17, v3;
	v22 =	vld.idx.msk [tilespmem:v35+s17+$0x0], $0xffff  }
0xe5: {  	v3 =	vmul.f32 v25, v1;
	v14 =	vadd.f32 v14, v30;
	v23 =	vld.idx.msk [tilespmem:v36+s17+$0x0], $0xffff;
	[tilespmem:s22+$0xFFFFFFE0] =	vst v10  }
0xe6: {  	v9 =	vand.u32 $0xFFFF, v44;
	v10 =	vand.u32 $0x10000, v44;
	v24 =	vld.idx.msk [tilespmem:v12+s17+$0x0], $0xffff;
	[tilespmem:s22+$0xFFFFFFF0] =	vst v11  }
0xe7: {  	v11 =	vand.u32 $0x20000, v44;
	v12 =	vmul.f32 v14, v2;
	v14 =	vadd.f32 v8, v19;
	v19 =	vld.idx.msk [tilespmem:v38+s17+$0x0], $0xffff;
	[tilespmem:s22+$0x0] =	vst v29  }
0xe8: {  	s26 =	sadd.s32 $0xA0, s26;
	vm0 =	veq.s32 v10, $0x0;
	v10 =	vadd.s32 $0xFFFFFFFF, v9;
	vm1 =	veq.s32 v11, $0x0;
	v8 =	vld.idx.msk [tilespmem:v39+s17+$0x0], $0xffff;
	[tilespmem:s22+$0x10] =	vst v15  }
0xe9: {  	v11 =	vadd.f32 v12, v18;
	v14 =	vmul.f32 v14, v2;
	v18 =	vadd.f32 v31, v21;
	v15 =	vld [tilespmem:s26+$0x40];
	[tilespmem:s22+$0x20] =	vst v17;
	s22 =	smov.u32 s24  }
0xea: {  	v12 =	vnsel vm0, $0x9C40, v10;
	v10 =	vadd.s32 $0x1, v9;
	v21 =	vadd.f32 v13, v37;
	v17 =	vld [tilespmem:s26+$0xFFFFFFB0]  }
0xeb: {  	v25 =	vld [tilespmem:s26+$0xFFFFFFC0];
	[tilespmem:s24+$0xFFFFFFB0] =	vst v11;
	v11 =	vadd.f32 v14, v16;
	v14 =	vmul.f32 v18, v2;
	v16 =	vadd.f32 v23, v22  }
0xec: {  	v13 =	vnsel vm1, $0x9C40, v10;
	v21 =	vmul.f32 v21, v2;
	v22 =	vmul.f32 v45, v1;
	v18 =	vld [tilespmem:s26+$0xFFFFFFD0]  }
0xed: {  	v23 =	vld [tilespmem:s26+$0xFFFFFFE0];
	[tilespmem:s24+$0xFFFFFFC0] =	vst v11;
	v14 =	vadd.f32 v14, v20;
	v10 =	vmul.f32 v16, v2;
	v11 =	vadd.f32 v19, v24  }
0xee: {  	v43 =	vadd.f32 v21, v22;
	v16 =	vld [tilespmem:s26+$0xFFFFFFF0];
	v19 =	vand.u32 $0xFFFF, v15;
	v20 =	vand.u32 $0x10000, v15  }
0xef: {  	v15 =	vand.u32 $0x20000, v15;
	v21 =	vld [tilespmem:s26+$0x0];
	vm0 =	veq.s32 v20, $0x0;
	v20 =	vadd.s32 $0xFFFFFFFF, v19;
	[tilespmem:s24+$0xFFFFFFD0] =	vst v14  }
0xf0: {  	v14 =	vadd.s32 $0x1, v19;
	v22 =	vld [tilespmem:s26+$0x10];
	v20 =	vnsel vm0, $0x9C40, v20;
	vm0 =	veq.s32 v15, $0x0  }
0xf1: {  	v24 =	vand.u32 $0xFFFF, v17;
	v26 =	vand.u32 $0x10000, v17;
	v30 =	vld [tilespmem:s26+$0x20];
	v29 =	vnsel vm0, $0x9C40, v14  }
0xf2: {  	v32 =	vand.u32 $0x20000, v17;
	v34 =	vand.u32 $0xFFFF, v25;
	v33 =	vand.u32 $0x10000, v25;
	v14 =	vld.idx.msk [tilespmem:v40+s17+$0x0], $0xffff  }
0xf3: {  	v25 =	vand.u32 $0x20000, v25;
	v35 =	vand.u32 $0xFFFF, v18;
	v36 =	vand.u32 $0x10000, v18;
	v15 =	vld.idx.msk [tilespmem:v41+s17+$0x0], $0xffff  }
0xf4: {  	v37 =	vand.u32 $0x20000, v18;
	v38 =	vand.u32 $0xFFFF, v23;
	v39 =	vand.u32 $0x10000, v23;
	v17 =	vld.idx.msk [tilespmem:v42+s17+$0x0], $0xffff  }
0xf5: {  	v40 =	vand.u32 $0x20000, v23;
	v41 =	vand.u32 $0xFFFF, v16;
	v42 =	vand.u32 $0x10000, v16;
	v23 =	vld.idx.msk [tilespmem:v20+s17+$0x0], $0xffff  }
0xf6: {  	v44 =	vand.u32 $0x20000, v16;
	v45 =	vand.u32 $0xFFFF, v21;
	v46 =	vand.u32 $0x10000, v21;
	v47 =	vld.idx.msk [tilespmem:v29+s17+$0x0], $0xffff  }
0xf7: {  	v48 =	vand.u32 $0x20000, v21;
	v49 =	vand.u32 $0xFFFF, v22;
	v50 =	vand.u32 $0x10000, v22;
	v18 =	vld.idx.msk [tilespmem:v28+s17+$0x0], $0xffff  }
0xf8: {  	v51 =	vand.u32 $0x20000, v22;
	v29 =	vand.u32 $0x10000, v30;
	v28 =	vand.u32 $0xFFFF, v30;
	v52 =	vld.idx.msk [tilespmem:v19+s17+$0x0], $0xffff  }
0xf9: {  	v31 =	vadd.s32 $0xFFFFFFFF, v24;
	vm0 =	veq.s32 v26, $0x0;
	v30 =	vand.u32 $0x20000, v30;
	v19 =	vld.idx.msk [tilespmem:v27+s17+$0x0], $0xffff  }
0xfa: {  	vm1 =	veq.s32 v32, $0x0;
	vm2 =	veq.s32 v33, $0x0;
	v27 =	vadd.s32 $0x1, v24;
	v21 =	vld.idx.msk [tilespmem:v24+s17+$0x0], $0xffff  }
0xfb: {  	v32 =	vadd.s32 $0xFFFFFFFF, v34;
	vm3 =	veq.s32 v25, $0x0;
	v33 =	vadd.s32 $0x1, v34;
	v16 =	vld.idx.msk [tilespmem:v34+s17+$0x0], $0xffff  }
0xfc: {  	vm4 =	veq.s32 v36, $0x0;
	v34 =	vadd.s32 $0xFFFFFFFF, v35;
	v24 =	vadd.f32 v47, v23;
	v20 =	vld.idx.msk [tilespmem:v35+s17+$0x0], $0xffff  }
0xfd: {  	vm5 =	veq.s32 v37, $0x0;
	vm6 =	veq.s32 v39, $0x0;
	v35 =	vadd.s32 $0x1, v35;
	v22 =	vld.idx.msk [tilespmem:v38+s17+$0x0], $0xffff  }
0xfe: {  	v36 =	vadd.s32 $0xFFFFFFFF, v38;
	v25 =	vmul.f32 v52, v1;
	v39 =	vmul.f32 v24, v2;
	v23 =	vld.idx.msk [tilespmem:v41+s17+$0x0], $0xffff  }
.Ltmp2:
0xff: {  	vm7 =	veq.s32 v40, $0x0;
	v37 =	vadd.s32 $0x1, v38;
	vm8 =	veq.s32 v42, $0x0;
	v24 =	vld.idx.msk [tilespmem:v45+s17+$0x0], $0xffff;
	(pc) =	sbr.rel @p0 .LBB2_6-.Ltmp2, $4  }
0x100: {  	vm9 =	veq.s32 v44, $0x0;
	v38 =	vadd.s32 $0xFFFFFFFF, v41;
	v42 =	vadd.f32 v39, v25;
	v26 =	vld.idx.msk [tilespmem:v49+s17+$0x0], $0xffff  }
0x101: {  	s24 =	sadd.s32 $0xA0, s24;
	vm10 =	veq.s32 v46, $0x0;
	v40 =	vadd.s32 $0xFFFFFFFF, v45;
	v39 =	vadd.s32 $0x1, v41;
	v25 =	vld.idx.msk [tilespmem:v28+s17+$0x0], $0xffff;
	[tilespmem:s23+$0x4F00] =	vst v43;
	s23 =	smov.u32 s28  }
0x102: {  	vm11 =	veq.s32 v48, $0x0;
	vm12 =	veq.s32 v50, $0x0;
	v41 =	vadd.s32 $0x1, v45;
	[tilespmem:s24+$0x40] =	vst v42  }
0x103: {  	vm13 =	veq.s32 v51, $0x0;
	v43 =	vadd.s32 $0x1, v49;
	v42 =	vadd.s32 $0xFFFFFFFF, v49  }
0x104: {  	_ =	sdelay $0x3  }
0x105: {  	v9 =	vld.idx.msk [tilespmem:v9+s17+$0x0], $0xffff  }
0x106: {  	v31 =	vnsel vm0, $0x9C40, v31;
	v12 =	vld.idx.msk [tilespmem:v12+s17+$0x0], $0xffff  }
0x107: {  	v27 =	vnsel vm1, $0x9C40, v27;
	v13 =	vld.idx.msk [tilespmem:v13+s17+$0x0], $0xffff;
	s25 =	sadd.s32 $0xA0, s26  }
0x108: {  	v32 =	vnsel vm2, $0x9C40, v32;
	v46 =	vld [tilespmem:s25+$0x40]  }
0x109: {  	v50 =	vnsel vm3, $0x9C40, v33;
	v47 =	vld [tilespmem:s25+$0xFFFFFFB0]  }
0x10a: {  	v52 =	vnsel vm4, $0x9C40, v34;
	v48 =	vld [tilespmem:s25+$0xFFFFFFC0]  }
0x10b: {  	vm14 =	veq.s32 v29, $0x0;
	v51 =	vadd.s32 $0xFFFFFFFF, v28;
	v54 =	vnsel vm5, $0x9C40, v35;
	v31 =	vld.idx.msk [tilespmem:v31+s17+$0x0], $0xffff  }
0x10c: {  	vm15 =	veq.s32 v30, $0x0;
	v53 =	vadd.s32 $0x1, v28;
	v55 =	vnsel vm6, $0x9C40, v36;
	v27 =	vld.idx.msk [tilespmem:v27+s17+$0x0], $0xffff  }
0x10d: {  	v56 =	vnsel vm7, $0x9C40, v37;
	v57 =	vnsel vm8, $0x9C40, v38;
	v58 =	vnsel vm9, $0x9C40, v39;
	v32 =	vld.idx.msk [tilespmem:v32+s17+$0x0], $0xffff  }
0x10e: {  	v59 =	vnsel vm10, $0x9C40, v40;
	v40 =	vnsel vm11, $0x9C40, v41;
	v8 =	vadd.f32 v14, v8;
	v14 =	vld.idx.msk [tilespmem:v50+s17+$0x0], $0xffff  }
0x10f: {  	v41 =	vnsel vm12, $0x9C40, v42;
	v42 =	vnsel vm13, $0x9C40, v43;
	v11 =	vmul.f32 v11, v2;
	v61 =	vld.idx.msk [tilespmem:v52+s17+$0x0], $0xffff  }
0x110: {  	v15 =	vadd.f32 v17, v15;
	v60 =	vadd.f32 v19, v18;
	v21 =	vmul.f32 v21, v1;
	v62 =	vld.idx.msk [tilespmem:v54+s17+$0x0], $0xffff  }
0x111: {  	v10 =	vadd.f32 v10, v7;
	v16 =	vmul.f32 v16, v1;
	v20 =	vmul.f32 v20, v1;
	v63 =	vld.idx.msk [tilespmem:v55+s17+$0x0], $0xffff  }
0x112: {  	v7 =	vmul.f32 v22, v1;
	v33 =	vnsel vm14, $0x9C40, v51;
	v8 =	vmul.f32 v8, v2;
	v36 =	vld.idx.msk [tilespmem:v56+s17+$0x0], $0xffff  }
0x113: {  	v19 =	vnsel vm15, $0x9C40, v53;
	v15 =	vmul.f32 v15, v2;
	v11 =	vadd.f32 v11, v6;
	v43 =	vld.idx.msk [tilespmem:v57+s17+$0x0], $0xffff  }
0x114: {  	v17 =	vmul.f32 v60, v2;
	v34 =	vadd.f32 v8, v5;
	v44 =	vld.idx.msk [tilespmem:v58+s17+$0x0], $0xffff;
	v12 =	vadd.f32 v13, v12  }
0x115: {  	v5 =	vmul.f32 v23, v1;
	v15 =	vadd.f32 v15, v4;
	v4 =	vmul.f32 v24, v1;
	v50 =	vld [tilespmem:s25+$0xFFFFFFD0]  }
0x116: {  	v17 =	vadd.f32 v17, v3;
	v51 =	vmul.f32 v9, v1;
	v52 =	vld [tilespmem:s25+$0xFFFFFFE0];
	v12 =	vmul.f32 v12, v2  }
0x117: {  	v3 =	vmul.f32 v25, v1;
	v54 =	vld [tilespmem:s25+$0xFFFFFFF0];
	v53 =	vand.u32 $0x10000, v46;
	v60 =	vand.u32 $0xFFFF, v47  }
0x118: {  	v56 =	vld [tilespmem:s25+$0x0];
	v24 =	vand.u32 $0x20000, v47;
	vm12 =	veq.s32 v53, $0x0;
	v12 =	vadd.f32 v12, v51  }
0x119: {  	v58 =	vld [tilespmem:s25+$0x10];
	vm15 =	veq.s32 v24, $0x0;
	v6 =	vadd.f32 v27, v31;
	v14 =	vadd.f32 v14, v32  }
0x11a: {  	v18 =	vadd.f32 v62, v61;
	v49 =	vadd.f32 v36, v63;
	v27 =	vand.u32 $0x20000, v46  }
0x11b: {  	v22 =	vadd.f32 v44, v43;
	v61 =	vand.u32 $0x10000, v47;
	v62 =	vand.u32 $0xFFFF, v48  }
0x11c: {  	v63 =	vand.u32 $0x10000, v48;
	v25 =	vand.u32 $0x20000, v50;
	v51 =	vand.u32 $0x10000, v52  }
0x11d: {  	v44 =	vand.u32 $0xFFFF, v54;
	v29 =	vand.u32 $0x20000, v54;
	v47 =	vand.u32 $0x10000, v56  }
0x11e: {  	v8 =	vld.idx.msk [tilespmem:v59+s17+$0x0], $0xffff;
	v30 =	vand.u32 $0x20000, v56;
	v53 =	vand.u32 $0x10000, v58;
	vm13 =	veq.s32 v27, $0x0  }
0x11f: {  	v37 =	vld.idx.msk [tilespmem:v40+s17+$0x0], $0xffff;
	vm14 =	veq.s32 v61, $0x0;
	v27 =	vadd.s32 $0x1, v60;
	vm10 =	veq.s32 v25, $0x0  }
0x120: {  	v40 =	vld.idx.msk [tilespmem:v41+s17+$0x0], $0xffff;
	vm7 =	veq.s32 v51, $0x0;
	v45 =	vmul.f32 v6, v2;
	v14 =	vmul.f32 v14, v2  }
0x121: {  	v42 =	vld.idx.msk [tilespmem:v42+s17+$0x0], $0xffff;
	v13 =	vmul.f32 v18, v2;
	v9 =	vmul.f32 v49, v2;
	v18 =	vand.u32 $0x20000, v48  }
0x122: {  	v33 =	vld.idx.msk [tilespmem:v33+s17+$0x0], $0xffff;
	v48 =	vand.u32 $0xFFFF, v50;
	v49 =	vand.u32 $0x10000, v50;
	v50 =	vand.u32 $0xFFFF, v52  }
0x123: {  	[tilespmem:s22+$0xFFFFFFE0] =	vst v10;
	v19 =	vld.idx.msk [tilespmem:v19+s17+$0x0], $0xffff;
	v27 =	vnsel vm15, $0x9C40, v27;
	v10 =	vadd.s32 $0x1, v48;
	v21 =	vadd.f32 v45, v21  }
0x124: {  	[tilespmem:s22+$0xFFFFFFF0] =	vst v11;
	v32 =	vld [tilespmem:s25+$0x20];
	v11 =	vadd.s32 $0xFFFFFFFF, v50;
	v14 =	vadd.f32 v14, v16;
	v13 =	vadd.f32 v13, v20  }
0x125: {  	v16 =	vand.u32 $0xFFFF, v46;
	v46 =	vand.u32 $0xFFFF, v56;
	v56 =	vadd.s32 $0xFFFFFFFF, v60;
	v25 =	vld.idx.msk [tilespmem:v62+s17+$0x0], $0xffff  }
0x126: {  	v57 =	vadd.s32 $0x1, v16;
	v39 =	vnsel vm14, $0x9C40, v56;
	vm14 =	veq.s32 v29, $0x0;
	v29 =	vld.idx.msk [tilespmem:v44+s17+$0x0], $0xffff  }
0x127: {  	v20 =	vand.u32 $0x20000, v52;
	v52 =	vand.u32 $0xFFFF, v58;
	v59 =	vnsel vm13, $0x9C40, v57;
	v57 =	vld.idx.msk [tilespmem:v60+s17+$0x0], $0xffff  }
0x128: {  	v45 =	vand.u32 $0x10000, v54;
	v10 =	vnsel vm10, $0x9C40, v10;
	vm5 =	veq.s32 v20, $0x0;
	v20 =	vld.idx.msk [tilespmem:v48+s17+$0x0], $0xffff  }
0x129: {  	v23 =	vand.u32 $0x20000, v58;
	v11 =	vnsel vm7, $0x9C40, v11;
	vm1 =	veq.s32 v45, $0x0;
	v45 =	vld.idx.msk [tilespmem:v50+s17+$0x0], $0xffff  }
0x12a: {  	v8 =	vadd.f32 v37, v8;
	vm6 =	veq.s32 v63, $0x0;
	v54 =	vand.u32 $0xFFFF, v32;
	v27 =	vld.idx.msk [tilespmem:v27+s17+$0x0], $0xffff  }
0x12b: {  	v35 =	vadd.s32 $0x1, v62;
	v58 =	vadd.s32 $0xFFFFFFFF, v62;
	v55 =	vadd.s32 $0xFFFFFFFF, v16;
	v16 =	vld.idx.msk [tilespmem:v16+s17+$0x0], $0xffff  }
0x12c: {  	[tilespmem:s22+$0x10] =	vst v15;
	vm11 =	veq.s32 v30, $0x0;
	v15 =	vadd.s32 $0xFFFFFFFF, v44;
	v43 =	vnsel vm6, $0x9C40, v58;
	v30 =	vld.idx.msk [tilespmem:v52+s17+$0x0], $0xffff  }
0x12d: {  	v63 =	vadd.s32 $0x1, v44;
	v19 =	vadd.f32 v19, v33;
	v28 =	vnsel vm12, $0x9C40, v55;
	v10 =	vld.idx.msk [tilespmem:v10+s17+$0x0], $0xffff  }
0x12e: {  	v6 =	vmul.f32 v26, v1;
	vm15 =	veq.s32 v47, $0x0;
	v62 =	vadd.s32 $0x1, v50;
	v11 =	vld.idx.msk [tilespmem:v11+s17+$0x0], $0xffff  }
0x12f: {  	[tilespmem:s22+$0x0] =	vst v34;
	v22 =	vmul.f32 v22, v2;
	v8 =	vmul.f32 v8, v2;
	v34 =	vnsel vm5, $0x9C40, v62;
	v24 =	vld.idx.msk [tilespmem:v54+s17+$0x0], $0xffff  }
0x130: {  	v7 =	vadd.f32 v9, v7;
	vm12 =	veq.s32 v18, $0x0;
	v15 =	vnsel vm1, $0x9C40, v15;
	v61 =	vld.idx.msk [tilespmem:v39+s17+$0x0], $0xffff  }
0x131: {  	vm13 =	veq.s32 v49, $0x0;
	v49 =	vadd.s32 $0x1, v46;
	v35 =	vnsel vm12, $0x9C40, v35;
	v47 =	vld.idx.msk [tilespmem:v43+s17+$0x0], $0xffff  }
0x132: {  	vm12 =	veq.s32 v53, $0x0;
	v50 =	vadd.s32 $0xFFFFFFFF, v52;
	v51 =	vnsel vm11, $0x9C40, v49;
	v28 =	vld.idx.msk [tilespmem:v28+s17+$0x0], $0xffff  }
0x133: {  	[tilespmem:s23+$0x4F00] =	vst v12;
	v5 =	vadd.f32 v22, v5;
	v4 =	vadd.f32 v8, v4;
	v12 =	vnsel vm12, $0x9C40, v50;
	v26 =	vld.idx.msk [tilespmem:v59+s17+$0x0], $0xffff  }
0x134: {  	[tilespmem:s22+$0x20] =	vst v17;
	v55 =	vand.u32 $0x10000, v32;
	v39 =	vnsel vm14, $0x9C40, v63;
	v59 =	vadd.s32 $0xFFFFFFFF, v48;
	v53 =	vld.idx.msk [tilespmem:v34+s17+$0x0], $0xffff  }
0x135: {  	v32 =	vand.u32 $0x20000, v32;
	[tilespmem:s24+$0xFFFFFFB0] =	vst v21;
	v48 =	vadd.s32 $0xFFFFFFFF, v46;
	v15 =	vld.idx.msk [tilespmem:v15+s17+$0x0], $0xffff;
	v60 =	vnsel vm13, $0x9C40, v59  }
0x136: {  	[tilespmem:s24+$0xFFFFFFC0] =	vst v14;
	v14 =	vadd.s32 $0xFFFFFFFF, v54;
	vm14 =	veq.s32 v55, $0x0;
	v35 =	vld.idx.msk [tilespmem:v35+s17+$0x0], $0xffff;
	v17 =	vnsel vm15, $0x9C40, v48  }
0x137: {  	[tilespmem:s24+$0xFFFFFFD0] =	vst v13;
	v13 =	vadd.s32 $0x1, v54;
	v54 =	vadd.f32 v42, v40;
	v14 =	vnsel vm14, $0x9C40, v14;
	v18 =	vld.idx.msk [tilespmem:v51+s17+$0x0], $0xffff  }
0x138: {  	v31 =	vadd.s32 $0x1, v52;
	[tilespmem:s24+$0xFFFFFFE0] =	vst v7;
	vm13 =	veq.s32 v23, $0x0;
	vm15 =	veq.s32 v32, $0x0;
	v12 =	vld.idx.msk [tilespmem:v12+s17+$0x0], $0xffff  }
0x139: {  	[tilespmem:s24+$0xFFFFFFF0] =	vst v5;
	v9 =	vmul.f32 v54, v2;
	v52 =	vnsel vm13, $0x9C40, v31;
	v55 =	vld.idx.msk [tilespmem:v39+s17+$0x0], $0xffff;
	v26 =	vadd.f32 v26, v28  }
0x13a: {  	[tilespmem:s24+$0x0] =	vst v4;
	v58 =	vmul.f32 v25, v1;
	v13 =	vnsel vm15, $0x9C40, v13;
	v16 =	vmul.f32 v16, v1;
	v38 =	vld.idx.msk [tilespmem:v60+s17+$0x0], $0xffff  }
0x13b: {  	v6 =	vadd.f32 v9, v6;
	v9 =	vadd.f32 v27, v61;
	v56 =	vld.idx.msk [tilespmem:v17+s17+$0x0], $0xffff;
	v26 =	vmul.f32 v26, v2  }
0x13c: {  	v28 =	vmul.f32 v57, v1;
	v57 =	vmul.f32 v19, v2;
	v14 =	vld.idx.msk [tilespmem:v14+s17+$0x0], $0xffff;
	v7 =	vadd.f32 v35, v47  }
0x13d: {  	v20 =	vmul.f32 v20, v1;
	v5 =	vmul.f32 v9, v2;
	v16 =	vadd.f32 v26, v16;
	v26 =	vld.idx.msk [tilespmem:v46+s17+$0x0], $0xffff  }
0x13e: {  	v21 =	vld.idx.msk [tilespmem:v52+s17+$0x0], $0xffff;
	v3 =	vadd.f32 v57, v3;
	v4 =	vmul.f32 v7, v2;
	v7 =	vadd.f32 v53, v11  }
0x13f: {  	v8 =	vmul.f32 v45, v1;
	v5 =	vadd.f32 v5, v28;
	v9 =	vadd.f32 v10, v38;
	v10 =	vld.idx.msk [tilespmem:v13+s17+$0x0], $0xffff  }
0x140: {  	[tilespmem:s24+$0x20] =	vst v3;
	v3 =	vadd.f32 v4, v58;
	v4 =	vmul.f32 v7, v2;
	v7 =	vadd.f32 v18, v56  }
0x141: {  	s28 =	sadd.s32 $0xA0, s24;
	v59 =	vmul.f32 v29, v1;
	[tilespmem:s24+$0x10] =	vst v6;
	v6 =	vmul.f32 v9, v2;
	v9 =	vadd.f32 v55, v15  }
0x142: {  	[tilespmem:s28+$0xFFFFFFB0] =	vst v5;
	v7 =	vmul.f32 v7, v2;
	v60 =	vmul.f32 v26, v1  }
0x143: {  	[tilespmem:s28+$0x40] =	vst v16;
	v5 =	vadd.f32 v6, v20;
	v6 =	vmul.f32 v9, v2;
	v9 =	vadd.f32 v21, v12  }
0x144: {  	[tilespmem:s28+$0xFFFFFFC0] =	vst v3;
	v4 =	vadd.f32 v4, v8;
	v8 =	vmul.f32 v30, v1;
	v3 =	vadd.f32 v10, v14  }
0x145: {  	v7 =	vadd.f32 v7, v60;
	[tilespmem:s28+$0xFFFFFFD0] =	vst v5;
	v5 =	vadd.f32 v6, v59;
	v6 =	vmul.f32 v9, v2  }
0x146: {  	[tilespmem:s28+$0xFFFFFFE0] =	vst v4;
	v9 =	vmul.f32 v24, v1;
	v3 =	vmul.f32 v3, v2  }
0x147: {  	[tilespmem:s28+$0x0] =	vst v7;
	v4 =	vadd.f32 v6, v8  }
0x148: {  	[tilespmem:s28+$0xFFFFFFF0] =	vst v5;
	v3 =	vadd.f32 v3, v9  }
0x149: {  	s29 =	simm.s32 $0x0;
	[tilespmem:s28+$0x10] =	vst v4  }
0x14a: {  	s22 =	sand.u32 $0x7FE0, s29;
	[tilespmem:s28+$0x20] =	vst v3  }
0x14b: {  	[hbm4b:s7+s10] =	stream.strided.scatter [tilespmem:s12], [sflag:$0x3], $0x4E80, s11, s10, $0x38;
	[tilespmem:$0x18900] =	vst v63  }
0x14c: {  	s30 =	simm.s32 $0x50;
	v3 =	vld [tilespmem:s22+$0x80]  }
0x14d: {  	v4 =	vld [tilespmem:s30+$0x40]  }
0x14e: {  	v5 =	vld [tilespmem:s30+$0xFFFFFFB0]  }
0x14f: {  	v6 =	vld [tilespmem:s30+$0xFFFFFFC0]  }
0x150: {  	v7 =	vld [tilespmem:s30+$0xFFFFFFD0]  }
0x151: {  	v8 =	vld [tilespmem:s30+$0xFFFFFFE0];
	v3 =	vand.u32 $0xFFFF, v3  }
0x152: {  	v9 =	vld [tilespmem:s30+$0xFFFFFFF0];
	v4 =	vand.u32 $0xFFFF, v4  }
0x153: {  	v10 =	vld [tilespmem:s30+$0x0];
	v5 =	vand.u32 $0xFFFF, v5  }
0x154: {  	s22 =	simm.s32 $0xA0;
	v11 =	vld [tilespmem:s30+$0x10];
	v6 =	vand.u32 $0xFFFF, v6  }
0x155: {  	v13 =	vld [tilespmem:s30+$0x20];
	s31 =	sand.u32 $0x7FE0, s22;
	v7 =	vand.u32 $0xFFFF, v7  }
0x156: {  	s23 =	simm.s32 $0xF0;
	v14 =	vld [tilespmem:s31+$0x80];
	v8 =	vand.u32 $0xFFFF, v8;
	[tilespmem:v3+s17+$0x0] =	vst.idx.msk $0xffff, v0  }
0x157: {  	v15 =	vld [tilespmem:s23+$0x40];
	v61 =	vand.u32 $0xFFFF, v9;
	[tilespmem:v4+s17+$0x0] =	vst.idx.msk $0xffff, v0  }
0x158: {  	v62 =	vld [tilespmem:s23+$0xFFFFFFB0];
	v63 =	vand.u32 $0xFFFF, v10;
	[tilespmem:v5+s17+$0x0] =	vst.idx.msk $0xffff, v0  }
0x159: {  	v9 =	vld [tilespmem:s23+$0xFFFFFFC0];
	v12 =	vand.u32 $0xFFFF, v11;
	[tilespmem:v6+s17+$0x0] =	vst.idx.msk $0xffff, v0  }
0x15a: {  	v10 =	vand.u32 $0xFFFF, v13;
	v5 =	vld [tilespmem:s23+$0xFFFFFFD0];
	[tilespmem:v7+s17+$0x0] =	vst.idx.msk $0xffff, v0  }
0x15b: {  	v11 =	vand.u32 $0xFFFF, v14;
	v3 =	vld [tilespmem:s23+$0xFFFFFFE0];
	[tilespmem:v8+s17+$0x0] =	vst.idx.msk $0xffff, v0  }
0x15c: {  	v4 =	vld [tilespmem:s23+$0xFFFFFFF0];
	[tilespmem:v61+s17+$0x0] =	vst.idx.msk $0xffff, v0;
	v6 =	vand.u32 $0xFFFF, v15  }
0x15d: {  	v7 =	vand.u32 $0xFFFF, v62;
	v8 =	vld [tilespmem:s23+$0x0];
	[tilespmem:v63+s17+$0x0] =	vst.idx.msk $0xffff, v0  }
.LBB2_8:
0x15e: {  	s22 =	sadd.s32 $0xA0, s22;
	v13 =	vand.u32 $0xFFFF, v9;
	v14 =	vld [tilespmem:s23+$0x10];
	[tilespmem:v12+s17+$0x0] =	vst.idx.msk $0xffff, v0  }
0x15f: {  	s24 =	sand.u32 $0x7FE0, s22;
	p0 =	slt.u32 s22, $0x4D80;
	v15 =	vand.u32 $0xFFFF, v5;
	v16 =	vld [tilespmem:s23+$0x20];
	[tilespmem:v10+s17+$0x0] =	vst.idx.msk $0xffff, v0  }
0x160: {  	s23 =	sadd.s32 $0xA0, s23;
	v17 =	vld [tilespmem:s24+$0x80];
	v18 =	vand.u32 $0xFFFF, v3;
	[tilespmem:v11+s17+$0x0] =	vst.idx.msk $0xffff, v0  }
0x161: {  	v19 =	vld [tilespmem:s23+$0x40];
	v20 =	vand.u32 $0xFFFF, v4;
	[tilespmem:v6+s17+$0x0] =	vst.idx.msk $0xffff, v0  }
0x162: {  	v21 =	vld [tilespmem:s23+$0xFFFFFFB0];
	[tilespmem:v7+s17+$0x0] =	vst.idx.msk $0xffff, v0;
	v22 =	vand.u32 $0xFFFF, v8  }
.Ltmp3:
0x163: {  	v9 =	vld [tilespmem:s23+$0xFFFFFFC0];
	[tilespmem:v13+s17+$0x0] =	vst.idx.msk $0xffff, v0;
	v12 =	vand.u32 $0xFFFF, v14;
	(pc) =	sbr.rel @p0 .LBB2_8-.Ltmp3, $4  }
0x164: {  	v5 =	vld [tilespmem:s23+$0xFFFFFFD0];
	[tilespmem:v15+s17+$0x0] =	vst.idx.msk $0xffff, v0;
	v10 =	vand.u32 $0xFFFF, v16  }
0x165: {  	v3 =	vld [tilespmem:s23+$0xFFFFFFE0];
	v11 =	vand.u32 $0xFFFF, v17;
	[tilespmem:v18+s17+$0x0] =	vst.idx.msk $0xffff, v0  }
0x166: {  	v4 =	vld [tilespmem:s23+$0xFFFFFFF0];
	v6 =	vand.u32 $0xFFFF, v19;
	[tilespmem:v20+s17+$0x0] =	vst.idx.msk $0xffff, v0  }
0x167: {  	v7 =	vand.u32 $0xFFFF, v21;
	v8 =	vld [tilespmem:s23+$0x0];
	[tilespmem:v22+s17+$0x0] =	vst.idx.msk $0xffff, v0  }
0x168: {  	_ =	sdelay $0x3  }
0x169: {  	v9 =	vand.u32 $0xFFFF, v9;
	v13 =	vld [tilespmem:s23+$0x10];
	[tilespmem:v12+s17+$0x0] =	vst.idx.msk $0xffff, v0  }
0x16a: {  	v61 =	vld [tilespmem:s23+$0x20];
	[tilespmem:v10+s17+$0x0] =	vst.idx.msk $0xffff, v0;
	v5 =	vand.u32 $0xFFFF, v5  }
0x16b: {  	[tilespmem:v11+s17+$0x0] =	vst.idx.msk $0xffff, v0;
	v3 =	vand.u32 $0xFFFF, v3  }
0x16c: {  	[tilespmem:v6+s17+$0x0] =	vst.idx.msk $0xffff, v0;
	v4 =	vand.u32 $0xFFFF, v4  }
0x16d: {  	[tilespmem:v7+s17+$0x0] =	vst.idx.msk $0xffff, v0;
	v6 =	vand.u32 $0xFFFF, v8  }
0x16e: {  	[tilespmem:v9+s17+$0x0] =	vst.idx.msk $0xffff, v0;
	v7 =	vand.u32 $0xFFFF, v13  }
0x16f: {  	[tilespmem:v5+s17+$0x0] =	vst.idx.msk $0xffff, v0;
	v5 =	vand.u32 $0xFFFF, v61  }
0x170: {  	[tilespmem:v3+s17+$0x0] =	vst.idx.msk $0xffff, v0  }
0x171: {  	[tilespmem:v4+s17+$0x0] =	vst.idx.msk $0xffff, v0  }
0x172: {  	[tilespmem:v6+s17+$0x0] =	vst.idx.msk $0xffff, v0  }
0x173: {  	[tilespmem:v7+s17+$0x0] =	vst.idx.msk $0xffff, v0  }
0x174: {  	[tilespmem:v5+s17+$0x0] =	vst.idx.msk $0xffff, v0  }
0x175: {  	_ =	swait.ge [sflag:s18], $0x4E80  }
0x176: {  	s22 =	simm.s32 $0x0;
	[sflag:s18] =	ssyncset.done $0x0  }
0x177: {  	s24 =	sand.u32 $0x7FE0, s22;
	[sflag:s18] =	ssyncadd.s32 $0xFFFFB180  }
0x178: {  	v3 =	vld [tilespmem:s24+$0x80];
	_ =	sdelay $0x1  }
0x179: {  	s25 =	simm.s32 $0xA0  }
0x17a: {  	s31 =	sand.u32 $0x7FE0, s25;
	v4 =	vld [tilespmem:s24+$0x9D80]  }
0x17b: {  	s23 =	simm.s32 $0x50;
	v8 =	vld [tilespmem:s31+$0x80]  }
0x17c: {  	v6 =	vld [tilespmem:s23+$0xFFFFFFC0];
	v5 =	vand.u32 $0xFFFF, v3  }
0x17d: {  	v7 =	vld [tilespmem:s23+$0xFFFFFFD0]  }
0x17e: {  	s22 =	simm.s32 $0x9D50;
	v9 =	vld [tilespmem:s23+$0xFFFFFFE0]  }
0x17f: {  	v10 =	vld [tilespmem:s22+$0x40]  }
0x180: {  	v11 =	vld [tilespmem:s23+$0xFFFFFFF0]  }
0x181: {  	[tilespmem:v5+s17+$0x0] =	vst.idx.add.f32.msk $0xffff, v4  }
0x182: {  	v4 =	vld [tilespmem:s23+$0x40]  }
0x183: {  	v62 =	vld [tilespmem:s23+$0x0]  }
0x184: {  	v63 =	vld [tilespmem:s23+$0x10]  }
0x185: {  	v14 =	vld [tilespmem:s23+$0x20]  }
0x186: {  	v15 =	vld [tilespmem:s22+$0xFFFFFFC0]  }
0x187: {  	v16 =	vld [tilespmem:s22+$0xFFFFFFD0];
	v4 =	vand.u32 $0xFFFF, v4  }
0x188: {  	v5 =	vld [tilespmem:s23+$0xFFFFFFB0]  }
0x189: {  	v17 =	vld [tilespmem:s22+$0xFFFFFFE0]  }
0x18a: {  	v19 =	vld [tilespmem:s22+$0xFFFFFFF0]  }
0x18b: {  	v20 =	vld [tilespmem:s22+$0x0];
	v18 =	vand.u32 $0xFFFF, v6  }
0x18c: {  	[tilespmem:v4+s17+$0x0] =	vst.idx.add.f32.msk $0xffff, v10  }
0x18d: {  	v5 =	vand.u32 $0xFFFF, v5;
	v10 =	vld [tilespmem:s22+$0xFFFFFFB0]  }
0x18e: {  	v3 =	vld [tilespmem:s31+$0x9D80];
	v7 =	vand.u32 $0xFFFF, v7  }
0x18f: {  	v9 =	vand.u32 $0xFFFF, v9;
	v6 =	vld [tilespmem:s22+$0x20]  }
0x190: {  	v11 =	vand.u32 $0xFFFF, v11;
	[tilespmem:v18+s17+$0x0] =	vst.idx.add.f32.msk $0xffff, v15  }
0x191: {  	v12 =	vand.u32 $0xFFFF, v62;
	v4 =	vld [tilespmem:s22+$0x10]  }
0x192: {  	[tilespmem:v5+s17+$0x0] =	vst.idx.add.f32.msk $0xffff, v10;
	v5 =	vand.u32 $0xFFFF, v63  }
0x193: {  	[tilespmem:v7+s17+$0x0] =	vst.idx.add.f32.msk $0xffff, v16;
	v7 =	vand.u32 $0xFFFF, v14  }
0x194: {  	[tilespmem:v9+s17+$0x0] =	vst.idx.add.f32.msk $0xffff, v17  }
0x195: {  	[tilespmem:v11+s17+$0x0] =	vst.idx.add.f32.msk $0xffff, v19  }
0x196: {  	s28 =	simm.s32 $0x50;
	s26 =	simm.s32 $0x9D50;
	v8 =	vand.u32 $0xFFFF, v8;
	[tilespmem:v12+s17+$0x0] =	vst.idx.add.f32.msk $0xffff, v20  }
.LBB2_10:
0x197: {  	s25 =	sadd.s32 $0xA0, s25;
	[tilespmem:v5+s17+$0x0] =	vst.idx.add.f32.msk $0xffff, v4  }
0x198: {  	s29 =	sand.u32 $0x7FE0, s25;
	[tilespmem:v7+s17+$0x0] =	vst.idx.add.f32.msk $0xffff, v6  }
0x199: {  	v4 =	vld [tilespmem:s29+$0x9D80]  }
0x19a: {  	p0 =	slt.u32 s25, $0x4D80;
	v9 =	vld [tilespmem:s29+$0x80]  }
0x19b: {  	s28 =	sadd.s32 $0xA0, s28;
	[tilespmem:v8+s17+$0x0] =	vst.idx.add.f32.msk $0xffff, v3  }
0x19c: {  	v5 =	vld [tilespmem:s28+$0x40]  }
0x19d: {  	v6 =	vld [tilespmem:s28+$0xFFFFFFB0]  }
0x19e: {  	v7 =	vld [tilespmem:s28+$0xFFFFFFC0];
	v3 =	vmov v4  }
0x19f: {  	v4 =	vld [tilespmem:s28+$0xFFFFFFD0]  }
0x1a0: {  	s26 =	sadd.s32 $0xA0, s26;
	v8 =	vld [tilespmem:s28+$0xFFFFFFE0]  }
0x1a1: {  	v10 =	vld [tilespmem:s26+$0x40];
	v5 =	vand.u32 $0xFFFF, v5  }
0x1a2: {  	v11 =	vand.u32 $0xFFFF, v6;
	v6 =	vld [tilespmem:s28+$0xFFFFFFF0]  }
0x1a3: {  	v12 =	vand.u32 $0xFFFF, v7;
	v7 =	vld [tilespmem:s28+$0x0]  }
0x1a4: {  	v13 =	vand.u32 $0xFFFF, v4;
	v4 =	vld [tilespmem:s28+$0x10]  }
0x1a5: {  	v8 =	vand.u32 $0xFFFF, v8;
	v14 =	vld [tilespmem:s28+$0x20]  }
0x1a6: {  	[tilespmem:v5+s17+$0x0] =	vst.idx.add.f32.msk $0xffff, v10  }
0x1a7: {  	v10 =	vld [tilespmem:s26+$0xFFFFFFB0];
	v15 =	vand.u32 $0xFFFF, v6  }
0x1a8: {  	v16 =	vld [tilespmem:s26+$0xFFFFFFC0];
	v17 =	vand.u32 $0xFFFF, v7  }
0x1a9: {  	v18 =	vld [tilespmem:s26+$0xFFFFFFD0];
	v5 =	vand.u32 $0xFFFF, v4  }
0x1aa: {  	v19 =	vld [tilespmem:s26+$0xFFFFFFE0];
	v7 =	vand.u32 $0xFFFF, v14  }
0x1ab: {  	v14 =	vld [tilespmem:s26+$0xFFFFFFF0]  }
0x1ac: {  	v20 =	vld [tilespmem:s26+$0x0]  }
0x1ad: {  	v4 =	vld [tilespmem:s26+$0x10]  }
0x1ae: {  	v6 =	vld [tilespmem:s26+$0x20]  }
0x1af: {  	[tilespmem:v11+s17+$0x0] =	vst.idx.add.f32.msk $0xffff, v10  }
.Ltmp4:
0x1b0: {  	[tilespmem:v12+s17+$0x0] =	vst.idx.add.f32.msk $0xffff, v16;
	(pc) =	sbr.rel @p0 .LBB2_10-.Ltmp4, $4  }
0x1b1: {  	[tilespmem:v13+s17+$0x0] =	vst.idx.add.f32.msk $0xffff, v18  }
0x1b2: {  	[tilespmem:v8+s17+$0x0] =	vst.idx.add.f32.msk $0xffff, v19  }
0x1b3: {  	[tilespmem:v15+s17+$0x0] =	vst.idx.add.f32.msk $0xffff, v14  }
0x1b4: {  	v8 =	vand.u32 $0xFFFF, v9;
	[tilespmem:v17+s17+$0x0] =	vst.idx.add.f32.msk $0xffff, v20  }
0x1b5: {  	_ =	sdelay $0x3  }
0x1b6: {  	[tilespmem:v5+s17+$0x0] =	vst.idx.add.f32.msk $0xffff, v4  }
0x1b7: {  	[tilespmem:v7+s17+$0x0] =	vst.idx.add.f32.msk $0xffff, v6  }
0x1b8: {  	[tilespmem:v8+s17+$0x0] =	vst.idx.add.f32.msk $0xffff, v3;
	s25 =	sadd.s32 $0xA0, s28  }
0x1b9: {  	v3 =	vld [tilespmem:s25+$0x40]  }
0x1ba: {  	v4 =	vld [tilespmem:s25+$0xFFFFFFB0]  }
0x1bb: {  	v5 =	vld [tilespmem:s25+$0xFFFFFFC0]  }
0x1bc: {  	v6 =	vld [tilespmem:s25+$0xFFFFFFD0]  }
0x1bd: {  	s26 =	sadd.s32 $0xA0, s26;
	v7 =	vld [tilespmem:s25+$0xFFFFFFE0]  }
0x1be: {  	v8 =	vld [tilespmem:s26+$0x40]  }
0x1bf: {  	v9 =	vld [tilespmem:s25+$0xFFFFFFF0]  }
0x1c0: {  	v10 =	vld [tilespmem:s25+$0x0]  }
0x1c1: {  	v11 =	vld [tilespmem:s25+$0x10]  }
0x1c2: {  	v12 =	vld [tilespmem:s25+$0x20];
	v3 =	vand.u32 $0xFFFF, v3  }
0x1c3: {  	v13 =	vld [tilespmem:s26+$0xFFFFFFD0]  }
0x1c4: {  	v14 =	vld [tilespmem:s26+$0xFFFFFFE0]  }
0x1c5: {  	v15 =	vld [tilespmem:s26+$0xFFFFFFF0]  }
0x1c6: {  	v16 =	vld [tilespmem:s26+$0x0]  }
0x1c7: {  	v6 =	vand.u32 $0xFFFF, v6;
	[tilespmem:v3+s17+$0x0] =	vst.idx.add.f32.msk $0xffff, v8  }
0x1c8: {  	v4 =	vand.u32 $0xFFFF, v4;
	v3 =	vld [tilespmem:s26+$0xFFFFFFB0]  }
0x1c9: {  	v17 =	vld [tilespmem:s26+$0x10];
	v7 =	vand.u32 $0xFFFF, v7  }
0x1ca: {  	v18 =	vld [tilespmem:s26+$0x20];
	v9 =	vand.u32 $0xFFFF, v9  }
0x1cb: {  	v10 =	vand.u32 $0xFFFF, v10;
	v8 =	vld [tilespmem:s26+$0xFFFFFFC0]  }
0x1cc: {  	v5 =	vand.u32 $0xFFFF, v5;
	[tilespmem:v6+s17+$0x0] =	vst.idx.add.f32.msk $0xffff, v13  }
0x1cd: {  	[tilespmem:v4+s17+$0x0] =	vst.idx.add.f32.msk $0xffff, v3;
	v3 =	vand.u32 $0xFFFF, v11  }
0x1ce: {  	[tilespmem:v7+s17+$0x0] =	vst.idx.add.f32.msk $0xffff, v14;
	v4 =	vand.u32 $0xFFFF, v12  }
0x1cf: {  	[tilespmem:v9+s17+$0x0] =	vst.idx.add.f32.msk $0xffff, v15  }
0x1d0: {  	[tilespmem:v10+s17+$0x0] =	vst.idx.add.f32.msk $0xffff, v16  }
0x1d1: {  	[tilespmem:v5+s17+$0x0] =	vst.idx.add.f32.msk $0xffff, v8  }
0x1d2: {  	[tilespmem:v3+s17+$0x0] =	vst.idx.add.f32.msk $0xffff, v17  }
0x1d3: {  	s30 =	simm.s32 $0xA0;
	[tilespmem:v4+s17+$0x0] =	vst.idx.add.f32.msk $0xffff, v18  }
0x1d4: {  	s31 =	sand.u32 $0x7FE0, s30;
	v3 =	vld [tilespmem:s24+$0x80]  }
0x1d5: {  	v6 =	vld [tilespmem:s31+$0x80]  }
0x1d6: {  	v7 =	vld [tilespmem:s23+$0x40]  }
0x1d7: {  	v10 =	vld [tilespmem:s23+$0xFFFFFFC0];
	_ =	sdelay $0x1  }
0x1d8: {  	v13 =	vld [tilespmem:s23+$0xFFFFFFD0];
	v4 =	vand.u32 $0xFFFF, v3  }
0x1d9: {  	v15 =	vld [tilespmem:s23+$0x0];
	v5 =	vand.u32 $0x10000, v3;
	v3 =	vand.u32 $0x20000, v3;
	v8 =	vand.u32 $0x10000, v6  }
0x1da: {  	v9 =	vand.u32 $0xFFFF, v6;
	v6 =	vand.u32 $0x20000, v6;
	v11 =	vand.u32 $0xFFFF, v7  }
0x1db: {  	v12 =	vand.u32 $0x10000, v7;
	v19 =	vand.u32 $0xFFFF, v10;
	v20 =	vand.u32 $0x10000, v10  }
0x1dc: {  	v10 =	vand.u32 $0x20000, v10;
	vm0 =	veq.s32 v5, $0x0;
	v5 =	vadd.s32 $0xFFFFFFFF, v4  }
0x1dd: {  	v14 =	vld [tilespmem:s23+$0xFFFFFFE0];
	vm1 =	veq.s32 v3, $0x0;
	v3 =	vnsel vm0, $0x9C40, v5;
	v5 =	vadd.s32 $0x1, v4  }
0x1de: {  	v18 =	vld [tilespmem:s23+$0x10];
	v22 =	vand.u32 $0xFFFF, v13;
	v29 =	vand.u32 $0x10000, v15;
	v5 =	vnsel vm1, $0x9C40, v5  }
0x1df: {  	s26 =	simm.s32 $0xF0;
	v21 =	vld [tilespmem:s23+$0x20];
	vm5 =	veq.s32 v20, $0x0;
	v34 =	vadd.s32 $0xFFFFFFFF, v19;
	vm3 =	veq.s32 v10, $0x0  }
0x1e0: {  	v62 =	vld [tilespmem:s26+$0x10];
	v10 =	vadd.s32 $0x1, v19;
	vm10 =	veq.s32 v29, $0x0;
	v29 =	vnsel vm5, $0x9C40, v34  }
0x1e1: {  	v23 =	vand.u32 $0x10000, v13;
	v13 =	vand.u32 $0x20000, v13;
	v10 =	vnsel vm3, $0x9C40, v10  }
0x1e2: {  	v24 =	vand.u32 $0xFFFF, v14;
	v25 =	vand.u32 $0x10000, v14;
	v14 =	vand.u32 $0x20000, v14;
	v3 =	vld.idx.msk [tilespmem:v3+s17+$0x0], $0xffff  }
0x1e3: {  	v28 =	vand.u32 $0xFFFF, v15;
	v15 =	vand.u32 $0x20000, v15;
	v30 =	vand.u32 $0xFFFF, v18;
	v5 =	vld.idx.msk [tilespmem:v5+s17+$0x0], $0xffff  }
0x1e4: {  	v31 =	vand.u32 $0x10000, v18;
	v18 =	vand.u32 $0x20000, v18;
	v32 =	vand.u32 $0xFFFF, v21;
	v4 =	vld.idx.msk [tilespmem:v4+s17+$0x0], $0xffff  }
0x1e5: {  	v33 =	vand.u32 $0x10000, v21;
	v21 =	vand.u32 $0x20000, v21;
	v54 =	vand.u32 $0xFFFF, v62;
	v29 =	vld.idx.msk [tilespmem:v29+s17+$0x0], $0xffff  }
0x1e6: {  	v55 =	vand.u32 $0x10000, v62;
	v56 =	vand.u32 $0x20000, v62;
	vm2 =	veq.s32 v25, $0x0;
	v10 =	vld.idx.msk [tilespmem:v10+s17+$0x0], $0xffff  }
0x1e7: {  	vm7 =	veq.s32 v14, $0x0;
	v14 =	vadd.s32 $0x1, v24;
	vm12 =	veq.s32 v55, $0x0  }
0x1e8: {  	vm13 =	veq.s32 v56, $0x0;
	vm0 =	veq.s32 v8, $0x0;
	v3 =	vadd.f32 v5, v3  }
0x1e9: {  	v8 =	vadd.s32 $0xFFFFFFFF, v9;
	vm5 =	veq.s32 v18, $0x0;
	vm1 =	veq.s32 v6, $0x0;
	v6 =	vld [tilespmem:s23+$0xFFFFFFB0]  }
0x1ea: {  	vm3 =	veq.s32 v33, $0x0;
	v19 =	vld.idx.msk [tilespmem:v19+s17+$0x0], $0xffff;
	v4 =	vmul.f32 v4, v1;
	v3 =	vmul.f32 v3, v2  }
0x1eb: {  	v35 =	vld.idx.msk [tilespmem:v22+s17+$0x0], $0xffff;
	v10 =	vadd.f32 v10, v29;
	v5 =	vnsel vm0, $0x9C40, v8;
	vm0 =	veq.s32 v12, $0x0  }
0x1ec: {  	v12 =	vadd.s32 $0xFFFFFFFF, v11;
	v16 =	vadd.f32 v3, v4;
	v3 =	vand.u32 $0x20000, v7  }
0x1ed: {  	v29 =	vld [tilespmem:s26+$0xFFFFFFF0];
	v4 =	vnsel vm0, $0x9C40, v12;
	vm0 =	veq.s32 v3, $0x0;
	v3 =	vadd.s32 $0x1, v11  }
0x1ee: {  	v14 =	vnsel vm7, $0x9C40, v14;
	v36 =	vld.idx.msk [tilespmem:v30+s17+$0x0], $0xffff;
	v8 =	vadd.s32 $0x1, v9;
	v3 =	vnsel vm0, $0x9C40, v3  }
0x1ef: {  	v17 =	vand.u32 $0x10000, v6;
	v8 =	vnsel vm1, $0x9C40, v8;
	vm1 =	veq.s32 v13, $0x0;
	v13 =	vld.idx.msk [tilespmem:v24+s17+$0x0], $0xffff  }
0x1f0: {  	vm4 =	veq.s32 v17, $0x0;
	v19 =	vmul.f32 v19, v1;
	v35 =	vmul.f32 v35, v1;
	v7 =	vld [tilespmem:s23+$0xFFFFFFF0]  }
0x1f1: {  	v10 =	vmul.f32 v10, v2;
	v12 =	vand.u32 $0xFFFF, v6;
	v6 =	vand.u32 $0x20000, v6;
	v11 =	vld.idx.msk [tilespmem:v11+s17+$0x0], $0xffff  }
0x1f2: {  	v47 =	vand.u32 $0xFFFF, v29;
	v48 =	vand.u32 $0x10000, v29;
	v17 =	vadd.s32 $0xFFFFFFFF, v12;
	v4 =	vld.idx.msk [tilespmem:v4+s17+$0x0], $0xffff  }
0x1f3: {  	vm6 =	veq.s32 v6, $0x0;
	v6 =	vadd.s32 $0x1, v12;
	v17 =	vnsel vm4, $0x9C40, v17;
	v3 =	vld.idx.msk [tilespmem:v3+s17+$0x0], $0xffff  }
0x1f4: {  	v18 =	vld.idx.msk [tilespmem:v5+s17+$0x0], $0xffff;
	v5 =	vadd.s32 $0xFFFFFFFF, v32;
	vm0 =	veq.s32 v23, $0x0;
	v23 =	vadd.s32 $0xFFFFFFFF, v22  }
0x1f5: {  	vm4 =	veq.s32 v15, $0x0;
	v6 =	vnsel vm6, $0x9C40, v6;
	vm6 =	veq.s32 v31, $0x0;
	v31 =	vld.idx.msk [tilespmem:v9+s17+$0x0], $0xffff  }
0x1f6: {  	v15 =	vadd.s32 $0x1, v28;
	v9 =	vadd.s32 $0x1, v30;
	v8 =	vld.idx.msk [tilespmem:v8+s17+$0x0], $0xffff;
	v26 =	vand.u32 $0xFFFF, v7  }
0x1f7: {  	v23 =	vnsel vm0, $0x9C40, v23;
	v27 =	vand.u32 $0x10000, v7;
	v7 =	vand.u32 $0x20000, v7;
	v12 =	vld.idx.msk [tilespmem:v12+s17+$0x0], $0xffff  }
0x1f8: {  	v11 =	vmul.f32 v11, v1;
	vm9 =	veq.s32 v7, $0x0;
	v17 =	vld.idx.msk [tilespmem:v17+s17+$0x0], $0xffff;
	v3 =	vadd.f32 v3, v4  }
0x1f9: {  	v7 =	vadd.s32 $0xFFFFFFFF, v28;
	v4 =	vadd.s32 $0x1, v22;
	v22 =	vadd.s32 $0xFFFFFFFF, v24;
	v24 =	vld.idx.msk [tilespmem:v28+s17+$0x0], $0xffff  }
0x1fa: {  	v28 =	vadd.s32 $0xFFFFFFFF, v30;
	v30 =	vld.idx.msk [tilespmem:v6+s17+$0x0], $0xffff;
	v4 =	vnsel vm1, $0x9C40, v4;
	v3 =	vmul.f32 v3, v2  }
0x1fb: {  	s25 =	simm.s32 $0x140;
	v37 =	vnsel vm3, $0x9C40, v5;
	vm0 =	veq.s32 v21, $0x0;
	vm8 =	veq.s32 v27, $0x0;
	v25 =	vld.idx.msk [tilespmem:v26+s17+$0x0], $0xffff  }
0x1fc: {  	s23 =	sand.u32 $0x7FE0, s25;
	v27 =	vadd.s32 $0xFFFFFFFF, v26;
	v22 =	vnsel vm2, $0x9C40, v22;
	v20 =	vadd.f32 v3, v11;
	v11 =	vld.idx.msk [tilespmem:v32+s17+$0x0], $0xffff  }
0x1fd: {  	v21 =	vadd.s32 $0x1, v32;
	v27 =	vnsel vm8, $0x9C40, v27;
	v3 =	vadd.s32 $0x1, v26;
	v26 =	vld [tilespmem:s23+$0x80]  }
0x1fe: {  	v15 =	vnsel vm4, $0x9C40, v15;
	v59 =	vnsel vm5, $0x9C40, v9;
	v23 =	vld.idx.msk [tilespmem:v23+s17+$0x0], $0xffff;
	v57 =	vnsel vm9, $0x9C40, v3  }
0x1ff: {  	v58 =	vnsel vm10, $0x9C40, v7;
	v7 =	vmul.f32 v13, v1;
	v17 =	vadd.f32 v30, v17;
	v38 =	vld.idx.msk [tilespmem:v4+s17+$0x0], $0xffff  }
0x200: {  	v14 =	vld.idx.msk [tilespmem:v14+s17+$0x0], $0xffff;
	v21 =	vnsel vm0, $0x9C40, v21;
	v12 =	vmul.f32 v12, v1;
	v6 =	vmul.f32 v25, v1  }
0x201: {  	v18 =	vadd.f32 v8, v18;
	v5 =	vmul.f32 v24, v1;
	v13 =	vld.idx.msk [tilespmem:v22+s17+$0x0], $0xffff;
	v17 =	vmul.f32 v17, v2  }
0x202: {  	v22 =	vld.idx.msk [tilespmem:v27+s17+$0x0], $0xffff;
	v3 =	vmul.f32 v11, v1;
	v9 =	vand.u32 $0xFFFF, v26;
	v11 =	vand.u32 $0x10000, v26  }
0x203: {  	v24 =	vand.u32 $0x20000, v26;
	v26 =	vadd.f32 v17, v12;
	v25 =	vld.idx.msk [tilespmem:v57+s17+$0x0], $0xffff;
	vm0 =	veq.s32 v11, $0x0  }
0x204: {  	v11 =	vadd.s32 $0xFFFFFFFF, v9;
	vm1 =	veq.s32 v24, $0x0;
	v24 =	vld [tilespmem:s26+$0x40];
	v17 =	vadd.f32 v38, v23  }
0x205: {  	v18 =	vmul.f32 v18, v2;
	v12 =	vnsel vm0, $0x9C40, v11;
	v11 =	vadd.s32 $0x1, v9  }
0x206: {  	v41 =	vld [tilespmem:s26+$0x20];
	v23 =	vadd.f32 v10, v19;
	v14 =	vadd.f32 v14, v13;
	v10 =	vmul.f32 v17, v2  }
0x207: {  	v8 =	vld.idx.msk [tilespmem:v58+s17+$0x0], $0xffff;
	v28 =	vnsel vm6, $0x9C40, v28;
	v19 =	vmul.f32 v31, v1;
	v13 =	vnsel vm1, $0x9C40, v11  }
0x208: {  	v27 =	vld [tilespmem:s26+$0xFFFFFFC0];
	v39 =	vadd.f32 v10, v35;
	v10 =	vmul.f32 v14, v2;
	v11 =	vadd.f32 v25, v22  }
0x209: {  	[tilespmem:s22+$0xFFFFFFB0] =	vst v26;
	v26 =	vld.idx.msk [tilespmem:v54+s17+$0x0], $0xffff;
	v25 =	vadd.f32 v18, v19;
	v18 =	vand.u32 $0xFFFF, v24;
	v14 =	vand.u32 $0x10000, v24  }
0x20a: {  	v17 =	vld [tilespmem:s26+$0xFFFFFFB0];
	v24 =	vand.u32 $0x20000, v24;
	vm0 =	veq.s32 v14, $0x0;
	v14 =	vadd.s32 $0xFFFFFFFF, v18  }
0x20b: {  	v22 =	vld [tilespmem:s26+$0xFFFFFFD0];
	v30 =	vnsel vm0, $0x9C40, v14;
	vm0 =	veq.s32 v24, $0x0;
	v14 =	vadd.s32 $0x1, v18  }
0x20c: {  	v50 =	vand.u32 $0x20000, v29;
	v29 =	vand.u32 $0x10000, v41;
	v19 =	vld [tilespmem:s26+$0xFFFFFFE0];
	v61 =	vnsel vm0, $0x9C40, v14  }
0x20d: {  	vm8 =	veq.s32 v48, $0x0;
	vm9 =	veq.s32 v50, $0x0;
	v4 =	vmul.f32 v36, v1;
	v24 =	vld [tilespmem:s26+$0x0]  }
0x20e: {  	v60 =	vand.u32 $0xFFFF, v27;
	v40 =	vand.u32 $0x10000, v27;
	v27 =	vand.u32 $0x20000, v27;
	v14 =	vld.idx.msk [tilespmem:v15+s17+$0x0], $0xffff  }
0x20f: {  	v38 =	vadd.s32 $0xFFFFFFFF, v47;
	vm2 =	veq.s32 v40, $0x0;
	vm3 =	veq.s32 v27, $0x0;
	v15 =	vld.idx.msk [tilespmem:v28+s17+$0x0], $0xffff  }
0x210: {  	[tilespmem:s22+$0xFFFFFFD0] =	vst v39;
	v39 =	vadd.s32 $0x1, v47;
	v32 =	vand.u32 $0xFFFF, v17;
	v31 =	vand.u32 $0x10000, v17;
	v49 =	vld.idx.msk [tilespmem:v30+s17+$0x0], $0xffff  }
0x211: {  	v63 =	vand.u32 $0x20000, v17;
	v28 =	vand.u32 $0xFFFF, v41;
	vm0 =	veq.s32 v31, $0x0;
	v33 =	vld.idx.msk [tilespmem:v61+s17+$0x0], $0xffff  }
0x212: {  	[tilespmem:s22+$0xFFFFFFC0] =	vst v23;
	v23 =	vld.idx.msk [tilespmem:v47+s17+$0x0], $0xffff;
	vm1 =	veq.s32 v63, $0x0;
	v31 =	vadd.s32 $0xFFFFFFFF, v32;
	v27 =	vadd.s32 $0x1, v32  }
0x213: {  	v51 =	vand.u32 $0xFFFF, v24;
	v52 =	vand.u32 $0x10000, v24;
	v53 =	vand.u32 $0x20000, v24;
	v24 =	vld.idx.msk [tilespmem:v18+s17+$0x0], $0xffff  }
0x214: {  	[tilespmem:s24+$0x9D80] =	vst v16;
	v16 =	vld.idx.msk [tilespmem:v60+s17+$0x0], $0xffff;
	v42 =	vand.u32 $0xFFFF, v22;
	v43 =	vand.u32 $0x10000, v22;
	v22 =	vand.u32 $0x20000, v22  }
0x215: {  	v17 =	vld.idx.msk [tilespmem:v59+s17+$0x0], $0xffff;
	v44 =	vand.u32 $0xFFFF, v19;
	v45 =	vand.u32 $0x10000, v19;
	v46 =	vand.u32 $0x20000, v19  }
0x216: {  	v19 =	vld.idx.msk [tilespmem:v21+s17+$0x0], $0xffff;
	vm4 =	veq.s32 v43, $0x0;
	vm5 =	veq.s32 v22, $0x0;
	v61 =	vadd.f32 v33, v49  }
0x217: {  	v34 =	vadd.s32 $0xFFFFFFFF, v42;
	vm6 =	veq.s32 v45, $0x0;
	v35 =	vadd.s32 $0x1, v42;
	v18 =	vld.idx.msk [tilespmem:v37+s17+$0x0], $0xffff  }
0x218: {  	vm7 =	veq.s32 v46, $0x0;
	v21 =	vld.idx.msk [tilespmem:v32+s17+$0x0], $0xffff;
	v24 =	vmul.f32 v24, v1;
	v62 =	vmul.f32 v61, v2  }
0x219: {  	[tilespmem:s31+$0x9D80] =	vst v25;
	v36 =	vadd.s32 $0xFFFFFFFF, v44;
	v43 =	vadd.s32 $0x1, v54;
	v30 =	vand.u32 $0x20000, v41;
	v25 =	vld.idx.msk [tilespmem:v28+s17+$0x0], $0xffff  }
0x21a: {  	[tilespmem:s22+$0x40] =	vst v20;
	v37 =	vadd.s32 $0x1, v44;
	v32 =	vadd.s32 $0xFFFFFFFF, v60;
	v20 =	vld.idx.msk [tilespmem:v42+s17+$0x0], $0xffff;
	v63 =	vadd.f32 v62, v24  }
0x21b: {  	s24 =	simm.s32 $0x9DF0;
	vm10 =	veq.s32 v52, $0x0;
	v40 =	vadd.s32 $0xFFFFFFFF, v51;
	vm11 =	veq.s32 v53, $0x0;
	v22 =	vld.idx.msk [tilespmem:v44+s17+$0x0], $0xffff  }
0x21c: {  	v41 =	vadd.s32 $0x1, v51;
	v42 =	vadd.s32 $0xFFFFFFFF, v54;
	v33 =	vadd.s32 $0x1, v60;
	v24 =	vld.idx.msk [tilespmem:v51+s17+$0x0], $0xffff;
	[tilespmem:s24+$0x40] =	vst v63  }
.LBB2_12:
0x21d: {  	s25 =	sadd.s32 $0xA0, s25;
	vm14 =	veq.s32 v29, $0x0;
	v29 =	vadd.s32 $0xFFFFFFFF, v28;
	vm15 =	veq.s32 v30, $0x0  }
0x21e: {  	v30 =	vnsel vm0, $0x9C40, v31;
	v31 =	vnsel vm1, $0x9C40, v27;
	v27 =	vadd.s32 $0x1, v28;
	s28 =	sand.u32 $0x7FE0, s25;
	p0 =	slt.u32 s25, $0x4D80  }
0x21f: {  	v32 =	vnsel vm2, $0x9C40, v32;
	v33 =	vnsel vm3, $0x9C40, v33;
	v34 =	vnsel vm4, $0x9C40, v34;
	v44 =	vld [tilespmem:s28+$0x80]  }
0x220: {  	v45 =	vld.idx.msk [tilespmem:v9+s17+$0x0], $0xffff;
	v9 =	vnsel vm5, $0x9C40, v35;
	v35 =	vnsel vm6, $0x9C40, v36;
	v36 =	vnsel vm7, $0x9C40, v37  }
0x221: {  	v37 =	vld.idx.msk [tilespmem:v12+s17+$0x0], $0xffff;
	v12 =	vnsel vm8, $0x9C40, v38;
	v38 =	vnsel vm9, $0x9C40, v39;
	v39 =	vnsel vm10, $0x9C40, v40  }
0x222: {  	v40 =	vnsel vm11, $0x9C40, v41;
	v41 =	vnsel vm12, $0x9C40, v42;
	v42 =	vnsel vm13, $0x9C40, v43;
	v13 =	vld.idx.msk [tilespmem:v13+s17+$0x0], $0xffff  }
0x223: {  	v8 =	vadd.f32 v14, v8;
	v28 =	vnsel vm14, $0x9C40, v29;
	v27 =	vnsel vm15, $0x9C40, v27;
	v30 =	vld.idx.msk [tilespmem:v30+s17+$0x0], $0xffff  }
0x224: {  	v11 =	vmul.f32 v11, v2;
	v15 =	vadd.f32 v17, v15;
	v17 =	vadd.f32 v19, v18;
	v14 =	vld.idx.msk [tilespmem:v31+s17+$0x0], $0xffff  }
0x225: {  	v18 =	vmul.f32 v21, v1;
	v10 =	vadd.f32 v10, v7;
	v7 =	vmul.f32 v8, v2;
	v19 =	vld.idx.msk [tilespmem:v32+s17+$0x0], $0xffff  }
0x226: {  	v11 =	vadd.f32 v11, v6;
	v15 =	vmul.f32 v15, v2;
	v17 =	vmul.f32 v17, v2;
	v8 =	vld.idx.msk [tilespmem:v33+s17+$0x0], $0xffff  }
0x227: {  	v16 =	vmul.f32 v16, v1;
	v20 =	vmul.f32 v20, v1;
	v29 =	vadd.f32 v7, v5;
	v21 =	vld.idx.msk [tilespmem:v34+s17+$0x0], $0xffff  }
0x228: {  	v6 =	vmul.f32 v23, v1;
	v7 =	vmul.f32 v22, v1;
	v15 =	vadd.f32 v15, v4;
	v31 =	vld.idx.msk [tilespmem:v9+s17+$0x0], $0xffff  }
0x229: {  	v5 =	vmul.f32 v24, v1;
	v4 =	vmul.f32 v26, v1;
	v17 =	vadd.f32 v17, v3;
	v22 =	vld.idx.msk [tilespmem:v35+s17+$0x0], $0xffff  }
0x22a: {  	v3 =	vmul.f32 v25, v1;
	v14 =	vadd.f32 v14, v30;
	v23 =	vld.idx.msk [tilespmem:v36+s17+$0x0], $0xffff;
	[tilespmem:s22+$0xFFFFFFE0] =	vst v10  }
0x22b: {  	v9 =	vand.u32 $0xFFFF, v44;
	v10 =	vand.u32 $0x10000, v44;
	v24 =	vld.idx.msk [tilespmem:v12+s17+$0x0], $0xffff;
	[tilespmem:s22+$0xFFFFFFF0] =	vst v11  }
0x22c: {  	v11 =	vand.u32 $0x20000, v44;
	v12 =	vmul.f32 v14, v2;
	v14 =	vadd.f32 v8, v19;
	v19 =	vld.idx.msk [tilespmem:v38+s17+$0x0], $0xffff;
	[tilespmem:s22+$0x0] =	vst v29  }
0x22d: {  	s26 =	sadd.s32 $0xA0, s26;
	vm0 =	veq.s32 v10, $0x0;
	v10 =	vadd.s32 $0xFFFFFFFF, v9;
	vm1 =	veq.s32 v11, $0x0;
	v8 =	vld.idx.msk [tilespmem:v39+s17+$0x0], $0xffff;
	[tilespmem:s22+$0x10] =	vst v15  }
0x22e: {  	v11 =	vadd.f32 v12, v18;
	v14 =	vmul.f32 v14, v2;
	v18 =	vadd.f32 v31, v21;
	v15 =	vld [tilespmem:s26+$0x40];
	[tilespmem:s22+$0x20] =	vst v17;
	s22 =	smov.u32 s24  }
0x22f: {  	v12 =	vnsel vm0, $0x9C40, v10;
	v10 =	vadd.s32 $0x1, v9;
	v21 =	vadd.f32 v13, v37;
	v17 =	vld [tilespmem:s26+$0xFFFFFFB0]  }
0x230: {  	v25 =	vld [tilespmem:s26+$0xFFFFFFC0];
	[tilespmem:s24+$0xFFFFFFB0] =	vst v11;
	v11 =	vadd.f32 v14, v16;
	v14 =	vmul.f32 v18, v2;
	v16 =	vadd.f32 v23, v22  }
0x231: {  	v13 =	vnsel vm1, $0x9C40, v10;
	v21 =	vmul.f32 v21, v2;
	v22 =	vmul.f32 v45, v1;
	v18 =	vld [tilespmem:s26+$0xFFFFFFD0]  }
0x232: {  	v23 =	vld [tilespmem:s26+$0xFFFFFFE0];
	[tilespmem:s24+$0xFFFFFFC0] =	vst v11;
	v14 =	vadd.f32 v14, v20;
	v10 =	vmul.f32 v16, v2;
	v11 =	vadd.f32 v19, v24  }
0x233: {  	v43 =	vadd.f32 v21, v22;
	v16 =	vld [tilespmem:s26+$0xFFFFFFF0];
	v19 =	vand.u32 $0xFFFF, v15;
	v20 =	vand.u32 $0x10000, v15  }
0x234: {  	v15 =	vand.u32 $0x20000, v15;
	v21 =	vld [tilespmem:s26+$0x0];
	vm0 =	veq.s32 v20, $0x0;
	v20 =	vadd.s32 $0xFFFFFFFF, v19;
	[tilespmem:s24+$0xFFFFFFD0] =	vst v14  }
0x235: {  	v14 =	vadd.s32 $0x1, v19;
	v22 =	vld [tilespmem:s26+$0x10];
	v20 =	vnsel vm0, $0x9C40, v20;
	vm0 =	veq.s32 v15, $0x0  }
0x236: {  	v24 =	vand.u32 $0xFFFF, v17;
	v26 =	vand.u32 $0x10000, v17;
	v30 =	vld [tilespmem:s26+$0x20];
	v29 =	vnsel vm0, $0x9C40, v14  }
0x237: {  	v32 =	vand.u32 $0x20000, v17;
	v34 =	vand.u32 $0xFFFF, v25;
	v33 =	vand.u32 $0x10000, v25;
	v14 =	vld.idx.msk [tilespmem:v40+s17+$0x0], $0xffff  }
0x238: {  	v25 =	vand.u32 $0x20000, v25;
	v35 =	vand.u32 $0xFFFF, v18;
	v36 =	vand.u32 $0x10000, v18;
	v15 =	vld.idx.msk [tilespmem:v41+s17+$0x0], $0xffff  }
0x239: {  	v37 =	vand.u32 $0x20000, v18;
	v38 =	vand.u32 $0xFFFF, v23;
	v39 =	vand.u32 $0x10000, v23;
	v17 =	vld.idx.msk [tilespmem:v42+s17+$0x0], $0xffff  }
0x23a: {  	v40 =	vand.u32 $0x20000, v23;
	v41 =	vand.u32 $0xFFFF, v16;
	v42 =	vand.u32 $0x10000, v16;
	v23 =	vld.idx.msk [tilespmem:v20+s17+$0x0], $0xffff  }
0x23b: {  	v44 =	vand.u32 $0x20000, v16;
	v45 =	vand.u32 $0xFFFF, v21;
	v46 =	vand.u32 $0x10000, v21;
	v47 =	vld.idx.msk [tilespmem:v29+s17+$0x0], $0xffff  }
0x23c: {  	v48 =	vand.u32 $0x20000, v21;
	v49 =	vand.u32 $0xFFFF, v22;
	v50 =	vand.u32 $0x10000, v22;
	v18 =	vld.idx.msk [tilespmem:v28+s17+$0x0], $0xffff  }
0x23d: {  	v51 =	vand.u32 $0x20000, v22;
	v29 =	vand.u32 $0x10000, v30;
	v28 =	vand.u32 $0xFFFF, v30;
	v52 =	vld.idx.msk [tilespmem:v19+s17+$0x0], $0xffff  }
0x23e: {  	v31 =	vadd.s32 $0xFFFFFFFF, v24;
	vm0 =	veq.s32 v26, $0x0;
	v30 =	vand.u32 $0x20000, v30;
	v19 =	vld.idx.msk [tilespmem:v27+s17+$0x0], $0xffff  }
0x23f: {  	vm1 =	veq.s32 v32, $0x0;
	vm2 =	veq.s32 v33, $0x0;
	v27 =	vadd.s32 $0x1, v24;
	v21 =	vld.idx.msk [tilespmem:v24+s17+$0x0], $0xffff  }
0x240: {  	v32 =	vadd.s32 $0xFFFFFFFF, v34;
	vm3 =	veq.s32 v25, $0x0;
	v33 =	vadd.s32 $0x1, v34;
	v16 =	vld.idx.msk [tilespmem:v34+s17+$0x0], $0xffff  }
0x241: {  	vm4 =	veq.s32 v36, $0x0;
	v34 =	vadd.s32 $0xFFFFFFFF, v35;
	v24 =	vadd.f32 v47, v23;
	v20 =	vld.idx.msk [tilespmem:v35+s17+$0x0], $0xffff  }
0x242: {  	vm5 =	veq.s32 v37, $0x0;
	vm6 =	veq.s32 v39, $0x0;
	v35 =	vadd.s32 $0x1, v35;
	v22 =	vld.idx.msk [tilespmem:v38+s17+$0x0], $0xffff  }
0x243: {  	v36 =	vadd.s32 $0xFFFFFFFF, v38;
	v25 =	vmul.f32 v52, v1;
	v39 =	vmul.f32 v24, v2;
	v23 =	vld.idx.msk [tilespmem:v41+s17+$0x0], $0xffff  }
.Ltmp5:
0x244: {  	vm7 =	veq.s32 v40, $0x0;
	v37 =	vadd.s32 $0x1, v38;
	vm8 =	veq.s32 v42, $0x0;
	v24 =	vld.idx.msk [tilespmem:v45+s17+$0x0], $0xffff;
	(pc) =	sbr.rel @p0 .LBB2_12-.Ltmp5, $4  }
0x245: {  	vm9 =	veq.s32 v44, $0x0;
	v38 =	vadd.s32 $0xFFFFFFFF, v41;
	v42 =	vadd.f32 v39, v25;
	v26 =	vld.idx.msk [tilespmem:v49+s17+$0x0], $0xffff  }
0x246: {  	s24 =	sadd.s32 $0xA0, s24;
	vm10 =	veq.s32 v46, $0x0;
	v40 =	vadd.s32 $0xFFFFFFFF, v45;
	v39 =	vadd.s32 $0x1, v41;
	v25 =	vld.idx.msk [tilespmem:v28+s17+$0x0], $0xffff;
	[tilespmem:s23+$0x9D80] =	vst v43;
	s23 =	smov.u32 s28  }
0x247: {  	vm11 =	veq.s32 v48, $0x0;
	vm12 =	veq.s32 v50, $0x0;
	v41 =	vadd.s32 $0x1, v45;
	[tilespmem:s24+$0x40] =	vst v42  }
0x248: {  	vm13 =	veq.s32 v51, $0x0;
	v43 =	vadd.s32 $0x1, v49;
	v42 =	vadd.s32 $0xFFFFFFFF, v49  }
0x249: {  	_ =	sdelay $0x3  }
0x24a: {  	v9 =	vld.idx.msk [tilespmem:v9+s17+$0x0], $0xffff  }
0x24b: {  	v12 =	vld.idx.msk [tilespmem:v12+s17+$0x0], $0xffff  }
0x24c: {  	v31 =	vnsel vm0, $0x9C40, v31;
	v13 =	vld.idx.msk [tilespmem:v13+s17+$0x0], $0xffff;
	s25 =	sadd.s32 $0xA0, s26  }
0x24d: {  	v27 =	vnsel vm1, $0x9C40, v27;
	v32 =	vnsel vm2, $0x9C40, v32;
	v50 =	vnsel vm7, $0x9C40, v37;
	v37 =	vld [tilespmem:s25+$0x40]  }
0x24e: {  	vm14 =	veq.s32 v29, $0x0;
	v63 =	vnsel vm3, $0x9C40, v33;
	v51 =	vnsel vm8, $0x9C40, v38;
	v38 =	vld [tilespmem:s25+$0xFFFFFFB0]  }
0x24f: {  	v45 =	vadd.s32 $0xFFFFFFFF, v28;
	v55 =	vnsel vm12, $0x9C40, v42;
	v42 =	vnsel vm13, $0x9C40, v43;
	v43 =	vld [tilespmem:s25+$0xFFFFFFC0]  }
0x250: {  	vm15 =	veq.s32 v30, $0x0;
	v47 =	vadd.s32 $0x1, v28;
	v33 =	vnsel vm14, $0x9C40, v45;
	v45 =	vld [tilespmem:s25+$0xFFFFFFD0]  }
0x251: {  	v46 =	vnsel vm4, $0x9C40, v34;
	v57 =	vadd.f32 v19, v18;
	v19 =	vnsel vm15, $0x9C40, v47;
	v47 =	vld [tilespmem:s25+$0xFFFFFFE0]  }
0x252: {  	v48 =	vnsel vm5, $0x9C40, v35;
	v31 =	vld.idx.msk [tilespmem:v31+s17+$0x0], $0xffff  }
0x253: {  	v49 =	vnsel vm6, $0x9C40, v36;
	v52 =	vnsel vm9, $0x9C40, v39;
	v53 =	vnsel vm10, $0x9C40, v40;
	v27 =	vld.idx.msk [tilespmem:v27+s17+$0x0], $0xffff  }
0x254: {  	v8 =	vadd.f32 v14, v8;
	v11 =	vmul.f32 v11, v2;
	v21 =	vmul.f32 v21, v1;
	v32 =	vld.idx.msk [tilespmem:v32+s17+$0x0], $0xffff  }
0x255: {  	v15 =	vadd.f32 v17, v15;
	v16 =	vmul.f32 v16, v1;
	v20 =	vmul.f32 v20, v1;
	v56 =	vld.idx.msk [tilespmem:v63+s17+$0x0], $0xffff  }
0x256: {  	v10 =	vadd.f32 v10, v7;
	v7 =	vmul.f32 v22, v1;
	v8 =	vmul.f32 v8, v2;
	v58 =	vld.idx.msk [tilespmem:v46+s17+$0x0], $0xffff  }
0x257: {  	v54 =	vnsel vm11, $0x9C40, v41;
	v15 =	vmul.f32 v15, v2;
	v17 =	vmul.f32 v57, v2;
	v59 =	vld.idx.msk [tilespmem:v48+s17+$0x0], $0xffff  }
0x258: {  	v11 =	vadd.f32 v11, v6;
	v6 =	vmul.f32 v26, v1;
	v34 =	vadd.f32 v8, v5;
	v60 =	vld.idx.msk [tilespmem:v49+s17+$0x0], $0xffff  }
0x259: {  	v5 =	vmul.f32 v23, v1;
	v15 =	vadd.f32 v15, v4;
	v4 =	vmul.f32 v24, v1;
	v61 =	vld.idx.msk [tilespmem:v50+s17+$0x0], $0xffff  }
0x25a: {  	v17 =	vadd.f32 v17, v3;
	v3 =	vmul.f32 v25, v1;
	v63 =	vld.idx.msk [tilespmem:v51+s17+$0x0], $0xffff;
	v12 =	vadd.f32 v13, v12  }
0x25b: {  	v35 =	vld.idx.msk [tilespmem:v52+s17+$0x0], $0xffff;
	v46 =	vmul.f32 v9, v1;
	v57 =	vand.u32 $0x10000, v37;
	v48 =	vand.u32 $0xFFFF, v38  }
0x25c: {  	v8 =	vld.idx.msk [tilespmem:v53+s17+$0x0], $0xffff;
	v49 =	vand.u32 $0x10000, v38;
	v24 =	vand.u32 $0x20000, v38;
	v51 =	vand.u32 $0xFFFF, v43  }
0x25d: {  	v50 =	vld [tilespmem:s25+$0x20];
	v52 =	vand.u32 $0x10000, v43;
	v53 =	vand.u32 $0xFFFF, v45;
	v12 =	vmul.f32 v12, v2  }
0x25e: {  	v40 =	vld.idx.msk [tilespmem:v55+s17+$0x0], $0xffff;
	v25 =	vand.u32 $0x20000, v45;
	v55 =	vand.u32 $0xFFFF, v47;
	vm12 =	veq.s32 v57, $0x0  }
0x25f: {  	v33 =	vld.idx.msk [tilespmem:v33+s17+$0x0], $0xffff;
	vm14 =	veq.s32 v49, $0x0;
	vm15 =	veq.s32 v24, $0x0;
	v12 =	vadd.f32 v12, v46  }
0x260: {  	v19 =	vld.idx.msk [tilespmem:v19+s17+$0x0], $0xffff;
	vm6 =	veq.s32 v52, $0x0;
	v62 =	vadd.f32 v27, v31;
	v14 =	vadd.f32 v56, v32  }
0x261: {  	vm10 =	veq.s32 v25, $0x0;
	v18 =	vadd.f32 v59, v58;
	v44 =	vadd.f32 v61, v60  }
0x262: {  	v27 =	vand.u32 $0x20000, v37;
	v22 =	vadd.f32 v35, v63;
	v56 =	vand.u32 $0x10000, v47  }
0x263: {  	v35 =	vadd.s32 $0x1, v51;
	v32 =	vand.u32 $0x20000, v50;
	vm13 =	veq.s32 v27, $0x0  }
0x264: {  	v27 =	vadd.s32 $0x1, v48;
	vm7 =	veq.s32 v56, $0x0;
	v36 =	vmul.f32 v62, v2  }
0x265: {  	v58 =	vld [tilespmem:s25+$0xFFFFFFF0];
	v19 =	vadd.f32 v19, v33;
	v14 =	vmul.f32 v14, v2;
	v39 =	vmul.f32 v18, v2  }
0x266: {  	v60 =	vld [tilespmem:s25+$0x0];
	v9 =	vmul.f32 v44, v2;
	v18 =	vand.u32 $0x20000, v43;
	v27 =	vnsel vm15, $0x9C40, v27  }
0x267: {  	v42 =	vld.idx.msk [tilespmem:v42+s17+$0x0], $0xffff;
	v22 =	vmul.f32 v22, v2;
	v21 =	vadd.f32 v36, v21;
	v14 =	vadd.f32 v14, v16  }
0x268: {  	v13 =	vadd.f32 v39, v20;
	v16 =	vand.u32 $0xFFFF, v37;
	v37 =	vld.idx.msk [tilespmem:v54+s17+$0x0], $0xffff;
	v54 =	vand.u32 $0x10000, v45  }
0x269: {  	v25 =	vld.idx.msk [tilespmem:v51+s17+$0x0], $0xffff;
	v20 =	vand.u32 $0x20000, v47;
	v59 =	vadd.s32 $0xFFFFFFFF, v16;
	v61 =	vadd.s32 $0x1, v16  }
0x26a: {  	v62 =	vld [tilespmem:s25+$0x10];
	v44 =	vand.u32 $0xFFFF, v58;
	v45 =	vand.u32 $0x10000, v58;
	v29 =	vand.u32 $0x20000, v58  }
0x26b: {  	v46 =	vand.u32 $0xFFFF, v60;
	v58 =	vand.u32 $0xFFFF, v50;
	vm5 =	veq.s32 v20, $0x0;
	v20 =	vld.idx.msk [tilespmem:v53+s17+$0x0], $0xffff  }
0x26c: {  	v47 =	vand.u32 $0x10000, v60;
	v28 =	vnsel vm12, $0x9C40, v59;
	vm1 =	veq.s32 v45, $0x0;
	v45 =	vld.idx.msk [tilespmem:v55+s17+$0x0], $0xffff  }
0x26d: {  	v30 =	vand.u32 $0x20000, v60;
	v60 =	vadd.s32 $0xFFFFFFFF, v48;
	v63 =	vnsel vm13, $0x9C40, v61;
	v27 =	vld.idx.msk [tilespmem:v27+s17+$0x0], $0xffff  }
0x26e: {  	vm12 =	veq.s32 v18, $0x0;
	v59 =	vand.u32 $0x10000, v50;
	v39 =	vnsel vm14, $0x9C40, v60;
	v16 =	vld.idx.msk [tilespmem:v16+s17+$0x0], $0xffff  }
0x26f: {  	v61 =	vadd.s32 $0xFFFFFFFF, v51;
	vm14 =	veq.s32 v29, $0x0;
	v31 =	vand.u32 $0xFFFF, v62;
	v29 =	vld.idx.msk [tilespmem:v44+s17+$0x0], $0xffff  }
0x270: {  	vm13 =	veq.s32 v54, $0x0;
	vm15 =	veq.s32 v47, $0x0;
	v43 =	vnsel vm6, $0x9C40, v61;
	v24 =	vld.idx.msk [tilespmem:v58+s17+$0x0], $0xffff  }
0x271: {  	vm11 =	veq.s32 v30, $0x0;
	v50 =	vadd.s32 $0x1, v55;
	v35 =	vnsel vm12, $0x9C40, v35;
	v28 =	vld.idx.msk [tilespmem:v28+s17+$0x0], $0xffff  }
0x272: {  	[tilespmem:s22+$0x0] =	vst v34;
	v51 =	vadd.s32 $0xFFFFFFFF, v44;
	v57 =	vand.u32 $0x10000, v62;
	v34 =	vnsel vm5, $0x9C40, v50;
	v26 =	vld.idx.msk [tilespmem:v63+s17+$0x0], $0xffff  }
0x273: {  	[tilespmem:s22+$0x10] =	vst v15;
	v23 =	vand.u32 $0x20000, v62;
	v62 =	vadd.s32 $0xFFFFFFFF, v53;
	v15 =	vnsel vm1, $0x9C40, v51;
	v49 =	vld.idx.msk [tilespmem:v39+s17+$0x0], $0xffff  }
0x274: {  	vm12 =	veq.s32 v57, $0x0;
	v47 =	vnsel vm13, $0x9C40, v62;
	v56 =	vadd.s32 $0xFFFFFFFF, v31;
	v30 =	vld.idx.msk [tilespmem:v31+s17+$0x0], $0xffff  }
0x275: {  	v7 =	vadd.f32 v9, v7;
	v60 =	vnsel vm12, $0x9C40, v56;
	v63 =	vadd.s32 $0x1, v53;
	v53 =	vld.idx.msk [tilespmem:v43+s17+$0x0], $0xffff  }
0x276: {  	[tilespmem:s22+$0xFFFFFFE0] =	vst v10;
	v5 =	vadd.f32 v22, v5;
	v52 =	vadd.s32 $0x1, v44;
	v54 =	vadd.s32 $0xFFFFFFFF, v46;
	v35 =	vld.idx.msk [tilespmem:v35+s17+$0x0], $0xffff  }
0x277: {  	[tilespmem:s22+$0x20] =	vst v17;
	v17 =	vnsel vm15, $0x9C40, v54;
	vm15 =	veq.s32 v32, $0x0;
	v39 =	vnsel vm14, $0x9C40, v52;
	v62 =	vld.idx.msk [tilespmem:v34+s17+$0x0], $0xffff  }
0x278: {  	[tilespmem:s22+$0xFFFFFFF0] =	vst v11;
	vm13 =	veq.s32 v23, $0x0;
	v57 =	vadd.s32 $0xFFFFFFFF, v58;
	v58 =	vadd.s32 $0x1, v58;
	v15 =	vld.idx.msk [tilespmem:v15+s17+$0x0], $0xffff  }
0x279: {  	[tilespmem:s24+$0xFFFFFFD0] =	vst v13;
	v8 =	vadd.f32 v37, v8;
	v20 =	vmul.f32 v20, v1;
	v13 =	vnsel vm15, $0x9C40, v58;
	v38 =	vld.idx.msk [tilespmem:v47+s17+$0x0], $0xffff  }
0x27a: {  	[tilespmem:s23+$0x9D80] =	vst v12;
	vm14 =	veq.s32 v59, $0x0;
	v10 =	vnsel vm10, $0x9C40, v63;
	v31 =	vadd.s32 $0x1, v31;
	v12 =	vld.idx.msk [tilespmem:v60+s17+$0x0], $0xffff  }
0x27b: {  	[tilespmem:s24+$0xFFFFFFB0] =	vst v21;
	v61 =	vnsel vm13, $0x9C40, v31;
	v26 =	vadd.f32 v26, v28;
	v28 =	vld.idx.msk [tilespmem:v48+s17+$0x0], $0xffff;
	v48 =	vadd.s32 $0xFFFFFFFF, v55  }
0x27c: {  	[tilespmem:s24+$0xFFFFFFC0] =	vst v14;
	v63 =	vadd.f32 v42, v40;
	v55 =	vadd.s32 $0x1, v46;
	v36 =	vld.idx.msk [tilespmem:v39+s17+$0x0], $0xffff;
	v11 =	vnsel vm7, $0x9C40, v48  }
0x27d: {  	[tilespmem:s24+$0xFFFFFFE0] =	vst v7;
	v8 =	vmul.f32 v8, v2;
	v40 =	vmul.f32 v19, v2;
	v39 =	vld.idx.msk [tilespmem:v17+s17+$0x0], $0xffff;
	v59 =	vnsel vm11, $0x9C40, v55  }
0x27e: {  	[tilespmem:s24+$0xFFFFFFF0] =	vst v5;
	v14 =	vnsel vm14, $0x9C40, v57;
	v42 =	vmul.f32 v25, v1;
	v37 =	vmul.f32 v63, v2;
	v50 =	vld.idx.msk [tilespmem:v13+s17+$0x0], $0xffff  }
0x27f: {  	v43 =	vmul.f32 v45, v1;
	v4 =	vadd.f32 v8, v4;
	v16 =	vmul.f32 v16, v1;
	v10 =	vld.idx.msk [tilespmem:v10+s17+$0x0], $0xffff  }
0x280: {  	v3 =	vadd.f32 v40, v3;
	v44 =	vmul.f32 v29, v1;
	v6 =	vadd.f32 v37, v6;
	v21 =	vld.idx.msk [tilespmem:v61+s17+$0x0], $0xffff  }
0x281: {  	[tilespmem:s24+$0x0] =	vst v4;
	v45 =	vadd.f32 v27, v49;
	v47 =	vadd.f32 v35, v53;
	v11 =	vld.idx.msk [tilespmem:v11+s17+$0x0], $0xffff  }
0x282: {  	[tilespmem:s24+$0x20] =	vst v3;
	v60 =	vmul.f32 v30, v1;
	v26 =	vmul.f32 v26, v2;
	v18 =	vld.idx.msk [tilespmem:v59+s17+$0x0], $0xffff  }
0x283: {  	v14 =	vld.idx.msk [tilespmem:v14+s17+$0x0], $0xffff;
	v48 =	vmul.f32 v45, v2;
	v51 =	vmul.f32 v47, v2;
	v54 =	vadd.f32 v36, v15  }
0x284: {  	v16 =	vadd.f32 v26, v16;
	v26 =	vld.idx.msk [tilespmem:v46+s17+$0x0], $0xffff;
	v28 =	vmul.f32 v28, v1;
	v49 =	vadd.f32 v10, v38  }
0x285: {  	s31 =	sadd.s32 $0xA0, s24;
	[tilespmem:s24+$0x10] =	vst v6;
	v3 =	vadd.f32 v51, v42;
	v58 =	vmul.f32 v54, v2;
	v59 =	vadd.f32 v21, v12  }
0x286: {  	[tilespmem:s31+$0x40] =	vst v16;
	v5 =	vadd.f32 v48, v28;
	v53 =	vmul.f32 v49, v2;
	v52 =	vadd.f32 v62, v11  }
0x287: {  	[tilespmem:s31+$0xFFFFFFC0] =	vst v3;
	v61 =	vadd.f32 v58, v44;
	v56 =	vadd.f32 v18, v39;
	v62 =	vmul.f32 v59, v2  }
0x288: {  	v3 =	vadd.f32 v50, v14;
	[tilespmem:s31+$0xFFFFFFB0] =	vst v5;
	v57 =	vadd.f32 v53, v20;
	v55 =	vmul.f32 v52, v2  }
0x289: {  	v46 =	vmul.f32 v26, v1;
	[tilespmem:s31+$0xFFFFFFF0] =	vst v61;
	v7 =	vmul.f32 v56, v2;
	v63 =	vadd.f32 v62, v60  }
0x28a: {  	v1 =	vmul.f32 v24, v1;
	[tilespmem:s31+$0xFFFFFFD0] =	vst v57;
	v2 =	vmul.f32 v3, v2;
	v4 =	vadd.f32 v55, v43  }
0x28b: {  	v3 =	vadd.f32 v7, v46;
	[tilespmem:s31+$0x10] =	vst v63  }
0x28c: {  	v1 =	vadd.f32 v2, v1;
	[tilespmem:s31+$0xFFFFFFE0] =	vst v4  }
0x28d: {  	[tilespmem:s31+$0x0] =	vst v3  }
0x28e: {  	s21 =	sadd.s32 $0x1, s21;
	[tilespmem:s31+$0x20] =	vst v1  }
0x28f: {  	[hbm4b:s8+s10] =	stream.strided.scatter [tilespmem:s16], [sflag:$0x4], $0x4E80, s11, s10, $0x38;
	[tilespmem:$0x18900] =	vst v63  }
0x290: {  	p0 =	sne.s32 s21, s9;
	_ =	swait.ge [sflag:s19], $0x4E80  }
.Ltmp6:
0x291: {  	[sflag:s19] =	ssyncset.done $0x0;
	(pc) =	sbr.rel @p0 .LBB2_1-.Ltmp6, $4  }
0x292: {  	[sflag:s19] =	ssyncadd.s32 $0xFFFFB180  }
0x293: {  	_ =	swait.ge [sflag:s20], $0x4E80  }
0x294: {  	[sflag:s20] =	ssyncset.done $0x0  }
0x295: {  	[sflag:s20] =	ssyncadd.s32 $0xFFFFB180  }
0x296: {  	_ =	sfence.sel $0x180000  }
0x297: {  	[bflag:$0x0] =	sbarrier.arrive $0xFFFF  }
0x298: {  	p0 =	sne.s32 s1, $0x0;
	_ =	strace $0x9000004A  }
0x299: {  	s0 =	sadd.s32 @!p0 $0x100000, s0;
	[bflag:$0x2] =	sbarrier.arrive $0xFFFF  }
0x29a: {  	[sflag:s0] =	ssyncadd.tile.s32 @!p0 $0x1;
	_ =	shalt  }
.Lfunc_end2:
_tile_overlayer_lowered:
.L_overlay_start_2:
0x29b: {  	(tag) =	ssettag $0x2  }
0x29c: {  	s0 =	rddreg [dreg:$0x0];
	s2 =	stileid.u32  }
0x29d: {  	s1 =	rddreg [dreg:$0x1];
	p0 =	sne.s32 s2, $0x0  }
0x29e: {  	s3 =	rddreg [dreg:$0x2];
	[bflag:$0x3] =	sbarrier.arrive $0xFFFF;
	s2 =	simm.s32 @!p0 $0x1C05  }
0x29f: {  	[timem:s3], [sflag:s2] =	dma.local @!p0 [hbm:s0], s1  }
0x2a0: {  	s0 =	simm.s32 @!p0 $0x5  }
0x2a1: {  	_ =	swait.ge @!p0 [sflag:s0], s1  }
0x2a2: {  	s1 =	ssub.s32 @!p0 $0x0, s1;
	[sflag:s0] =	ssyncset.done @!p0 $0x0  }
0x2a3: {  	[sflag:s0] =	ssyncadd.s32 @!p0 s1  }
0x2a4: {  	[bflag:$0x3] =	sbarrier.arrive $0xFFFF  }
0x2a5: {  	_ =	shalt  }

</sc_bundles>
